<compile_context>
chip_gen: v7x
topology: tpu7x:2x2x1
jax: 0.10.2.dev20260603
libtpu: 0.0.44.dev20260713+nightly
codegen_flags: <defaults>
</compile_context>

<pallas_src>
import functools

import jax
import jax.numpy as jnp
from jax import lax
from jax.experimental import pallas as pl
from jax.experimental.pallas import tpu as pltpu
from jax.experimental.pallas import tpu_sc as plsc

N = 10000
E = 320000
D = 128

NC = 2
NS = 16
NW = NC * NS
CHUNK = 128
NUM_CHUNKS = E // CHUNK
NIB = 4
NPAD = 10240
ROWS_PT = NPAD // NS
SPAN = (E // NW // CHUNK) * CHUNK
XTRA = (E - SPAN * NW) // CHUNK
EPWM = SPAN + CHUNK

BM = 2000
GRID = N // BM

_MESH = dict(core_axis_name="c", subcore_axis_name="s", num_cores=NC,
             num_subcores=NS)


def _worker_id():
    return lax.axis_index("s") * NC + lax.axis_index("c")


def _num_chunks(wid):
    return jnp.where(wid < NUM_CHUNKS % NW, NUM_CHUNKS // NW + 1,
                     NUM_CHUNKS // NW)



@functools.partial(
    pl.kernel,
    out_type=jax.ShapeDtypeStruct((NC, NPAD, D), jnp.float32),
    mesh=plsc.VectorSubcoreMesh(**_MESH),
    compiler_params=pltpu.CompilerParams(needs_layout_passes=False),
    scratch_types=[
        pltpu.VMEM((NIB, 2, CHUNK), jnp.int32),
        pltpu.VMEM((2, CHUNK, D), jnp.float32),
        pltpu.VMEM_SHARED((NPAD, D), jnp.float32),
        pltpu.SemaphoreType.DMA((NIB,)),
        pltpu.SemaphoreType.DMA((2,)),
        pltpu.SemaphoreType.DMA,
    ],
)
def _sc_agg_rows(z_hbm, ei_hbm, zeros_hbm, out_hbm,
                 ib, rows, acc_sh, isem, gsem, zsem):
    c = lax.axis_index("c")
    s = lax.axis_index("s")
    wid = _worker_id()
    row0 = s * ROWS_PT
    nch = _num_chunks(wid)

    def idx_dma(k, slot):
        base = (wid + k * NW) * CHUNK
        return pltpu.make_async_copy(
            ei_hbm.at[:, pl.ds(base, CHUNK)], ib.at[slot], isem.at[slot])

    def gather_dma(slot, b):
        return pltpu.make_async_copy(
            z_hbm.at[ib.at[slot, 0]], rows.at[b], gsem.at[b])

    zero = pltpu.make_async_copy(zeros_hbm,
                                 acc_sh.at[pl.ds(row0, ROWS_PT)], zsem)
    zero.start()

    for k in range(NIB - 1):
        idx_dma(k, k).start()
    idx_dma(0, 0).wait()
    gather_dma(0, 0).start()

    zero.wait()
    plsc.subcore_barrier()

    def body(i, carry):
        b = lax.rem(i, 2)
        sl = lax.rem(i, NIB)

        @pl.when(i + NIB - 1 < nch)
        def _():
            idx_dma(i + NIB - 1, lax.rem(i + NIB - 1, NIB)).start()

        @pl.when(i + 1 < nch)
        def _():
            sl1 = lax.rem(i + 1, NIB)
            idx_dma(i + 1, sl1).wait()
            gather_dma(sl1, 1 - b).start()

        gather_dma(sl, b).wait()
        pltpu.sync_copy(rows.at[b], acc_sh.at[ib.at[sl, 1]], add=True)
        return carry

    lax.fori_loop(0, nch, body, 0)
    plsc.subcore_barrier()
    pltpu.sync_copy(acc_sh.at[pl.ds(row0, ROWS_PT)],
                    out_hbm.at[c, pl.ds(row0, ROWS_PT)])


def _stage_reduce_store(s, c, acc, red, stage_sh, out_hbm):
    row0 = s * ROWS_PT
    pltpu.sync_copy(acc, stage_sh.at[s])
    plsc.subcore_barrier()
    pltpu.sync_copy(stage_sh.at[:, pl.ds(row0, ROWS_PT)], red)

    def rbody(j, carry):
        col = pl.ds(j * 16, 16)
        v = red[0, col]
        for t in range(1, NS):
            v = v + red[t, col]
        acc[col] = v
        return carry

    lax.fori_loop(0, ROWS_PT // 16, rbody, 0)
    pltpu.sync_copy(acc.at[pl.ds(0, ROWS_PT)],
                    out_hbm.at[c, pl.ds(row0, ROWS_PT)])


def _zero_acc(acc):
    zeros16 = jnp.zeros((16,), jnp.float32)

    def zbody(j, carry):
        acc[pl.ds(j * 16, 16)] = zeros16
        return carry

    lax.fori_loop(0, NPAD // 16, zbody, 0)


def _load_edge_span(ei_hbm, ebuf, wid):
    pltpu.sync_copy(ei_hbm.at[:, pl.ds(wid * SPAN, SPAN)],
                    ebuf.at[:, pl.ds(0, SPAN)])

    @pl.when(wid < XTRA)
    def _():
        pltpu.sync_copy(ei_hbm.at[:, pl.ds(NW * SPAN + wid * CHUNK, CHUNK)],
                        ebuf.at[:, pl.ds(SPAN, CHUNK)])

    return jnp.where(wid < XTRA, EPWM // 16, SPAN // 16)


@functools.partial(
    pl.kernel,
    out_type=jax.ShapeDtypeStruct((NC, NPAD), jnp.float32),
    mesh=plsc.VectorSubcoreMesh(**_MESH),
    compiler_params=pltpu.CompilerParams(needs_layout_passes=False),
    scratch_types=[
        pltpu.VMEM((2, EPWM), jnp.int32),
        pltpu.VMEM((NPAD,), jnp.float32),
        pltpu.VMEM((NS, ROWS_PT), jnp.float32),
        pltpu.VMEM_SHARED((NS, NPAD), jnp.float32),
    ],
)
def _sc_degree(ei_hbm, out_hbm, ebuf, acc, red, stage_sh):
    c = lax.axis_index("c")
    s = lax.axis_index("s")
    wid = _worker_id()
    nv = _load_edge_span(ei_hbm, ebuf, wid)
    _zero_acc(acc)
    ones16 = jnp.ones((16,), jnp.float32)

    def body(j, carry):
        idxv = ebuf[1, pl.ds(j * 16, 16)]
        plsc.addupdate_scatter(acc, [idxv], ones16)
        return carry

    lax.fori_loop(0, nv, body, 0)
    _stage_reduce_store(s, c, acc, red, stage_sh, out_hbm)


@functools.partial(
    pl.kernel,
    out_type=jax.ShapeDtypeStruct((NC, NPAD), jnp.float32),
    mesh=plsc.VectorSubcoreMesh(**_MESH),
    compiler_params=pltpu.CompilerParams(needs_layout_passes=False),
    scratch_types=[
        pltpu.VMEM((2, EPWM), jnp.int32),
        pltpu.VMEM((N,), jnp.float32),
        pltpu.VMEM((NPAD,), jnp.float32),
        pltpu.VMEM((NS, ROWS_PT), jnp.float32),
        pltpu.VMEM_SHARED((NS, NPAD), jnp.float32),
    ],
)
def _sc_agg_scalar(z_hbm, ei_hbm, out_hbm,
                   ebuf, zbuf, acc, red, stage_sh):
    c = lax.axis_index("c")
    s = lax.axis_index("s")
    wid = _worker_id()
    nv = _load_edge_span(ei_hbm, ebuf, wid)
    pltpu.sync_copy(z_hbm, zbuf)
    _zero_acc(acc)

    def body(j, carry):
        srcv = ebuf[0, pl.ds(j * 16, 16)]
        dstv = ebuf[1, pl.ds(j * 16, 16)]
        zv = plsc.load_gather(zbuf, [srcv])
        plsc.addupdate_scatter(acc, [dstv], zv)
        return carry

    lax.fori_loop(0, nv, body, 0)
    _stage_reduce_store(s, c, acc, red, stage_sh, out_hbm)



def _dinv_block(deg_ref):
    return lax.rsqrt(deg_ref[:, 0:1] + deg_ref[:, 1:2] + 1.0)


def _tc_first_body(x_ref, w_ref, deg_ref, out_ref):
    dinv = _dinv_block(deg_ref)
    h = jnp.dot(x_ref[...], w_ref[...], preferred_element_type=jnp.float32)
    out_ref[...] = h * dinv


def _tc_mid_body(a_ref, z_ref, deg_ref, b_ref, w_ref, out_ref):
    dinv = _dinv_block(deg_ref)
    pre = (a_ref[0] + a_ref[1] + z_ref[...]) * dinv + b_ref[...]
    h = jnp.where(pre >= 0, pre, 0.01 * pre)
    out_ref[...] = jnp.dot(h, w_ref[...],
                           preferred_element_type=jnp.float32) * dinv


_tc_first = pl.pallas_call(
    _tc_first_body,
    grid=(GRID,),
    in_specs=[
        pl.BlockSpec((BM, D), lambda i: (i, 0)),
        pl.BlockSpec((D, D), lambda i: (0, 0)),
        pl.BlockSpec((BM, NC), lambda i: (i, 0)),
    ],
    out_specs=pl.BlockSpec((BM, D), lambda i: (i, 0)),
    out_shape=jax.ShapeDtypeStruct((N, D), jnp.float32),
)


def _make_tc_mid(width):
    return pl.pallas_call(
        _tc_mid_body,
        grid=(GRID,),
        in_specs=[
            pl.BlockSpec((NC, BM, D), lambda i: (0, i, 0)),
            pl.BlockSpec((BM, D), lambda i: (i, 0)),
            pl.BlockSpec((BM, NC), lambda i: (i, 0)),
            pl.BlockSpec((1, D), lambda i: (0, 0)),
            pl.BlockSpec((D, width), lambda i: (0, 0)),
        ],
        out_specs=pl.BlockSpec((BM, width), lambda i: (i, 0)),
        out_shape=jax.ShapeDtypeStruct((N, width), jnp.float32),
    )


_tc_mid_wide = _make_tc_mid(D)
_tc_mid_last = _make_tc_mid(1)



@jax.jit
def kernel(x, edge_index, W0, b0, W1, b1, W2, b2):
    zeros2d = jnp.zeros((ROWS_PT, D), jnp.float32)

    deg = _sc_degree(edge_index)
    degT = deg[:, :N].T

    z0 = _tc_first(x, W0, degT)
    a0 = _sc_agg_rows(z0, edge_index, zeros2d)
    z1 = _tc_mid_wide(a0, z0, degT, b0.reshape(1, D), W1)
    a1 = _sc_agg_rows(z1, edge_index, zeros2d)
    z2 = _tc_mid_last(a1, z1, degT, b1.reshape(1, D), W2)
    a2 = _sc_agg_scalar(z2[:, 0], edge_index)

    dinv = lax.rsqrt(degT[:, 0] + degT[:, 1] + 1.0)
    y = (a2[0, :N] + a2[1, :N] + z2[:, 0]) * dinv + b2[0]
    return y[:, None]

# --- scband reference (transcript-rebuilt; emitter-appended) ---
"""Pipeline reference for scband-my-gnn-11355893531403 (READ-ONLY COPY).

The authoritative reference and input builder live on the scoring server;
editing this copy changes nothing except your own understanding.
"""

import jax, jax.numpy as jnp
import numpy as np

N = 10000
E = 320000
D = 128
H = 128


def gcn_conv(x, src, dst, W, b):
    n = x.shape[0]
    loop = jnp.arange(n, dtype=src.dtype)
    s = jnp.concatenate([src, loop])
    d = jnp.concatenate([dst, loop])
    deg = jnp.zeros((n,), x.dtype).at[d].add(1.0)
    dinv = jnp.where(deg > 0, jax.lax.rsqrt(jnp.maximum(deg, 1e-12)), 0.0)
    norm = dinv[s] * dinv[d]
    h = x @ W
    msg = h[s] * norm[:, None]
    out = jnp.zeros((n, W.shape[1]), x.dtype).at[d].add(msg)
    return out + b


def leaky_relu(x):
    return jnp.where(x >= 0, x, 0.01 * x)


def setup_inputs(seed: int = 0):
    key = jax.random.key(seed)
    ks = jax.random.split(key, 8)
    x = jax.random.normal(ks[0], (N, D), dtype=jnp.float32)
    edge_index = jax.random.randint(ks[1], (2, E), 0, N, dtype=jnp.int32)
    W0 = jax.random.normal(ks[2], (D, H), dtype=jnp.float32) * 0.05
    b0 = jnp.zeros((H,), dtype=jnp.float32)
    W1 = jax.random.normal(ks[3], (H, H), dtype=jnp.float32) * 0.05
    b1 = jnp.zeros((H,), dtype=jnp.float32)
    W2 = jax.random.normal(ks[4], (H, 1), dtype=jnp.float32) * 0.05
    b2 = jnp.zeros((1,), dtype=jnp.float32)
    return {"x": x, "edge_index": edge_index, "W0": W0, "b0": b0, "W1": W1, "b1": b1, "W2": W2, "b2": b2}


def reference(x, edge_index, W0, b0, W1, b1, W2, b2):
    src = edge_index[0]
    dst = edge_index[1]
    # input GCNConv + LeakyReLU
    h = leaky_relu(gcn_conv(x, src, dst, W0, b0))
    # hidden GCNConv + Dropout(eval: identity) + LeakyReLU
    h = leaky_relu(gcn_conv(h, src, dst, W1, b1))
    # output GCNConv -> [N, 1]
    return gcn_conv(h, src, dst, W2, b2)

if __name__ == "__main__":
    import jax
    _d = setup_inputs()
    print(jax.jit(kernel)(*tuple(_d.values())))

</pallas_src>

<mosaic_0001>
#map = affine_map<(d0, d1) -> (0, 0)>
#map1 = affine_map<(d0, d1) -> (0, 0, 0)>
module attributes {stable_mosaic.version = 14 : i64} {
  func.func @_sc_agg_rows(%arg0: i32, %arg1: i32, %arg2: memref<10000x128xf32, #tpu.memory_space<hbm>>, %arg3: memref<2x320000xi32, #tpu.memory_space<hbm>>, %arg4: memref<640x128xf32, #tpu.memory_space<hbm>>, %arg5: memref<2x10240x128xf32, #tpu.memory_space<hbm>>, %arg6: memref<4x2x128xi32, #tpu.memory_space<vmem>>, %arg7: memref<2x128x128xf32, #tpu.memory_space<vmem>>, %arg8: memref<10240x128xf32, #tpu.memory_space<vmem_shared>>, %arg9: memref<4x!tpu.dma_semaphore, #tpu.memory_space<semaphore_mem>>, %arg10: memref<2x!tpu.dma_semaphore, #tpu.memory_space<semaphore_mem>>, %arg11: memref<!tpu.dma_semaphore, #tpu.memory_space<semaphore_mem>>) attributes {dimension_semantics = [#tpu.dimension_semantics<core_parallel>, #tpu.dimension_semantics<subcore_parallel>], iteration_bounds = array<i64: 2, 16>, scalar_prefetch = 0 : i64, scratch_operands = 6 : i64, tpu.core_type = #tpu.core_type<sc_vector_subcore>, window_params = [{transform_indices = #map}, {transform_indices = #map}, {transform_indices = #map}, {transform_indices = #map1}]} {
    %mul3A = arith.constant 2 : i32
    %mul3A_0 = arith.muli %arg1, %mul3A : i32
    %add3A = arith.addi %mul3A_0, %arg0 : i32
    %mul3A_1 = arith.constant 640 : i32
    %mul3A_2 = arith.muli %arg1, %mul3A_1 : i32
    %lt3A = arith.constant 4 : i32
    %lt3A_3 = arith.cmpi slt, %add3A, %lt3A : i32
    %jit3A = arith.constant 79 : i32
    %jit3A_4 = arith.constant 78 : i32
    %select_n3A = arith.select %lt3A_3, %jit3A, %jit3A_4 : i32
    %dma_start3A = arith.constant 0 : i32
    %dma_start3A_5 = tpu.memref_slice %arg8[%mul3A_2, %dma_start3A] : memref<10240x128xf32, #tpu.memory_space<vmem_shared>> -> memref<640x128xf32, #tpu.memory_space<vmem_shared>>
    tpu.enqueue_dma source(%arg4 : memref<640x128xf32, #tpu.memory_space<hbm>>) target(%dma_start3A_5 : memref<640x128xf32, #tpu.memory_space<vmem_shared>>) target_semaphore(%arg11 : memref<!tpu.dma_semaphore, #tpu.memory_space<semaphore_mem>>)
    %add3A_6 = arith.constant 0 : i32
    %add3A_7 = arith.addi %add3A, %add3A_6 : i32
    %mul3A_8 = arith.constant 128 : i32
    %mul3A_9 = arith.muli %add3A_7, %mul3A_8 : i32
    %dma_start3A_10 = arith.constant 0 : i32
    %dma_start3A_11 = arith.constant 0 : i32
    %dma_start3A_12 = arith.constant 0 : i32
    %dma_start3A_13 = arith.constant 0 : i32
    %dma_start3A_14 = tpu.memref_slice %arg6[%dma_start3A_10, %dma_start3A_12, %dma_start3A_13] : memref<4x2x128xi32, #tpu.memory_space<vmem>> -> memref<1x2x128xi32, #tpu.memory_space<vmem>>
    %dma_start3A_15 = tpu.memref_squeeze %dma_start3A_14 : memref<1x2x128xi32, #tpu.memory_space<vmem>> -> memref<2x128xi32, #tpu.memory_space<vmem>>
    %dma_start3A_16 = arith.constant 0 : i32
    %dma_start3A_17 = tpu.memref_slice %arg3[%dma_start3A_16, %mul3A_9] : memref<2x320000xi32, #tpu.memory_space<hbm>> -> memref<2x128xi32, #tpu.memory_space<hbm>>
    %dma_start3A_18 = tpu.memref_slice %arg9[%dma_start3A_11] : memref<4x!tpu.dma_semaphore, #tpu.memory_space<semaphore_mem>> -> memref<1x!tpu.dma_semaphore, #tpu.memory_space<semaphore_mem>>
    %dma_start3A_19 = tpu.memref_squeeze %dma_start3A_18 : memref<1x!tpu.dma_semaphore, #tpu.memory_space<semaphore_mem>> -> memref<!tpu.dma_semaphore, #tpu.memory_space<semaphore_mem>>
    %dma_start3A_20 = arith.constant 0 : i32
    %dma_start3A_21 = arith.constant 0 : i32
    %dma_start3A_22 = tpu.memref_slice %arg6[%dma_start3A_10, %dma_start3A_20, %dma_start3A_21] : memref<4x2x128xi32, #tpu.memory_space<vmem>> -> memref<1x2x128xi32, #tpu.memory_space<vmem>>
    %dma_start3A_23 = tpu.memref_squeeze %dma_start3A_22 : memref<1x2x128xi32, #tpu.memory_space<vmem>> -> memref<2x128xi32, #tpu.memory_space<vmem>>
    %dma_start3A_24 = arith.constant 0 : i32
    %dma_start3A_25 = tpu.memref_slice %arg3[%dma_start3A_24, %mul3A_9] : memref<2x320000xi32, #tpu.memory_space<hbm>> -> memref<2x128xi32, #tpu.memory_space<hbm>>
    tpu.enqueue_dma source(%dma_start3A_25 : memref<2x128xi32, #tpu.memory_space<hbm>>) target(%dma_start3A_23 : memref<2x128xi32, #tpu.memory_space<vmem>>) target_semaphore(%dma_start3A_19 : memref<!tpu.dma_semaphore, #tpu.memory_space<semaphore_mem>>)
    %add3A_26 = arith.constant 32 : i32
    %add3A_27 = arith.addi %add3A, %add3A_26 : i32
    %mul3A_28 = arith.constant 128 : i32
    %mul3A_29 = arith.muli %add3A_27, %mul3A_28 : i32
    %dma_start3A_30 = arith.constant 1 : i32
    %dma_start3A_31 = arith.constant 1 : i32
    %dma_start3A_32 = arith.constant 0 : i32
    %dma_start3A_33 = arith.constant 0 : i32
    %dma_start3A_34 = tpu.memref_slice %arg6[%dma_start3A_30, %dma_start3A_32, %dma_start3A_33] : memref<4x2x128xi32, #tpu.memory_space<vmem>> -> memref<1x2x128xi32, #tpu.memory_space<vmem>>
    %dma_start3A_35 = tpu.memref_squeeze %dma_start3A_34 : memref<1x2x128xi32, #tpu.memory_space<vmem>> -> memref<2x128xi32, #tpu.memory_space<vmem>>
    %dma_start3A_36 = arith.constant 0 : i32
    %dma_start3A_37 = tpu.memref_slice %arg3[%dma_start3A_36, %mul3A_29] : memref<2x320000xi32, #tpu.memory_space<hbm>> -> memref<2x128xi32, #tpu.memory_space<hbm>>
    %dma_start3A_38 = tpu.memref_slice %arg9[%dma_start3A_31] : memref<4x!tpu.dma_semaphore, #tpu.memory_space<semaphore_mem>> -> memref<1x!tpu.dma_semaphore, #tpu.memory_space<semaphore_mem>>
    %dma_start3A_39 = tpu.memref_squeeze %dma_start3A_38 : memref<1x!tpu.dma_semaphore, #tpu.memory_space<semaphore_mem>> -> memref<!tpu.dma_semaphore, #tpu.memory_space<semaphore_mem>>
    %dma_start3A_40 = arith.constant 0 : i32
    %dma_start3A_41 = arith.constant 0 : i32
    %dma_start3A_42 = tpu.memref_slice %arg6[%dma_start3A_30, %dma_start3A_40, %dma_start3A_41] : memref<4x2x128xi32, #tpu.memory_space<vmem>> -> memref<1x2x128xi32, #tpu.memory_space<vmem>>
    %dma_start3A_43 = tpu.memref_squeeze %dma_start3A_42 : memref<1x2x128xi32, #tpu.memory_space<vmem>> -> memref<2x128xi32, #tpu.memory_space<vmem>>
    %dma_start3A_44 = arith.constant 0 : i32
    %dma_start3A_45 = tpu.memref_slice %arg3[%dma_start3A_44, %mul3A_29] : memref<2x320000xi32, #tpu.memory_space<hbm>> -> memref<2x128xi32, #tpu.memory_space<hbm>>
    tpu.enqueue_dma source(%dma_start3A_45 : memref<2x128xi32, #tpu.memory_space<hbm>>) target(%dma_start3A_43 : memref<2x128xi32, #tpu.memory_space<vmem>>) target_semaphore(%dma_start3A_39 : memref<!tpu.dma_semaphore, #tpu.memory_space<semaphore_mem>>)
    %add3A_46 = arith.constant 64 : i32
    %add3A_47 = arith.addi %add3A, %add3A_46 : i32
    %mul3A_48 = arith.constant 128 : i32
    %mul3A_49 = arith.muli %add3A_47, %mul3A_48 : i32
    %dma_start3A_50 = arith.constant 2 : i32
    %dma_start3A_51 = arith.constant 2 : i32
    %dma_start3A_52 = arith.constant 0 : i32
    %dma_start3A_53 = arith.constant 0 : i32
    %dma_start3A_54 = tpu.memref_slice %arg6[%dma_start3A_50, %dma_start3A_52, %dma_start3A_53] : memref<4x2x128xi32, #tpu.memory_space<vmem>> -> memref<1x2x128xi32, #tpu.memory_space<vmem>>
    %dma_start3A_55 = tpu.memref_squeeze %dma_start3A_54 : memref<1x2x128xi32, #tpu.memory_space<vmem>> -> memref<2x128xi32, #tpu.memory_space<vmem>>
    %dma_start3A_56 = arith.constant 0 : i32
    %dma_start3A_57 = tpu.memref_slice %arg3[%dma_start3A_56, %mul3A_49] : memref<2x320000xi32, #tpu.memory_space<hbm>> -> memref<2x128xi32, #tpu.memory_space<hbm>>
    %dma_start3A_58 = tpu.memref_slice %arg9[%dma_start3A_51] : memref<4x!tpu.dma_semaphore, #tpu.memory_space<semaphore_mem>> -> memref<1x!tpu.dma_semaphore, #tpu.memory_space<semaphore_mem>>
    %dma_start3A_59 = tpu.memref_squeeze %dma_start3A_58 : memref<1x!tpu.dma_semaphore, #tpu.memory_space<semaphore_mem>> -> memref<!tpu.dma_semaphore, #tpu.memory_space<semaphore_mem>>
    %dma_start3A_60 = arith.constant 0 : i32
    %dma_start3A_61 = arith.constant 0 : i32
    %dma_start3A_62 = tpu.memref_slice %arg6[%dma_start3A_50, %dma_start3A_60, %dma_start3A_61] : memref<4x2x128xi32, #tpu.memory_space<vmem>> -> memref<1x2x128xi32, #tpu.memory_space<vmem>>
    %dma_start3A_63 = tpu.memref_squeeze %dma_start3A_62 : memref<1x2x128xi32, #tpu.memory_space<vmem>> -> memref<2x128xi32, #tpu.memory_space<vmem>>
    %dma_start3A_64 = arith.constant 0 : i32
    %dma_start3A_65 = tpu.memref_slice %arg3[%dma_start3A_64, %mul3A_49] : memref<2x320000xi32, #tpu.memory_space<hbm>> -> memref<2x128xi32, #tpu.memory_space<hbm>>
    tpu.enqueue_dma source(%dma_start3A_65 : memref<2x128xi32, #tpu.memory_space<hbm>>) target(%dma_start3A_63 : memref<2x128xi32, #tpu.memory_space<vmem>>) target_semaphore(%dma_start3A_59 : memref<!tpu.dma_semaphore, #tpu.memory_space<semaphore_mem>>)
    %add3A_66 = arith.constant 0 : i32
    %add3A_67 = arith.addi %add3A, %add3A_66 : i32
    %mul3A_68 = arith.constant 128 : i32
    %mul3A_69 = arith.muli %add3A_67, %mul3A_68 : i32
    %dma_wait3A = arith.constant 0 : i32
    %dma_wait3A_70 = arith.constant 0 : i32
    %dma_wait3A_71 = arith.constant 0 : i32
    %dma_wait3A_72 = arith.constant 0 : i32
    %dma_wait3A_73 = tpu.memref_slice %arg6[%dma_wait3A, %dma_wait3A_71, %dma_wait3A_72] : memref<4x2x128xi32, #tpu.memory_space<vmem>> -> memref<1x2x128xi32, #tpu.memory_space<vmem>>
    %dma_wait3A_74 = tpu.memref_squeeze %dma_wait3A_73 : memref<1x2x128xi32, #tpu.memory_space<vmem>> -> memref<2x128xi32, #tpu.memory_space<vmem>>
    %dma_wait3A_75 = arith.constant 0 : i32
    %dma_wait3A_76 = tpu.memref_slice %arg3[%dma_wait3A_75, %mul3A_69] : memref<2x320000xi32, #tpu.memory_space<hbm>> -> memref<2x128xi32, #tpu.memory_space<hbm>>
    %dma_wait3A_77 = tpu.memref_slice %arg9[%dma_wait3A_70] : memref<4x!tpu.dma_semaphore, #tpu.memory_space<semaphore_mem>> -> memref<1x!tpu.dma_semaphore, #tpu.memory_space<semaphore_mem>>
    %dma_wait3A_78 = tpu.memref_squeeze %dma_wait3A_77 : memref<1x!tpu.dma_semaphore, #tpu.memory_space<semaphore_mem>> -> memref<!tpu.dma_semaphore, #tpu.memory_space<semaphore_mem>>
    %dma_wait3A_79 = arith.constant 0 : i32
    %dma_wait3A_80 = arith.constant 0 : i32
    %dma_wait3A_81 = tpu.memref_slice %arg6[%dma_wait3A, %dma_wait3A_79, %dma_wait3A_80] : memref<4x2x128xi32, #tpu.memory_space<vmem>> -> memref<1x2x128xi32, #tpu.memory_space<vmem>>
    %dma_wait3A_82 = tpu.memref_squeeze %dma_wait3A_81 : memref<1x2x128xi32, #tpu.memory_space<vmem>> -> memref<2x128xi32, #tpu.memory_space<vmem>>
    %dma_wait3A_83 = arith.constant 0 : i32
    %dma_wait3A_84 = tpu.memref_slice %arg3[%dma_wait3A_83, %mul3A_69] : memref<2x320000xi32, #tpu.memory_space<hbm>> -> memref<2x128xi32, #tpu.memory_space<hbm>>
    tpu.wait_dma2 semaphore(%dma_wait3A_78 : memref<!tpu.dma_semaphore, #tpu.memory_space<semaphore_mem>>) src(%dma_wait3A_84 : memref<2x128xi32, #tpu.memory_space<hbm>>) dst(%dma_wait3A_82 : memref<2x128xi32, #tpu.memory_space<vmem>>)
    %dma_start3A_85 = arith.constant 0 : i32
    %dma_start3A_86 = arith.constant 0 : i32
    %dma_start3A_87 = arith.constant 0 : i32
    %dma_start3A_88 = arith.constant 0 : i32
    %dma_start3A_89 = arith.constant 0 : i32
    %dma_start3A_90 = arith.constant 0 : i32
    %dma_start3A_91 = tpu.memref_slice %arg7[%dma_start3A_87, %dma_start3A_89, %dma_start3A_90] : memref<2x128x128xf32, #tpu.memory_space<vmem>> -> memref<1x128x128xf32, #tpu.memory_space<vmem>>
    %dma_start3A_92 = tpu.memref_squeeze %dma_start3A_91 : memref<1x128x128xf32, #tpu.memory_space<vmem>> -> memref<128x128xf32, #tpu.memory_space<vmem>>
    %dma_start3A_93 = arith.constant 0 : i32
    %dma_start3A_94 = tpu.memref_slice %arg6[%dma_start3A_85, %dma_start3A_86, %dma_start3A_93] : memref<4x2x128xi32, #tpu.memory_space<vmem>> -> memref<1x1x128xi32, #tpu.memory_space<vmem>>
    %dma_start3A_95 = tpu.memref_squeeze %dma_start3A_94 : memref<1x1x128xi32, #tpu.memory_space<vmem>> -> memref<128xi32, #tpu.memory_space<vmem>>
    %dma_start3A_96 = arith.constant 0 : i32
    %dma_start3A_97 = arith.constant 0 : i32
    %dma_start3A_98 = tpu.memref_slice %arg2[%dma_start3A_96, %dma_start3A_97] : memref<10000x128xf32, #tpu.memory_space<hbm>> -> memref<10000x128xf32, #tpu.memory_space<hbm>>
    %dma_start3A_99 = tpu.memref_slice %arg10[%dma_start3A_88] : memref<2x!tpu.dma_semaphore, #tpu.memory_space<semaphore_mem>> -> memref<1x!tpu.dma_semaphore, #tpu.memory_space<semaphore_mem>>
    %dma_start3A_100 = tpu.memref_squeeze %dma_start3A_99 : memref<1x!tpu.dma_semaphore, #tpu.memory_space<semaphore_mem>> -> memref<!tpu.dma_semaphore, #tpu.memory_space<semaphore_mem>>
    tpu.enqueue_indirect_dma source(%dma_start3A_98 : memref<10000x128xf32, #tpu.memory_space<hbm>>) target(%dma_start3A_92 : memref<128x128xf32, #tpu.memory_space<vmem>>) offsets(%dma_start3A_95 : memref<128xi32, #tpu.memory_space<vmem>>) semaphore(%dma_start3A_100 : memref<!tpu.dma_semaphore, #tpu.memory_space<semaphore_mem>>)
    %dma_wait3A_101 = arith.constant 0 : i32
    %dma_wait3A_102 = tpu.memref_slice %arg8[%mul3A_2, %dma_wait3A_101] : memref<10240x128xf32, #tpu.memory_space<vmem_shared>> -> memref<640x128xf32, #tpu.memory_space<vmem_shared>>
    tpu.wait_dma2 semaphore(%arg11 : memref<!tpu.dma_semaphore, #tpu.memory_space<semaphore_mem>>) src(%arg4 : memref<640x128xf32, #tpu.memory_space<hbm>>) dst(%dma_wait3A_102 : memref<640x128xf32, #tpu.memory_space<vmem_shared>>)
    %barrier3A = arith.constant 0 : index
    tpu.barrier barrier_id(%barrier3A)
    %while3A = arith.constant 0 : i32
    %while3A_103 = arith.constant 0 : i32
    %while3A_104 = arith.subi %select_n3A, %while3A_103 : i32
    %while3A_105 = arith.addi %while3A_103, %while3A_104 : i32
    %while3A_106 = arith.constant 1 : i32
    %while3A_107 = arith.divsi %while3A_104, %while3A_106 : i32
    %while3A_108 = arith.muli %while3A_107, %while3A_106 : i32
    %while3A_109 = arith.addi %while3A_103, %while3A_108 : i32
    %while3A_110 = arith.constant 1 : i32
    scf.for %while3A_113 = %while3A_103 to %while3A_109 step %while3A_110  : i32 {
      %rem3A = arith.constant 2 : i32
      %rem3A_114 = arith.remsi %while3A_113, %rem3A : i32
      %rem3A_115 = arith.constant 4 : i32
      %rem3A_116 = arith.remsi %while3A_113, %rem3A_115 : i32
      %add3A_117 = arith.constant 4 : i32
      %add3A_118 = arith.addi %while3A_113, %add3A_117 : i32
      %sub3A = arith.constant 1 : i32
      %sub3A_119 = arith.subi %add3A_118, %sub3A : i32
      %lt3A_120 = arith.cmpi slt, %sub3A_119, %select_n3A : i32
      %convert_element_type3A = arith.extui %lt3A_120 : i1 to i32
      %cond3A = arith.constant 0 : i32
      %cond3A_121 = arith.cmpi ne, %convert_element_type3A, %cond3A : i32
      scf.if %cond3A_121 {
        %add3A_141 = arith.constant 4 : i32
        %add3A_142 = arith.addi %while3A_113, %add3A_141 : i32
        %sub3A_143 = arith.constant 1 : i32
        %sub3A_144 = arith.subi %add3A_142, %sub3A_143 : i32
        %add3A_145 = arith.constant 4 : i32
        %add3A_146 = arith.addi %while3A_113, %add3A_145 : i32
        %sub3A_147 = arith.constant 1 : i32
        %sub3A_148 = arith.subi %add3A_146, %sub3A_147 : i32
        %rem3A_149 = arith.constant 4 : i32
        %rem3A_150 = arith.remsi %sub3A_148, %rem3A_149 : i32
        %mul3A_151 = arith.constant 32 : i32
        %mul3A_152 = arith.muli %sub3A_144, %mul3A_151 : i32
        %add3A_153 = arith.addi %add3A, %mul3A_152 : i32
        %mul3A_154 = arith.constant 128 : i32
        %mul3A_155 = arith.muli %add3A_153, %mul3A_154 : i32
        %dma_start3A_156 = arith.constant 0 : i32
        %dma_start3A_157 = arith.constant 0 : i32
        %dma_start3A_158 = tpu.memref_slice %arg6[%rem3A_150, %dma_start3A_156, %dma_start3A_157] : memref<4x2x128xi32, #tpu.memory_space<vmem>> -> memref<1x2x128xi32, #tpu.memory_space<vmem>>
        %dma_start3A_159 = tpu.memref_squeeze %dma_start3A_158 : memref<1x2x128xi32, #tpu.memory_space<vmem>> -> memref<2x128xi32, #tpu.memory_space<vmem>>
        %dma_start3A_160 = arith.constant 0 : i32
        %dma_start3A_161 = tpu.memref_slice %arg3[%dma_start3A_160, %mul3A_155] : memref<2x320000xi32, #tpu.memory_space<hbm>> -> memref<2x128xi32, #tpu.memory_space<hbm>>
        %dma_start3A_162 = tpu.memref_slice %arg9[%rem3A_150] : memref<4x!tpu.dma_semaphore, #tpu.memory_space<semaphore_mem>> -> memref<1x!tpu.dma_semaphore, #tpu.memory_space<semaphore_mem>>
        %dma_start3A_163 = tpu.memref_squeeze %dma_start3A_162 : memref<1x!tpu.dma_semaphore, #tpu.memory_space<semaphore_mem>> -> memref<!tpu.dma_semaphore, #tpu.memory_space<semaphore_mem>>
        %dma_start3A_164 = arith.constant 0 : i32
        %dma_start3A_165 = arith.constant 0 : i32
        %dma_start3A_166 = tpu.memref_slice %arg6[%rem3A_150, %dma_start3A_164, %dma_start3A_165] : memref<4x2x128xi32, #tpu.memory_space<vmem>> -> memref<1x2x128xi32, #tpu.memory_space<vmem>>
        %dma_start3A_167 = tpu.memref_squeeze %dma_start3A_166 : memref<1x2x128xi32, #tpu.memory_space<vmem>> -> memref<2x128xi32, #tpu.memory_space<vmem>>
        %dma_start3A_168 = arith.constant 0 : i32
        %dma_start3A_169 = tpu.memref_slice %arg3[%dma_start3A_168, %mul3A_155] : memref<2x320000xi32, #tpu.memory_space<hbm>> -> memref<2x128xi32, #tpu.memory_space<hbm>>
        tpu.enqueue_dma source(%dma_start3A_169 : memref<2x128xi32, #tpu.memory_space<hbm>>) target(%dma_start3A_167 : memref<2x128xi32, #tpu.memory_space<vmem>>) target_semaphore(%dma_start3A_163 : memref<!tpu.dma_semaphore, #tpu.memory_space<semaphore_mem>>)
      } else {
      }
      %add3A_122 = arith.constant 1 : i32
      %add3A_123 = arith.addi %while3A_113, %add3A_122 : i32
      %lt3A_124 = arith.cmpi slt, %add3A_123, %select_n3A : i32
      %convert_element_type3A_125 = arith.extui %lt3A_124 : i1 to i32
      %cond3A_126 = arith.constant 0 : i32
      %cond3A_127 = arith.cmpi ne, %convert_element_type3A_125, %cond3A_126 : i32
      scf.if %cond3A_127 {
        %add3A_141 = arith.constant 1 : i32
        %add3A_142 = arith.addi %while3A_113, %add3A_141 : i32
        %rem3A_143 = arith.constant 4 : i32
        %rem3A_144 = arith.remsi %add3A_142, %rem3A_143 : i32
        %add3A_145 = arith.constant 1 : i32
        %add3A_146 = arith.addi %while3A_113, %add3A_145 : i32
        %mul3A_147 = arith.constant 32 : i32
        %mul3A_148 = arith.muli %add3A_146, %mul3A_147 : i32
        %add3A_149 = arith.addi %add3A, %mul3A_148 : i32
        %mul3A_150 = arith.constant 128 : i32
        %mul3A_151 = arith.muli %add3A_149, %mul3A_150 : i32
        %dma_wait3A_152 = arith.constant 0 : i32
        %dma_wait3A_153 = arith.constant 0 : i32
        %dma_wait3A_154 = tpu.memref_slice %arg6[%rem3A_144, %dma_wait3A_152, %dma_wait3A_153] : memref<4x2x128xi32, #tpu.memory_space<vmem>> -> memref<1x2x128xi32, #tpu.memory_space<vmem>>
        %dma_wait3A_155 = tpu.memref_squeeze %dma_wait3A_154 : memref<1x2x128xi32, #tpu.memory_space<vmem>> -> memref<2x128xi32, #tpu.memory_space<vmem>>
        %dma_wait3A_156 = arith.constant 0 : i32
        %dma_wait3A_157 = tpu.memref_slice %arg3[%dma_wait3A_156, %mul3A_151] : memref<2x320000xi32, #tpu.memory_space<hbm>> -> memref<2x128xi32, #tpu.memory_space<hbm>>
        %dma_wait3A_158 = tpu.memref_slice %arg9[%rem3A_144] : memref<4x!tpu.dma_semaphore, #tpu.memory_space<semaphore_mem>> -> memref<1x!tpu.dma_semaphore, #tpu.memory_space<semaphore_mem>>
        %dma_wait3A_159 = tpu.memref_squeeze %dma_wait3A_158 : memref<1x!tpu.dma_semaphore, #tpu.memory_space<semaphore_mem>> -> memref<!tpu.dma_semaphore, #tpu.memory_space<semaphore_mem>>
        %dma_wait3A_160 = arith.constant 0 : i32
        %dma_wait3A_161 = arith.constant 0 : i32
        %dma_wait3A_162 = tpu.memref_slice %arg6[%rem3A_144, %dma_wait3A_160, %dma_wait3A_161] : memref<4x2x128xi32, #tpu.memory_space<vmem>> -> memref<1x2x128xi32, #tpu.memory_space<vmem>>
        %dma_wait3A_163 = tpu.memref_squeeze %dma_wait3A_162 : memref<1x2x128xi32, #tpu.memory_space<vmem>> -> memref<2x128xi32, #tpu.memory_space<vmem>>
        %dma_wait3A_164 = arith.constant 0 : i32
        %dma_wait3A_165 = tpu.memref_slice %arg3[%dma_wait3A_164, %mul3A_151] : memref<2x320000xi32, #tpu.memory_space<hbm>> -> memref<2x128xi32, #tpu.memory_space<hbm>>
        tpu.wait_dma2 semaphore(%dma_wait3A_159 : memref<!tpu.dma_semaphore, #tpu.memory_space<semaphore_mem>>) src(%dma_wait3A_165 : memref<2x128xi32, #tpu.memory_space<hbm>>) dst(%dma_wait3A_163 : memref<2x128xi32, #tpu.memory_space<vmem>>)
        %sub3A_166 = arith.constant 1 : i32
        %sub3A_167 = arith.subi %sub3A_166, %rem3A_114 : i32
        %dma_start3A_168 = arith.constant 0 : i32
        %dma_start3A_169 = arith.constant 0 : i32
        %dma_start3A_170 = arith.constant 0 : i32
        %dma_start3A_171 = tpu.memref_slice %arg7[%sub3A_167, %dma_start3A_169, %dma_start3A_170] : memref<2x128x128xf32, #tpu.memory_space<vmem>> -> memref<1x128x128xf32, #tpu.memory_space<vmem>>
        %dma_start3A_172 = tpu.memref_squeeze %dma_start3A_171 : memref<1x128x128xf32, #tpu.memory_space<vmem>> -> memref<128x128xf32, #tpu.memory_space<vmem>>
        %dma_start3A_173 = arith.constant 0 : i32
        %dma_start3A_174 = tpu.memref_slice %arg6[%rem3A_144, %dma_start3A_168, %dma_start3A_173] : memref<4x2x128xi32, #tpu.memory_space<vmem>> -> memref<1x1x128xi32, #tpu.memory_space<vmem>>
        %dma_start3A_175 = tpu.memref_squeeze %dma_start3A_174 : memref<1x1x128xi32, #tpu.memory_space<vmem>> -> memref<128xi32, #tpu.memory_space<vmem>>
        %dma_start3A_176 = arith.constant 0 : i32
        %dma_start3A_177 = arith.constant 0 : i32
        %dma_start3A_178 = tpu.memref_slice %arg2[%dma_start3A_176, %dma_start3A_177] : memref<10000x128xf32, #tpu.memory_space<hbm>> -> memref<10000x128xf32, #tpu.memory_space<hbm>>
        %dma_start3A_179 = tpu.memref_slice %arg10[%sub3A_167] : memref<2x!tpu.dma_semaphore, #tpu.memory_space<semaphore_mem>> -> memref<1x!tpu.dma_semaphore, #tpu.memory_space<semaphore_mem>>
        %dma_start3A_180 = tpu.memref_squeeze %dma_start3A_179 : memref<1x!tpu.dma_semaphore, #tpu.memory_space<semaphore_mem>> -> memref<!tpu.dma_semaphore, #tpu.memory_space<semaphore_mem>>
        tpu.enqueue_indirect_dma source(%dma_start3A_178 : memref<10000x128xf32, #tpu.memory_space<hbm>>) target(%dma_start3A_172 : memref<128x128xf32, #tpu.memory_space<vmem>>) offsets(%dma_start3A_175 : memref<128xi32, #tpu.memory_space<vmem>>) semaphore(%dma_start3A_180 : memref<!tpu.dma_semaphore, #tpu.memory_space<semaphore_mem>>)
      } else {
      }
      %dma_wait3A_128 = arith.constant 0 : i32
      %dma_wait3A_129 = arith.constant 0 : i32
      %dma_wait3A_130 = arith.constant 0 : i32
      %dma_wait3A_131 = tpu.memref_slice %arg7[%rem3A_114, %dma_wait3A_129, %dma_wait3A_130] : memref<2x128x128xf32, #tpu.memory_space<vmem>> -> memref<1x128x128xf32, #tpu.memory_space<vmem>>
      %dma_wait3A_132 = tpu.memref_squeeze %dma_wait3A_131 : memref<1x128x128xf32, #tpu.memory_space<vmem>> -> memref<128x128xf32, #tpu.memory_space<vmem>>
      %dma_wait3A_133 = arith.constant 0 : i32
      %dma_wait3A_134 = tpu.memref_slice %arg6[%rem3A_116, %dma_wait3A_128, %dma_wait3A_133] : memref<4x2x128xi32, #tpu.memory_space<vmem>> -> memref<1x1x128xi32, #tpu.memory_space<vmem>>
      %dma_wait3A_135 = tpu.memref_squeeze %dma_wait3A_134 : memref<1x1x128xi32, #tpu.memory_space<vmem>> -> memref<128xi32, #tpu.memory_space<vmem>>
      %dma_wait3A_136 = arith.constant 0 : i32
      %dma_wait3A_137 = arith.constant 0 : i32
      %dma_wait3A_138 = tpu.memref_slice %arg2[%dma_wait3A_136, %dma_wait3A_137] : memref<10000x128xf32, #tpu.memory_space<hbm>> -> memref<10000x128xf32, #tpu.memory_space<hbm>>
      %dma_wait3A_139 = tpu.memref_slice %arg10[%rem3A_114] : memref<2x!tpu.dma_semaphore, #tpu.memory_space<semaphore_mem>> -> memref<1x!tpu.dma_semaphore, #tpu.memory_space<semaphore_mem>>
      %dma_wait3A_140 = tpu.memref_squeeze %dma_wait3A_139 : memref<1x!tpu.dma_semaphore, #tpu.memory_space<semaphore_mem>> -> memref<!tpu.dma_semaphore, #tpu.memory_space<semaphore_mem>>
      tpu.wait_indirect_dma semaphore(%dma_wait3A_140 : memref<!tpu.dma_semaphore, #tpu.memory_space<semaphore_mem>>) src(%dma_wait3A_138 : memref<10000x128xf32, #tpu.memory_space<hbm>>) dst(%dma_wait3A_132 : memref<128x128xf32, #tpu.memory_space<vmem>>)
      %run_scoped3A = arith.constant 1 : i32
      "tpu.region"() ({
        %run_scoped3A_141 = tpu.sem_alloc : memref<!tpu.dma_semaphore, #tpu.memory_space<semaphore_mem>>
        %dma_start3A_142 = arith.constant 0 : i32
        %dma_start3A_143 = arith.constant 0 : i32
        %dma_start3A_144 = tpu.memref_slice %arg7[%rem3A_114, %dma_start3A_142, %dma_start3A_143] : memref<2x128x128xf32, #tpu.memory_space<vmem>> -> memref<1x128x128xf32, #tpu.memory_space<vmem>>
        %dma_start3A_145 = tpu.memref_squeeze %dma_start3A_144 : memref<1x128x128xf32, #tpu.memory_space<vmem>> -> memref<128x128xf32, #tpu.memory_space<vmem>>
        %dma_start3A_146 = arith.constant 0 : i32
        %dma_start3A_147 = tpu.memref_slice %arg6[%rem3A_116, %run_scoped3A, %dma_start3A_146] : memref<4x2x128xi32, #tpu.memory_space<vmem>> -> memref<1x1x128xi32, #tpu.memory_space<vmem>>
        %dma_start3A_148 = tpu.memref_squeeze %dma_start3A_147 : memref<1x1x128xi32, #tpu.memory_space<vmem>> -> memref<128xi32, #tpu.memory_space<vmem>>
        %dma_start3A_149 = arith.constant 0 : i32
        %dma_start3A_150 = arith.constant 0 : i32
        %dma_start3A_151 = tpu.memref_slice %arg8[%dma_start3A_149, %dma_start3A_150] : memref<10240x128xf32, #tpu.memory_space<vmem_shared>> -> memref<10240x128xf32, #tpu.memory_space<vmem_shared>>
        tpu.enqueue_indirect_dma source(%dma_start3A_145 : memref<128x128xf32, #tpu.memory_space<vmem>>) target(%dma_start3A_151 : memref<10240x128xf32, #tpu.memory_space<vmem_shared>>) offsets(%dma_start3A_148 : memref<128xi32, #tpu.memory_space<vmem>>) semaphore(%run_scoped3A_141 : memref<!tpu.dma_semaphore, #tpu.memory_space<semaphore_mem>>) {add = true}
        %dma_wait3A_152 = arith.constant 0 : i32
        %dma_wait3A_153 = arith.constant 0 : i32
        %dma_wait3A_154 = tpu.memref_slice %arg7[%rem3A_114, %dma_wait3A_152, %dma_wait3A_153] : memref<2x128x128xf32, #tpu.memory_space<vmem>> -> memref<1x128x128xf32, #tpu.memory_space<vmem>>
        %dma_wait3A_155 = tpu.memref_squeeze %dma_wait3A_154 : memref<1x128x128xf32, #tpu.memory_space<vmem>> -> memref<128x128xf32, #tpu.memory_space<vmem>>
        %dma_wait3A_156 = arith.constant 0 : i32
        %dma_wait3A_157 = tpu.memref_slice %arg6[%rem3A_116, %run_scoped3A, %dma_wait3A_156] : memref<4x2x128xi32, #tpu.memory_space<vmem>> -> memref<1x1x128xi32, #tpu.memory_space<vmem>>
        %dma_wait3A_158 = tpu.memref_squeeze %dma_wait3A_157 : memref<1x1x128xi32, #tpu.memory_space<vmem>> -> memref<128xi32, #tpu.memory_space<vmem>>
        %dma_wait3A_159 = arith.constant 0 : i32
        %dma_wait3A_160 = arith.constant 0 : i32
        %dma_wait3A_161 = tpu.memref_slice %arg8[%dma_wait3A_159, %dma_wait3A_160] : memref<10240x128xf32, #tpu.memory_space<vmem_shared>> -> memref<10240x128xf32, #tpu.memory_space<vmem_shared>>
        tpu.wait_indirect_dma semaphore(%run_scoped3A_141 : memref<!tpu.dma_semaphore, #tpu.memory_space<semaphore_mem>>) src(%dma_wait3A_155 : memref<128x128xf32, #tpu.memory_space<vmem>>) dst(%dma_wait3A_161 : memref<10240x128xf32, #tpu.memory_space<vmem_shared>>)
        tpu.yield
      }) : () -> ()
    }
    %while3A_111 = arith.constant 1 : i32
    scf.for %while3A_113 = %while3A_109 to %while3A_105 step %while3A_111  : i32 {
      %rem3A = arith.constant 2 : i32
      %rem3A_114 = arith.remsi %while3A_113, %rem3A : i32
      %rem3A_115 = arith.constant 4 : i32
      %rem3A_116 = arith.remsi %while3A_113, %rem3A_115 : i32
      %add3A_117 = arith.constant 4 : i32
      %add3A_118 = arith.addi %while3A_113, %add3A_117 : i32
      %sub3A = arith.constant 1 : i32
      %sub3A_119 = arith.subi %add3A_118, %sub3A : i32
      %lt3A_120 = arith.cmpi slt, %sub3A_119, %select_n3A : i32
      %convert_element_type3A = arith.extui %lt3A_120 : i1 to i32
      %cond3A = arith.constant 0 : i32
      %cond3A_121 = arith.cmpi ne, %convert_element_type3A, %cond3A : i32
      scf.if %cond3A_121 {
        %add3A_141 = arith.constant 4 : i32
        %add3A_142 = arith.addi %while3A_113, %add3A_141 : i32
        %sub3A_143 = arith.constant 1 : i32
        %sub3A_144 = arith.subi %add3A_142, %sub3A_143 : i32
        %add3A_145 = arith.constant 4 : i32
        %add3A_146 = arith.addi %while3A_113, %add3A_145 : i32
        %sub3A_147 = arith.constant 1 : i32
        %sub3A_148 = arith.subi %add3A_146, %sub3A_147 : i32
        %rem3A_149 = arith.constant 4 : i32
        %rem3A_150 = arith.remsi %sub3A_148, %rem3A_149 : i32
        %mul3A_151 = arith.constant 32 : i32
        %mul3A_152 = arith.muli %sub3A_144, %mul3A_151 : i32
        %add3A_153 = arith.addi %add3A, %mul3A_152 : i32
        %mul3A_154 = arith.constant 128 : i32
        %mul3A_155 = arith.muli %add3A_153, %mul3A_154 : i32
        %dma_start3A_156 = arith.constant 0 : i32
        %dma_start3A_157 = arith.constant 0 : i32
        %dma_start3A_158 = tpu.memref_slice %arg6[%rem3A_150, %dma_start3A_156, %dma_start3A_157] : memref<4x2x128xi32, #tpu.memory_space<vmem>> -> memref<1x2x128xi32, #tpu.memory_space<vmem>>
        %dma_start3A_159 = tpu.memref_squeeze %dma_start3A_158 : memref<1x2x128xi32, #tpu.memory_space<vmem>> -> memref<2x128xi32, #tpu.memory_space<vmem>>
        %dma_start3A_160 = arith.constant 0 : i32
        %dma_start3A_161 = tpu.memref_slice %arg3[%dma_start3A_160, %mul3A_155] : memref<2x320000xi32, #tpu.memory_space<hbm>> -> memref<2x128xi32, #tpu.memory_space<hbm>>
        %dma_start3A_162 = tpu.memref_slice %arg9[%rem3A_150] : memref<4x!tpu.dma_semaphore, #tpu.memory_space<semaphore_mem>> -> memref<1x!tpu.dma_semaphore, #tpu.memory_space<semaphore_mem>>
        %dma_start3A_163 = tpu.memref_squeeze %dma_start3A_162 : memref<1x!tpu.dma_semaphore, #tpu.memory_space<semaphore_mem>> -> memref<!tpu.dma_semaphore, #tpu.memory_space<semaphore_mem>>
        %dma_start3A_164 = arith.constant 0 : i32
        %dma_start3A_165 = arith.constant 0 : i32
        %dma_start3A_166 = tpu.memref_slice %arg6[%rem3A_150, %dma_start3A_164, %dma_start3A_165] : memref<4x2x128xi32, #tpu.memory_space<vmem>> -> memref<1x2x128xi32, #tpu.memory_space<vmem>>
        %dma_start3A_167 = tpu.memref_squeeze %dma_start3A_166 : memref<1x2x128xi32, #tpu.memory_space<vmem>> -> memref<2x128xi32, #tpu.memory_space<vmem>>
        %dma_start3A_168 = arith.constant 0 : i32
        %dma_start3A_169 = tpu.memref_slice %arg3[%dma_start3A_168, %mul3A_155] : memref<2x320000xi32, #tpu.memory_space<hbm>> -> memref<2x128xi32, #tpu.memory_space<hbm>>
        tpu.enqueue_dma source(%dma_start3A_169 : memref<2x128xi32, #tpu.memory_space<hbm>>) target(%dma_start3A_167 : memref<2x128xi32, #tpu.memory_space<vmem>>) target_semaphore(%dma_start3A_163 : memref<!tpu.dma_semaphore, #tpu.memory_space<semaphore_mem>>)
      } else {
      }
      %add3A_122 = arith.constant 1 : i32
      %add3A_123 = arith.addi %while3A_113, %add3A_122 : i32
      %lt3A_124 = arith.cmpi slt, %add3A_123, %select_n3A : i32
      %convert_element_type3A_125 = arith.extui %lt3A_124 : i1 to i32
      %cond3A_126 = arith.constant 0 : i32
      %cond3A_127 = arith.cmpi ne, %convert_element_type3A_125, %cond3A_126 : i32
      scf.if %cond3A_127 {
        %add3A_141 = arith.constant 1 : i32
        %add3A_142 = arith.addi %while3A_113, %add3A_141 : i32
        %rem3A_143 = arith.constant 4 : i32
        %rem3A_144 = arith.remsi %add3A_142, %rem3A_143 : i32
        %add3A_145 = arith.constant 1 : i32
        %add3A_146 = arith.addi %while3A_113, %add3A_145 : i32
        %mul3A_147 = arith.constant 32 : i32
        %mul3A_148 = arith.muli %add3A_146, %mul3A_147 : i32
        %add3A_149 = arith.addi %add3A, %mul3A_148 : i32
        %mul3A_150 = arith.constant 128 : i32
        %mul3A_151 = arith.muli %add3A_149, %mul3A_150 : i32
        %dma_wait3A_152 = arith.constant 0 : i32
        %dma_wait3A_153 = arith.constant 0 : i32
        %dma_wait3A_154 = tpu.memref_slice %arg6[%rem3A_144, %dma_wait3A_152, %dma_wait3A_153] : memref<4x2x128xi32, #tpu.memory_space<vmem>> -> memref<1x2x128xi32, #tpu.memory_space<vmem>>
        %dma_wait3A_155 = tpu.memref_squeeze %dma_wait3A_154 : memref<1x2x128xi32, #tpu.memory_space<vmem>> -> memref<2x128xi32, #tpu.memory_space<vmem>>
        %dma_wait3A_156 = arith.constant 0 : i32
        %dma_wait3A_157 = tpu.memref_slice %arg3[%dma_wait3A_156, %mul3A_151] : memref<2x320000xi32, #tpu.memory_space<hbm>> -> memref<2x128xi32, #tpu.memory_space<hbm>>
        %dma_wait3A_158 = tpu.memref_slice %arg9[%rem3A_144] : memref<4x!tpu.dma_semaphore, #tpu.memory_space<semaphore_mem>> -> memref<1x!tpu.dma_semaphore, #tpu.memory_space<semaphore_mem>>
        %dma_wait3A_159 = tpu.memref_squeeze %dma_wait3A_158 : memref<1x!tpu.dma_semaphore, #tpu.memory_space<semaphore_mem>> -> memref<!tpu.dma_semaphore, #tpu.memory_space<semaphore_mem>>
        %dma_wait3A_160 = arith.constant 0 : i32
        %dma_wait3A_161 = arith.constant 0 : i32
        %dma_wait3A_162 = tpu.memref_slice %arg6[%rem3A_144, %dma_wait3A_160, %dma_wait3A_161] : memref<4x2x128xi32, #tpu.memory_space<vmem>> -> memref<1x2x128xi32, #tpu.memory_space<vmem>>
        %dma_wait3A_163 = tpu.memref_squeeze %dma_wait3A_162 : memref<1x2x128xi32, #tpu.memory_space<vmem>> -> memref<2x128xi32, #tpu.memory_space<vmem>>
        %dma_wait3A_164 = arith.constant 0 : i32
        %dma_wait3A_165 = tpu.memref_slice %arg3[%dma_wait3A_164, %mul3A_151] : memref<2x320000xi32, #tpu.memory_space<hbm>> -> memref<2x128xi32, #tpu.memory_space<hbm>>
        tpu.wait_dma2 semaphore(%dma_wait3A_159 : memref<!tpu.dma_semaphore, #tpu.memory_space<semaphore_mem>>) src(%dma_wait3A_165 : memref<2x128xi32, #tpu.memory_space<hbm>>) dst(%dma_wait3A_163 : memref<2x128xi32, #tpu.memory_space<vmem>>)
        %sub3A_166 = arith.constant 1 : i32
        %sub3A_167 = arith.subi %sub3A_166, %rem3A_114 : i32
        %dma_start3A_168 = arith.constant 0 : i32
        %dma_start3A_169 = arith.constant 0 : i32
        %dma_start3A_170 = arith.constant 0 : i32
        %dma_start3A_171 = tpu.memref_slice %arg7[%sub3A_167, %dma_start3A_169, %dma_start3A_170] : memref<2x128x128xf32, #tpu.memory_space<vmem>> -> memref<1x128x128xf32, #tpu.memory_space<vmem>>
        %dma_start3A_172 = tpu.memref_squeeze %dma_start3A_171 : memref<1x128x128xf32, #tpu.memory_space<vmem>> -> memref<128x128xf32, #tpu.memory_space<vmem>>
        %dma_start3A_173 = arith.constant 0 : i32
        %dma_start3A_174 = tpu.memref_slice %arg6[%rem3A_144, %dma_start3A_168, %dma_start3A_173] : memref<4x2x128xi32, #tpu.memory_space<vmem>> -> memref<1x1x128xi32, #tpu.memory_space<vmem>>
        %dma_start3A_175 = tpu.memref_squeeze %dma_start3A_174 : memref<1x1x128xi32, #tpu.memory_space<vmem>> -> memref<128xi32, #tpu.memory_space<vmem>>
        %dma_start3A_176 = arith.constant 0 : i32
        %dma_start3A_177 = arith.constant 0 : i32
        %dma_start3A_178 = tpu.memref_slice %arg2[%dma_start3A_176, %dma_start3A_177] : memref<10000x128xf32, #tpu.memory_space<hbm>> -> memref<10000x128xf32, #tpu.memory_space<hbm>>
        %dma_start3A_179 = tpu.memref_slice %arg10[%sub3A_167] : memref<2x!tpu.dma_semaphore, #tpu.memory_space<semaphore_mem>> -> memref<1x!tpu.dma_semaphore, #tpu.memory_space<semaphore_mem>>
        %dma_start3A_180 = tpu.memref_squeeze %dma_start3A_179 : memref<1x!tpu.dma_semaphore, #tpu.memory_space<semaphore_mem>> -> memref<!tpu.dma_semaphore, #tpu.memory_space<semaphore_mem>>
        tpu.enqueue_indirect_dma source(%dma_start3A_178 : memref<10000x128xf32, #tpu.memory_space<hbm>>) target(%dma_start3A_172 : memref<128x128xf32, #tpu.memory_space<vmem>>) offsets(%dma_start3A_175 : memref<128xi32, #tpu.memory_space<vmem>>) semaphore(%dma_start3A_180 : memref<!tpu.dma_semaphore, #tpu.memory_space<semaphore_mem>>)
      } else {
      }
      %dma_wait3A_128 = arith.constant 0 : i32
      %dma_wait3A_129 = arith.constant 0 : i32
      %dma_wait3A_130 = arith.constant 0 : i32
      %dma_wait3A_131 = tpu.memref_slice %arg7[%rem3A_114, %dma_wait3A_129, %dma_wait3A_130] : memref<2x128x128xf32, #tpu.memory_space<vmem>> -> memref<1x128x128xf32, #tpu.memory_space<vmem>>
      %dma_wait3A_132 = tpu.memref_squeeze %dma_wait3A_131 : memref<1x128x128xf32, #tpu.memory_space<vmem>> -> memref<128x128xf32, #tpu.memory_space<vmem>>
      %dma_wait3A_133 = arith.constant 0 : i32
      %dma_wait3A_134 = tpu.memref_slice %arg6[%rem3A_116, %dma_wait3A_128, %dma_wait3A_133] : memref<4x2x128xi32, #tpu.memory_space<vmem>> -> memref<1x1x128xi32, #tpu.memory_space<vmem>>
      %dma_wait3A_135 = tpu.memref_squeeze %dma_wait3A_134 : memref<1x1x128xi32, #tpu.memory_space<vmem>> -> memref<128xi32, #tpu.memory_space<vmem>>
      %dma_wait3A_136 = arith.constant 0 : i32
      %dma_wait3A_137 = arith.constant 0 : i32
      %dma_wait3A_138 = tpu.memref_slice %arg2[%dma_wait3A_136, %dma_wait3A_137] : memref<10000x128xf32, #tpu.memory_space<hbm>> -> memref<10000x128xf32, #tpu.memory_space<hbm>>
      %dma_wait3A_139 = tpu.memref_slice %arg10[%rem3A_114] : memref<2x!tpu.dma_semaphore, #tpu.memory_space<semaphore_mem>> -> memref<1x!tpu.dma_semaphore, #tpu.memory_space<semaphore_mem>>
      %dma_wait3A_140 = tpu.memref_squeeze %dma_wait3A_139 : memref<1x!tpu.dma_semaphore, #tpu.memory_space<semaphore_mem>> -> memref<!tpu.dma_semaphore, #tpu.memory_space<semaphore_mem>>
      tpu.wait_indirect_dma semaphore(%dma_wait3A_140 : memref<!tpu.dma_semaphore, #tpu.memory_space<semaphore_mem>>) src(%dma_wait3A_138 : memref<10000x128xf32, #tpu.memory_space<hbm>>) dst(%dma_wait3A_132 : memref<128x128xf32, #tpu.memory_space<vmem>>)
      %run_scoped3A = arith.constant 1 : i32
      "tpu.region"() ({
        %run_scoped3A_141 = tpu.sem_alloc : memref<!tpu.dma_semaphore, #tpu.memory_space<semaphore_mem>>
        %dma_start3A_142 = arith.constant 0 : i32
        %dma_start3A_143 = arith.constant 0 : i32
        %dma_start3A_144 = tpu.memref_slice %arg7[%rem3A_114, %dma_start3A_142, %dma_start3A_143] : memref<2x128x128xf32, #tpu.memory_space<vmem>> -> memref<1x128x128xf32, #tpu.memory_space<vmem>>
        %dma_start3A_145 = tpu.memref_squeeze %dma_start3A_144 : memref<1x128x128xf32, #tpu.memory_space<vmem>> -> memref<128x128xf32, #tpu.memory_space<vmem>>
        %dma_start3A_146 = arith.constant 0 : i32
        %dma_start3A_147 = tpu.memref_slice %arg6[%rem3A_116, %run_scoped3A, %dma_start3A_146] : memref<4x2x128xi32, #tpu.memory_space<vmem>> -> memref<1x1x128xi32, #tpu.memory_space<vmem>>
        %dma_start3A_148 = tpu.memref_squeeze %dma_start3A_147 : memref<1x1x128xi32, #tpu.memory_space<vmem>> -> memref<128xi32, #tpu.memory_space<vmem>>
        %dma_start3A_149 = arith.constant 0 : i32
        %dma_start3A_150 = arith.constant 0 : i32
        %dma_start3A_151 = tpu.memref_slice %arg8[%dma_start3A_149, %dma_start3A_150] : memref<10240x128xf32, #tpu.memory_space<vmem_shared>> -> memref<10240x128xf32, #tpu.memory_space<vmem_shared>>
        tpu.enqueue_indirect_dma source(%dma_start3A_145 : memref<128x128xf32, #tpu.memory_space<vmem>>) target(%dma_start3A_151 : memref<10240x128xf32, #tpu.memory_space<vmem_shared>>) offsets(%dma_start3A_148 : memref<128xi32, #tpu.memory_space<vmem>>) semaphore(%run_scoped3A_141 : memref<!tpu.dma_semaphore, #tpu.memory_space<semaphore_mem>>) {add = true}
        %dma_wait3A_152 = arith.constant 0 : i32
        %dma_wait3A_153 = arith.constant 0 : i32
        %dma_wait3A_154 = tpu.memref_slice %arg7[%rem3A_114, %dma_wait3A_152, %dma_wait3A_153] : memref<2x128x128xf32, #tpu.memory_space<vmem>> -> memref<1x128x128xf32, #tpu.memory_space<vmem>>
        %dma_wait3A_155 = tpu.memref_squeeze %dma_wait3A_154 : memref<1x128x128xf32, #tpu.memory_space<vmem>> -> memref<128x128xf32, #tpu.memory_space<vmem>>
        %dma_wait3A_156 = arith.constant 0 : i32
        %dma_wait3A_157 = tpu.memref_slice %arg6[%rem3A_116, %run_scoped3A, %dma_wait3A_156] : memref<4x2x128xi32, #tpu.memory_space<vmem>> -> memref<1x1x128xi32, #tpu.memory_space<vmem>>
        %dma_wait3A_158 = tpu.memref_squeeze %dma_wait3A_157 : memref<1x1x128xi32, #tpu.memory_space<vmem>> -> memref<128xi32, #tpu.memory_space<vmem>>
        %dma_wait3A_159 = arith.constant 0 : i32
        %dma_wait3A_160 = arith.constant 0 : i32
        %dma_wait3A_161 = tpu.memref_slice %arg8[%dma_wait3A_159, %dma_wait3A_160] : memref<10240x128xf32, #tpu.memory_space<vmem_shared>> -> memref<10240x128xf32, #tpu.memory_space<vmem_shared>>
        tpu.wait_indirect_dma semaphore(%run_scoped3A_141 : memref<!tpu.dma_semaphore, #tpu.memory_space<semaphore_mem>>) src(%dma_wait3A_155 : memref<128x128xf32, #tpu.memory_space<vmem>>) dst(%dma_wait3A_161 : memref<10240x128xf32, #tpu.memory_space<vmem_shared>>)
        tpu.yield
      }) : () -> ()
    }
    %barrier3A_112 = arith.constant 0 : index
    tpu.barrier barrier_id(%barrier3A_112)
    "tpu.region"() ({
      %run_scoped3A = tpu.sem_alloc : memref<!tpu.dma_semaphore, #tpu.memory_space<semaphore_mem>>
      %dma_start3A_113 = arith.constant 0 : i32
      %dma_start3A_114 = tpu.memref_slice %arg5[%arg0, %mul3A_2, %dma_start3A_113] : memref<2x10240x128xf32, #tpu.memory_space<hbm>> -> memref<1x640x128xf32, #tpu.memory_space<hbm>>
      %dma_start3A_115 = tpu.memref_squeeze %dma_start3A_114 : memref<1x640x128xf32, #tpu.memory_space<hbm>> -> memref<640x128xf32, #tpu.memory_space<hbm>>
      %dma_start3A_116 = arith.constant 0 : i32
      %dma_start3A_117 = tpu.memref_slice %arg8[%mul3A_2, %dma_start3A_116] : memref<10240x128xf32, #tpu.memory_space<vmem_shared>> -> memref<640x128xf32, #tpu.memory_space<vmem_shared>>
      tpu.enqueue_dma source(%dma_start3A_117 : memref<640x128xf32, #tpu.memory_space<vmem_shared>>) target(%dma_start3A_115 : memref<640x128xf32, #tpu.memory_space<hbm>>) target_semaphore(%run_scoped3A : memref<!tpu.dma_semaphore, #tpu.memory_space<semaphore_mem>>)
      %dma_wait3A_118 = arith.constant 0 : i32
      %dma_wait3A_119 = tpu.memref_slice %arg5[%arg0, %mul3A_2, %dma_wait3A_118] : memref<2x10240x128xf32, #tpu.memory_space<hbm>> -> memref<1x640x128xf32, #tpu.memory_space<hbm>>
      %dma_wait3A_120 = tpu.memref_squeeze %dma_wait3A_119 : memref<1x640x128xf32, #tpu.memory_space<hbm>> -> memref<640x128xf32, #tpu.memory_space<hbm>>
      %dma_wait3A_121 = arith.constant 0 : i32
      %dma_wait3A_122 = tpu.memref_slice %arg8[%mul3A_2, %dma_wait3A_121] : memref<10240x128xf32, #tpu.memory_space<vmem_shared>> -> memref<640x128xf32, #tpu.memory_space<vmem_shared>>
      tpu.wait_dma2 semaphore(%run_scoped3A : memref<!tpu.dma_semaphore, #tpu.memory_space<semaphore_mem>>) src(%dma_wait3A_122 : memref<640x128xf32, #tpu.memory_space<vmem_shared>>) dst(%dma_wait3A_120 : memref<640x128xf32, #tpu.memory_space<hbm>>)
      tpu.yield
    }) : () -> ()
    return
  }
}

#map = affine_map<(d0, d1) -> (0, 0)>
module attributes {stable_mosaic.version = 14 : i64} {
  func.func @_sc_degree(%arg0: i32, %arg1: i32, %arg2: memref<2x320000xi32, #tpu.memory_space<hbm>>, %arg3: memref<2x10240xf32, #tpu.memory_space<hbm>>, %arg4: memref<2x10112xi32, #tpu.memory_space<vmem>>, %arg5: memref<10240xf32, #tpu.memory_space<vmem>>, %arg6: memref<16x640xf32, #tpu.memory_space<vmem>>, %arg7: memref<16x10240xf32, #tpu.memory_space<vmem_shared>>) attributes {dimension_semantics = [#tpu.dimension_semantics<core_parallel>, #tpu.dimension_semantics<subcore_parallel>], iteration_bounds = array<i64: 2, 16>, scalar_prefetch = 0 : i64, scratch_operands = 4 : i64, tpu.core_type = #tpu.core_type<sc_vector_subcore>, window_params = [{transform_indices = #map}, {transform_indices = #map}]} {
    %mul3A = arith.constant 2 : i32
    %mul3A_0 = arith.muli %arg1, %mul3A : i32
    %add3A = arith.addi %mul3A_0, %arg0 : i32
    %mul3A_1 = arith.constant 9984 : i32
    %mul3A_2 = arith.muli %add3A, %mul3A_1 : i32
    "tpu.region"() ({
      %run_scoped3A = tpu.sem_alloc : memref<!tpu.dma_semaphore, #tpu.memory_space<semaphore_mem>>
      %dma_start3A = arith.constant 0 : i32
      %dma_start3A_33 = arith.constant 0 : i32
      %dma_start3A_34 = tpu.memref_slice %arg4[%dma_start3A, %dma_start3A_33] : memref<2x10112xi32, #tpu.memory_space<vmem>> -> memref<2x9984xi32, #tpu.memory_space<vmem>>
      %dma_start3A_35 = arith.constant 0 : i32
      %dma_start3A_36 = tpu.memref_slice %arg2[%dma_start3A_35, %mul3A_2] : memref<2x320000xi32, #tpu.memory_space<hbm>> -> memref<2x9984xi32, #tpu.memory_space<hbm>>
      %dma_start3A_37 = arith.constant 0 : i32
      %dma_start3A_38 = arith.constant 0 : i32
      %dma_start3A_39 = tpu.memref_slice %arg4[%dma_start3A_37, %dma_start3A_38] : memref<2x10112xi32, #tpu.memory_space<vmem>> -> memref<2x9984xi32, #tpu.memory_space<vmem>>
      %dma_start3A_40 = arith.constant 0 : i32
      %dma_start3A_41 = tpu.memref_slice %arg2[%dma_start3A_40, %mul3A_2] : memref<2x320000xi32, #tpu.memory_space<hbm>> -> memref<2x9984xi32, #tpu.memory_space<hbm>>
      tpu.enqueue_dma source(%dma_start3A_41 : memref<2x9984xi32, #tpu.memory_space<hbm>>) target(%dma_start3A_39 : memref<2x9984xi32, #tpu.memory_space<vmem>>) target_semaphore(%run_scoped3A : memref<!tpu.dma_semaphore, #tpu.memory_space<semaphore_mem>>)
      %dma_wait3A = arith.constant 0 : i32
      %dma_wait3A_42 = arith.constant 0 : i32
      %dma_wait3A_43 = tpu.memref_slice %arg4[%dma_wait3A, %dma_wait3A_42] : memref<2x10112xi32, #tpu.memory_space<vmem>> -> memref<2x9984xi32, #tpu.memory_space<vmem>>
      %dma_wait3A_44 = arith.constant 0 : i32
      %dma_wait3A_45 = tpu.memref_slice %arg2[%dma_wait3A_44, %mul3A_2] : memref<2x320000xi32, #tpu.memory_space<hbm>> -> memref<2x9984xi32, #tpu.memory_space<hbm>>
      %dma_wait3A_46 = arith.constant 0 : i32
      %dma_wait3A_47 = arith.constant 0 : i32
      %dma_wait3A_48 = tpu.memref_slice %arg4[%dma_wait3A_46, %dma_wait3A_47] : memref<2x10112xi32, #tpu.memory_space<vmem>> -> memref<2x9984xi32, #tpu.memory_space<vmem>>
      %dma_wait3A_49 = arith.constant 0 : i32
      %dma_wait3A_50 = tpu.memref_slice %arg2[%dma_wait3A_49, %mul3A_2] : memref<2x320000xi32, #tpu.memory_space<hbm>> -> memref<2x9984xi32, #tpu.memory_space<hbm>>
      tpu.wait_dma2 semaphore(%run_scoped3A : memref<!tpu.dma_semaphore, #tpu.memory_space<semaphore_mem>>) src(%dma_wait3A_50 : memref<2x9984xi32, #tpu.memory_space<hbm>>) dst(%dma_wait3A_48 : memref<2x9984xi32, #tpu.memory_space<vmem>>)
      tpu.yield
    }) : () -> ()
    %lt3A = arith.constant 4 : i32
    %lt3A_3 = arith.cmpi slt, %add3A, %lt3A : i32
    %convert_element_type3A = arith.extui %lt3A_3 : i1 to i32
    %cond3A = arith.constant 0 : i32
    %cond3A_4 = arith.cmpi ne, %convert_element_type3A, %cond3A : i32
    scf.if %cond3A_4 {
      %mul3A_33 = arith.constant 128 : i32
      %mul3A_34 = arith.muli %add3A, %mul3A_33 : i32
      %add3A_35 = arith.constant 319488 : i32
      %add3A_36 = arith.addi %add3A_35, %mul3A_34 : i32
      "tpu.region"() ({
        %run_scoped3A = tpu.sem_alloc : memref<!tpu.dma_semaphore, #tpu.memory_space<semaphore_mem>>
        %dma_start3A = arith.constant 0 : i32
        %dma_start3A_37 = arith.constant 9984 : i32
        %dma_start3A_38 = tpu.memref_slice %arg4[%dma_start3A, %dma_start3A_37] : memref<2x10112xi32, #tpu.memory_space<vmem>> -> memref<2x128xi32, #tpu.memory_space<vmem>>
        %dma_start3A_39 = arith.constant 0 : i32
        %dma_start3A_40 = tpu.memref_slice %arg2[%dma_start3A_39, %add3A_36] : memref<2x320000xi32, #tpu.memory_space<hbm>> -> memref<2x128xi32, #tpu.memory_space<hbm>>
        %dma_start3A_41 = arith.constant 0 : i32
        %dma_start3A_42 = arith.constant 9984 : i32
        %dma_start3A_43 = tpu.memref_slice %arg4[%dma_start3A_41, %dma_start3A_42] : memref<2x10112xi32, #tpu.memory_space<vmem>> -> memref<2x128xi32, #tpu.memory_space<vmem>>
        %dma_start3A_44 = arith.constant 0 : i32
        %dma_start3A_45 = tpu.memref_slice %arg2[%dma_start3A_44, %add3A_36] : memref<2x320000xi32, #tpu.memory_space<hbm>> -> memref<2x128xi32, #tpu.memory_space<hbm>>
        tpu.enqueue_dma source(%dma_start3A_45 : memref<2x128xi32, #tpu.memory_space<hbm>>) target(%dma_start3A_43 : memref<2x128xi32, #tpu.memory_space<vmem>>) target_semaphore(%run_scoped3A : memref<!tpu.dma_semaphore, #tpu.memory_space<semaphore_mem>>)
        %dma_wait3A = arith.constant 0 : i32
        %dma_wait3A_46 = arith.constant 9984 : i32
        %dma_wait3A_47 = tpu.memref_slice %arg4[%dma_wait3A, %dma_wait3A_46] : memref<2x10112xi32, #tpu.memory_space<vmem>> -> memref<2x128xi32, #tpu.memory_space<vmem>>
        %dma_wait3A_48 = arith.constant 0 : i32
        %dma_wait3A_49 = tpu.memref_slice %arg2[%dma_wait3A_48, %add3A_36] : memref<2x320000xi32, #tpu.memory_space<hbm>> -> memref<2x128xi32, #tpu.memory_space<hbm>>
        %dma_wait3A_50 = arith.constant 0 : i32
        %dma_wait3A_51 = arith.constant 9984 : i32
        %dma_wait3A_52 = tpu.memref_slice %arg4[%dma_wait3A_50, %dma_wait3A_51] : memref<2x10112xi32, #tpu.memory_space<vmem>> -> memref<2x128xi32, #tpu.memory_space<vmem>>
        %dma_wait3A_53 = arith.constant 0 : i32
        %dma_wait3A_54 = tpu.memref_slice %arg2[%dma_wait3A_53, %add3A_36] : memref<2x320000xi32, #tpu.memory_space<hbm>> -> memref<2x128xi32, #tpu.memory_space<hbm>>
        tpu.wait_dma2 semaphore(%run_scoped3A : memref<!tpu.dma_semaphore, #tpu.memory_space<semaphore_mem>>) src(%dma_wait3A_54 : memref<2x128xi32, #tpu.memory_space<hbm>>) dst(%dma_wait3A_52 : memref<2x128xi32, #tpu.memory_space<vmem>>)
        tpu.yield
      }) : () -> ()
    } else {
    }
    %lt3A_5 = arith.constant 4 : i32
    %lt3A_6 = arith.cmpi slt, %add3A, %lt3A_5 : i32
    %jit3A = arith.constant 632 : i32
    %jit3A_7 = arith.constant 624 : i32
    %select_n3A = arith.select %lt3A_6, %jit3A, %jit3A_7 : i32
    %broadcast_in_dim3A = arith.constant 0.000000e+00 : f32
    %broadcast_in_dim3A_8 = vector.broadcast %broadcast_in_dim3A : f32 to vector<16xf32>
    %scan3A = arith.constant 0 : i32
    %scan3A_9 = arith.constant 0 : i32
    %scan3A_10 = arith.constant 640 : i32
    %scan3A_11 = arith.addi %scan3A_9, %scan3A_10 : i32
    %scan3A_12 = arith.constant 1 : i32
    scf.for %scan3A_33 = %scan3A_9 to %scan3A_11 step %scan3A_12  : i32 {
      %mul3A_34 = arith.constant 16 : i32
      %mul3A_35 = arith.muli %scan3A_33, %mul3A_34 : i32
      %swap3A = arith.index_cast %mul3A_35 : i32 to index
      %swap3A_36 = tpu.vector_load %arg5[%swap3A] {strides = array<i32>} : memref<10240xf32, #tpu.memory_space<vmem>>, vector<16xf32>,
      tpu.vector_store %arg5[%swap3A], %broadcast_in_dim3A_8 {strides = array<i32>} : memref<10240xf32, #tpu.memory_space<vmem>>, vector<16xf32>,
    }
    %scan3A_13 = arith.constant 640 : i32
    %broadcast_in_dim3A_14 = arith.constant 1.000000e+00 : f32
    %broadcast_in_dim3A_15 = vector.broadcast %broadcast_in_dim3A_14 : f32 to vector<16xf32>
    %while3A = arith.constant 0 : i32
    %while3A_16 = arith.constant 0 : i32
    %while3A_17 = arith.subi %select_n3A, %while3A_16 : i32
    %while3A_18 = arith.addi %while3A_16, %while3A_17 : i32
    %while3A_19 = arith.constant 1 : i32
    %while3A_20 = arith.divsi %while3A_17, %while3A_19 : i32
    %while3A_21 = arith.muli %while3A_20, %while3A_19 : i32
    %while3A_22 = arith.addi %while3A_16, %while3A_21 : i32
    %while3A_23 = arith.constant 1 : i32
    scf.for %while3A_33 = %while3A_16 to %while3A_22 step %while3A_23  : i32 {
      %mul3A_34 = arith.constant 16 : i32
      %mul3A_35 = arith.muli %while3A_33, %mul3A_34 : i32
      %get3A = arith.constant 1 : i32
      %get3A_36 = arith.index_cast %get3A : i32 to index
      %get3A_37 = arith.index_cast %mul3A_35 : i32 to index
      %get3A_38 = tpu.vector_load %arg4[%get3A_36, %get3A_37] {strides = array<i32>} : memref<2x10112xi32, #tpu.memory_space<vmem>>, vector<16xi32>,
      tpu.vector_store_idx %arg5[%get3A_38], %broadcast_in_dim3A_15 {add = true} : memref<10240xf32, #tpu.memory_space<vmem>>[vector<16xi32>], vector<16xf32>,
    }
    %while3A_24 = arith.constant 1 : i32
    scf.for %while3A_33 = %while3A_22 to %while3A_18 step %while3A_24  : i32 {
      %mul3A_34 = arith.constant 16 : i32
      %mul3A_35 = arith.muli %while3A_33, %mul3A_34 : i32
      %get3A = arith.constant 1 : i32
      %get3A_36 = arith.index_cast %get3A : i32 to index
      %get3A_37 = arith.index_cast %mul3A_35 : i32 to index
      %get3A_38 = tpu.vector_load %arg4[%get3A_36, %get3A_37] {strides = array<i32>} : memref<2x10112xi32, #tpu.memory_space<vmem>>, vector<16xi32>,
      tpu.vector_store_idx %arg5[%get3A_38], %broadcast_in_dim3A_15 {add = true} : memref<10240xf32, #tpu.memory_space<vmem>>[vector<16xi32>], vector<16xf32>,
    }
    %mul3A_25 = arith.constant 640 : i32
    %mul3A_26 = arith.muli %arg1, %mul3A_25 : i32
    "tpu.region"() ({
      %run_scoped3A = tpu.sem_alloc : memref<!tpu.dma_semaphore, #tpu.memory_space<semaphore_mem>>
      %dma_start3A = arith.constant 0 : i32
      %dma_start3A_33 = tpu.memref_slice %arg7[%arg1, %dma_start3A] : memref<16x10240xf32, #tpu.memory_space<vmem_shared>> -> memref<1x10240xf32, #tpu.memory_space<vmem_shared>>
      %dma_start3A_34 = tpu.memref_squeeze %dma_start3A_33 : memref<1x10240xf32, #tpu.memory_space<vmem_shared>> -> memref<10240xf32, #tpu.memory_space<vmem_shared>>
      %dma_start3A_35 = arith.constant 0 : i32
      %dma_start3A_36 = tpu.memref_slice %arg7[%arg1, %dma_start3A_35] : memref<16x10240xf32, #tpu.memory_space<vmem_shared>> -> memref<1x10240xf32, #tpu.memory_space<vmem_shared>>
      %dma_start3A_37 = tpu.memref_squeeze %dma_start3A_36 : memref<1x10240xf32, #tpu.memory_space<vmem_shared>> -> memref<10240xf32, #tpu.memory_space<vmem_shared>>
      tpu.enqueue_dma source(%arg5 : memref<10240xf32, #tpu.memory_space<vmem>>) target(%dma_start3A_37 : memref<10240xf32, #tpu.memory_space<vmem_shared>>) target_semaphore(%run_scoped3A : memref<!tpu.dma_semaphore, #tpu.memory_space<semaphore_mem>>)
      %dma_wait3A = arith.constant 0 : i32
      %dma_wait3A_38 = tpu.memref_slice %arg7[%arg1, %dma_wait3A] : memref<16x10240xf32, #tpu.memory_space<vmem_shared>> -> memref<1x10240xf32, #tpu.memory_space<vmem_shared>>
      %dma_wait3A_39 = tpu.memref_squeeze %dma_wait3A_38 : memref<1x10240xf32, #tpu.memory_space<vmem_shared>> -> memref<10240xf32, #tpu.memory_space<vmem_shared>>
      %dma_wait3A_40 = arith.constant 0 : i32
      %dma_wait3A_41 = tpu.memref_slice %arg7[%arg1, %dma_wait3A_40] : memref<16x10240xf32, #tpu.memory_space<vmem_shared>> -> memref<1x10240xf32, #tpu.memory_space<vmem_shared>>
      %dma_wait3A_42 = tpu.memref_squeeze %dma_wait3A_41 : memref<1x10240xf32, #tpu.memory_space<vmem_shared>> -> memref<10240xf32, #tpu.memory_space<vmem_shared>>
      tpu.wait_dma2 semaphore(%run_scoped3A : memref<!tpu.dma_semaphore, #tpu.memory_space<semaphore_mem>>) src(%arg5 : memref<10240xf32, #tpu.memory_space<vmem>>) dst(%dma_wait3A_42 : memref<10240xf32, #tpu.memory_space<vmem_shared>>)
      tpu.yield
    }) : () -> ()
    %barrier3A = arith.constant 0 : index
    tpu.barrier barrier_id(%barrier3A)
    "tpu.region"() ({
      %run_scoped3A = tpu.sem_alloc : memref<!tpu.dma_semaphore, #tpu.memory_space<semaphore_mem>>
      %dma_start3A = arith.constant 0 : i32
      %dma_start3A_33 = tpu.memref_slice %arg7[%dma_start3A, %mul3A_26] : memref<16x10240xf32, #tpu.memory_space<vmem_shared>> -> memref<16x640xf32, #tpu.memory_space<vmem_shared>>
      %dma_start3A_34 = arith.constant 0 : i32
      %dma_start3A_35 = tpu.memref_slice %arg7[%dma_start3A_34, %mul3A_26] : memref<16x10240xf32, #tpu.memory_space<vmem_shared>> -> memref<16x640xf32, #tpu.memory_space<vmem_shared>>
      tpu.enqueue_dma source(%dma_start3A_35 : memref<16x640xf32, #tpu.memory_space<vmem_shared>>) target(%arg6 : memref<16x640xf32, #tpu.memory_space<vmem>>) target_semaphore(%run_scoped3A : memref<!tpu.dma_semaphore, #tpu.memory_space<semaphore_mem>>)
      %dma_wait3A = arith.constant 0 : i32
      %dma_wait3A_36 = tpu.memref_slice %arg7[%dma_wait3A, %mul3A_26] : memref<16x10240xf32, #tpu.memory_space<vmem_shared>> -> memref<16x640xf32, #tpu.memory_space<vmem_shared>>
      %dma_wait3A_37 = arith.constant 0 : i32
      %dma_wait3A_38 = tpu.memref_slice %arg7[%dma_wait3A_37, %mul3A_26] : memref<16x10240xf32, #tpu.memory_space<vmem_shared>> -> memref<16x640xf32, #tpu.memory_space<vmem_shared>>
      tpu.wait_dma2 semaphore(%run_scoped3A : memref<!tpu.dma_semaphore, #tpu.memory_space<semaphore_mem>>) src(%dma_wait3A_38 : memref<16x640xf32, #tpu.memory_space<vmem_shared>>) dst(%arg6 : memref<16x640xf32, #tpu.memory_space<vmem>>)
      tpu.yield
    }) : () -> ()
    %scan3A_27 = arith.constant 0 : i32
    %scan3A_28 = arith.constant 0 : i32
    %scan3A_29 = arith.constant 40 : i32
    %scan3A_30 = arith.addi %scan3A_28, %scan3A_29 : i32
    %scan3A_31 = arith.constant 1 : i32
    scf.for %scan3A_33 = %scan3A_28 to %scan3A_30 step %scan3A_31  : i32 {
      %mul3A_34 = arith.constant 16 : i32
      %mul3A_35 = arith.muli %scan3A_33, %mul3A_34 : i32
      %get3A = arith.constant 0 : i32
      %get3A_36 = arith.index_cast %get3A : i32 to index
      %get3A_37 = arith.index_cast %mul3A_35 : i32 to index
      %get3A_38 = tpu.vector_load %arg6[%get3A_36, %get3A_37] {strides = array<i32>} : memref<16x640xf32, #tpu.memory_space<vmem>>, vector<16xf32>,
      %get3A_39 = arith.constant 1 : i32
      %get3A_40 = arith.index_cast %get3A_39 : i32 to index
      %get3A_41 = arith.index_cast %mul3A_35 : i32 to index
      %get3A_42 = tpu.vector_load %arg6[%get3A_40, %get3A_41] {strides = array<i32>} : memref<16x640xf32, #tpu.memory_space<vmem>>, vector<16xf32>,
      %add3A_43 = arith.addf %get3A_38, %get3A_42 : vector<16xf32>
      %get3A_44 = arith.constant 2 : i32
      %get3A_45 = arith.index_cast %get3A_44 : i32 to index
      %get3A_46 = arith.index_cast %mul3A_35 : i32 to index
      %get3A_47 = tpu.vector_load %arg6[%get3A_45, %get3A_46] {strides = array<i32>} : memref<16x640xf32, #tpu.memory_space<vmem>>, vector<16xf32>,
      %add3A_48 = arith.addf %add3A_43, %get3A_47 : vector<16xf32>
      %get3A_49 = arith.constant 3 : i32
      %get3A_50 = arith.index_cast %get3A_49 : i32 to index
      %get3A_51 = arith.index_cast %mul3A_35 : i32 to index
      %get3A_52 = tpu.vector_load %arg6[%get3A_50, %get3A_51] {strides = array<i32>} : memref<16x640xf32, #tpu.memory_space<vmem>>, vector<16xf32>,
      %add3A_53 = arith.addf %add3A_48, %get3A_52 : vector<16xf32>
      %get3A_54 = arith.constant 4 : i32
      %get3A_55 = arith.index_cast %get3A_54 : i32 to index
      %get3A_56 = arith.index_cast %mul3A_35 : i32 to index
      %get3A_57 = tpu.vector_load %arg6[%get3A_55, %get3A_56] {strides = array<i32>} : memref<16x640xf32, #tpu.memory_space<vmem>>, vector<16xf32>,
      %add3A_58 = arith.addf %add3A_53, %get3A_57 : vector<16xf32>
      %get3A_59 = arith.constant 5 : i32
      %get3A_60 = arith.index_cast %get3A_59 : i32 to index
      %get3A_61 = arith.index_cast %mul3A_35 : i32 to index
      %get3A_62 = tpu.vector_load %arg6[%get3A_60, %get3A_61] {strides = array<i32>} : memref<16x640xf32, #tpu.memory_space<vmem>>, vector<16xf32>,
      %add3A_63 = arith.addf %add3A_58, %get3A_62 : vector<16xf32>
      %get3A_64 = arith.constant 6 : i32
      %get3A_65 = arith.index_cast %get3A_64 : i32 to index
      %get3A_66 = arith.index_cast %mul3A_35 : i32 to index
      %get3A_67 = tpu.vector_load %arg6[%get3A_65, %get3A_66] {strides = array<i32>} : memref<16x640xf32, #tpu.memory_space<vmem>>, vector<16xf32>,
      %add3A_68 = arith.addf %add3A_63, %get3A_67 : vector<16xf32>
      %get3A_69 = arith.constant 7 : i32
      %get3A_70 = arith.index_cast %get3A_69 : i32 to index
      %get3A_71 = arith.index_cast %mul3A_35 : i32 to index
      %get3A_72 = tpu.vector_load %arg6[%get3A_70, %get3A_71] {strides = array<i32>} : memref<16x640xf32, #tpu.memory_space<vmem>>, vector<16xf32>,
      %add3A_73 = arith.addf %add3A_68, %get3A_72 : vector<16xf32>
      %get3A_74 = arith.constant 8 : i32
      %get3A_75 = arith.index_cast %get3A_74 : i32 to index
      %get3A_76 = arith.index_cast %mul3A_35 : i32 to index
      %get3A_77 = tpu.vector_load %arg6[%get3A_75, %get3A_76] {strides = array<i32>} : memref<16x640xf32, #tpu.memory_space<vmem>>, vector<16xf32>,
      %add3A_78 = arith.addf %add3A_73, %get3A_77 : vector<16xf32>
      %get3A_79 = arith.constant 9 : i32
      %get3A_80 = arith.index_cast %get3A_79 : i32 to index
      %get3A_81 = arith.index_cast %mul3A_35 : i32 to index
      %get3A_82 = tpu.vector_load %arg6[%get3A_80, %get3A_81] {strides = array<i32>} : memref<16x640xf32, #tpu.memory_space<vmem>>, vector<16xf32>,
      %add3A_83 = arith.addf %add3A_78, %get3A_82 : vector<16xf32>
      %get3A_84 = arith.constant 10 : i32
      %get3A_85 = arith.index_cast %get3A_84 : i32 to index
      %get3A_86 = arith.index_cast %mul3A_35 : i32 to index
      %get3A_87 = tpu.vector_load %arg6[%get3A_85, %get3A_86] {strides = array<i32>} : memref<16x640xf32, #tpu.memory_space<vmem>>, vector<16xf32>,
      %add3A_88 = arith.addf %add3A_83, %get3A_87 : vector<16xf32>
      %get3A_89 = arith.constant 11 : i32
      %get3A_90 = arith.index_cast %get3A_89 : i32 to index
      %get3A_91 = arith.index_cast %mul3A_35 : i32 to index
      %get3A_92 = tpu.vector_load %arg6[%get3A_90, %get3A_91] {strides = array<i32>} : memref<16x640xf32, #tpu.memory_space<vmem>>, vector<16xf32>,
      %add3A_93 = arith.addf %add3A_88, %get3A_92 : vector<16xf32>
      %get3A_94 = arith.constant 12 : i32
      %get3A_95 = arith.index_cast %get3A_94 : i32 to index
      %get3A_96 = arith.index_cast %mul3A_35 : i32 to index
      %get3A_97 = tpu.vector_load %arg6[%get3A_95, %get3A_96] {strides = array<i32>} : memref<16x640xf32, #tpu.memory_space<vmem>>, vector<16xf32>,
      %add3A_98 = arith.addf %add3A_93, %get3A_97 : vector<16xf32>
      %get3A_99 = arith.constant 13 : i32
      %get3A_100 = arith.index_cast %get3A_99 : i32 to index
      %get3A_101 = arith.index_cast %mul3A_35 : i32 to index
      %get3A_102 = tpu.vector_load %arg6[%get3A_100, %get3A_101] {strides = array<i32>} : memref<16x640xf32, #tpu.memory_space<vmem>>, vector<16xf32>,
      %add3A_103 = arith.addf %add3A_98, %get3A_102 : vector<16xf32>
      %get3A_104 = arith.constant 14 : i32
      %get3A_105 = arith.index_cast %get3A_104 : i32 to index
      %get3A_106 = arith.index_cast %mul3A_35 : i32 to index
      %get3A_107 = tpu.vector_load %arg6[%get3A_105, %get3A_106] {strides = array<i32>} : memref<16x640xf32, #tpu.memory_space<vmem>>, vector<16xf32>,
      %add3A_108 = arith.addf %add3A_103, %get3A_107 : vector<16xf32>
      %get3A_109 = arith.constant 15 : i32
      %get3A_110 = arith.index_cast %get3A_109 : i32 to index
      %get3A_111 = arith.index_cast %mul3A_35 : i32 to index
      %get3A_112 = tpu.vector_load %arg6[%get3A_110, %get3A_111] {strides = array<i32>} : memref<16x640xf32, #tpu.memory_space<vmem>>, vector<16xf32>,
      %add3A_113 = arith.addf %add3A_108, %get3A_112 : vector<16xf32>
      %swap3A = arith.index_cast %mul3A_35 : i32 to index
      %swap3A_114 = tpu.vector_load %arg5[%swap3A] {strides = array<i32>} : memref<10240xf32, #tpu.memory_space<vmem>>, vector<16xf32>,
      tpu.vector_store %arg5[%swap3A], %add3A_113 {strides = array<i32>} : memref<10240xf32, #tpu.memory_space<vmem>>, vector<16xf32>,
    }
    %scan3A_32 = arith.constant 40 : i32
    "tpu.region"() ({
      %run_scoped3A = tpu.sem_alloc : memref<!tpu.dma_semaphore, #tpu.memory_space<semaphore_mem>>
      %dma_start3A = arith.constant 0 : i32
      %dma_start3A_33 = tpu.memref_slice %arg5[%dma_start3A] : memref<10240xf32, #tpu.memory_space<vmem>> -> memref<640xf32, #tpu.memory_space<vmem>>
      %dma_start3A_34 = tpu.memref_slice %arg3[%arg0, %mul3A_26] : memref<2x10240xf32, #tpu.memory_space<hbm>> -> memref<1x640xf32, #tpu.memory_space<hbm>>
      %dma_start3A_35 = tpu.memref_squeeze %dma_start3A_34 : memref<1x640xf32, #tpu.memory_space<hbm>> -> memref<640xf32, #tpu.memory_space<hbm>>
      %dma_start3A_36 = tpu.memref_slice %arg3[%arg0, %mul3A_26] : memref<2x10240xf32, #tpu.memory_space<hbm>> -> memref<1x640xf32, #tpu.memory_space<hbm>>
      %dma_start3A_37 = tpu.memref_squeeze %dma_start3A_36 : memref<1x640xf32, #tpu.memory_space<hbm>> -> memref<640xf32, #tpu.memory_space<hbm>>
      %dma_start3A_38 = arith.constant 0 : i32
      %dma_start3A_39 = tpu.memref_slice %arg5[%dma_start3A_38] : memref<10240xf32, #tpu.memory_space<vmem>> -> memref<640xf32, #tpu.memory_space<vmem>>
      tpu.enqueue_dma source(%dma_start3A_39 : memref<640xf32, #tpu.memory_space<vmem>>) target(%dma_start3A_37 : memref<640xf32, #tpu.memory_space<hbm>>) target_semaphore(%run_scoped3A : memref<!tpu.dma_semaphore, #tpu.memory_space<semaphore_mem>>)
      %dma_wait3A = arith.constant 0 : i32
      %dma_wait3A_40 = tpu.memref_slice %arg5[%dma_wait3A] : memref<10240xf32, #tpu.memory_space<vmem>> -> memref<640xf32, #tpu.memory_space<vmem>>
      %dma_wait3A_41 = tpu.memref_slice %arg3[%arg0, %mul3A_26] : memref<2x10240xf32, #tpu.memory_space<hbm>> -> memref<1x640xf32, #tpu.memory_space<hbm>>
      %dma_wait3A_42 = tpu.memref_squeeze %dma_wait3A_41 : memref<1x640xf32, #tpu.memory_space<hbm>> -> memref<640xf32, #tpu.memory_space<hbm>>
      %dma_wait3A_43 = tpu.memref_slice %arg3[%arg0, %mul3A_26] : memref<2x10240xf32, #tpu.memory_space<hbm>> -> memref<1x640xf32, #tpu.memory_space<hbm>>
      %dma_wait3A_44 = tpu.memref_squeeze %dma_wait3A_43 : memref<1x640xf32, #tpu.memory_space<hbm>> -> memref<640xf32, #tpu.memory_space<hbm>>
      %dma_wait3A_45 = arith.constant 0 : i32
      %dma_wait3A_46 = tpu.memref_slice %arg5[%dma_wait3A_45] : memref<10240xf32, #tpu.memory_space<vmem>> -> memref<640xf32, #tpu.memory_space<vmem>>
      tpu.wait_dma2 semaphore(%run_scoped3A : memref<!tpu.dma_semaphore, #tpu.memory_space<semaphore_mem>>) src(%dma_wait3A_46 : memref<640xf32, #tpu.memory_space<vmem>>) dst(%dma_wait3A_44 : memref<640xf32, #tpu.memory_space<hbm>>)
      tpu.yield
    }) : () -> ()
    return
  }
}

#map = affine_map<(d0, d1) -> (0)>
#map1 = affine_map<(d0, d1) -> (0, 0)>
module attributes {stable_mosaic.version = 14 : i64} {
  func.func @_sc_agg_scalar(%arg0: i32, %arg1: i32, %arg2: memref<10000xf32, #tpu.memory_space<hbm>>, %arg3: memref<2x320000xi32, #tpu.memory_space<hbm>>, %arg4: memref<2x10240xf32, #tpu.memory_space<hbm>>, %arg5: memref<2x10112xi32, #tpu.memory_space<vmem>>, %arg6: memref<10000xf32, #tpu.memory_space<vmem>>, %arg7: memref<10240xf32, #tpu.memory_space<vmem>>, %arg8: memref<16x640xf32, #tpu.memory_space<vmem>>, %arg9: memref<16x10240xf32, #tpu.memory_space<vmem_shared>>) attributes {dimension_semantics = [#tpu.dimension_semantics<core_parallel>, #tpu.dimension_semantics<subcore_parallel>], iteration_bounds = array<i64: 2, 16>, scalar_prefetch = 0 : i64, scratch_operands = 5 : i64, tpu.core_type = #tpu.core_type<sc_vector_subcore>, window_params = [{transform_indices = #map}, {transform_indices = #map1}, {transform_indices = #map1}]} {
    %mul3A = arith.constant 2 : i32
    %mul3A_0 = arith.muli %arg1, %mul3A : i32
    %add3A = arith.addi %mul3A_0, %arg0 : i32
    %mul3A_1 = arith.constant 9984 : i32
    %mul3A_2 = arith.muli %add3A, %mul3A_1 : i32
    "tpu.region"() ({
      %run_scoped3A = tpu.sem_alloc : memref<!tpu.dma_semaphore, #tpu.memory_space<semaphore_mem>>
      %dma_start3A = arith.constant 0 : i32
      %dma_start3A_31 = arith.constant 0 : i32
      %dma_start3A_32 = tpu.memref_slice %arg5[%dma_start3A, %dma_start3A_31] : memref<2x10112xi32, #tpu.memory_space<vmem>> -> memref<2x9984xi32, #tpu.memory_space<vmem>>
      %dma_start3A_33 = arith.constant 0 : i32
      %dma_start3A_34 = tpu.memref_slice %arg3[%dma_start3A_33, %mul3A_2] : memref<2x320000xi32, #tpu.memory_space<hbm>> -> memref<2x9984xi32, #tpu.memory_space<hbm>>
      %dma_start3A_35 = arith.constant 0 : i32
      %dma_start3A_36 = arith.constant 0 : i32
      %dma_start3A_37 = tpu.memref_slice %arg5[%dma_start3A_35, %dma_start3A_36] : memref<2x10112xi32, #tpu.memory_space<vmem>> -> memref<2x9984xi32, #tpu.memory_space<vmem>>
      %dma_start3A_38 = arith.constant 0 : i32
      %dma_start3A_39 = tpu.memref_slice %arg3[%dma_start3A_38, %mul3A_2] : memref<2x320000xi32, #tpu.memory_space<hbm>> -> memref<2x9984xi32, #tpu.memory_space<hbm>>
      tpu.enqueue_dma source(%dma_start3A_39 : memref<2x9984xi32, #tpu.memory_space<hbm>>) target(%dma_start3A_37 : memref<2x9984xi32, #tpu.memory_space<vmem>>) target_semaphore(%run_scoped3A : memref<!tpu.dma_semaphore, #tpu.memory_space<semaphore_mem>>)
      %dma_wait3A = arith.constant 0 : i32
      %dma_wait3A_40 = arith.constant 0 : i32
      %dma_wait3A_41 = tpu.memref_slice %arg5[%dma_wait3A, %dma_wait3A_40] : memref<2x10112xi32, #tpu.memory_space<vmem>> -> memref<2x9984xi32, #tpu.memory_space<vmem>>
      %dma_wait3A_42 = arith.constant 0 : i32
      %dma_wait3A_43 = tpu.memref_slice %arg3[%dma_wait3A_42, %mul3A_2] : memref<2x320000xi32, #tpu.memory_space<hbm>> -> memref<2x9984xi32, #tpu.memory_space<hbm>>
      %dma_wait3A_44 = arith.constant 0 : i32
      %dma_wait3A_45 = arith.constant 0 : i32
      %dma_wait3A_46 = tpu.memref_slice %arg5[%dma_wait3A_44, %dma_wait3A_45] : memref<2x10112xi32, #tpu.memory_space<vmem>> -> memref<2x9984xi32, #tpu.memory_space<vmem>>
      %dma_wait3A_47 = arith.constant 0 : i32
      %dma_wait3A_48 = tpu.memref_slice %arg3[%dma_wait3A_47, %mul3A_2] : memref<2x320000xi32, #tpu.memory_space<hbm>> -> memref<2x9984xi32, #tpu.memory_space<hbm>>
      tpu.wait_dma2 semaphore(%run_scoped3A : memref<!tpu.dma_semaphore, #tpu.memory_space<semaphore_mem>>) src(%dma_wait3A_48 : memref<2x9984xi32, #tpu.memory_space<hbm>>) dst(%dma_wait3A_46 : memref<2x9984xi32, #tpu.memory_space<vmem>>)
      tpu.yield
    }) : () -> ()
    %lt3A = arith.constant 4 : i32
    %lt3A_3 = arith.cmpi slt, %add3A, %lt3A : i32
    %convert_element_type3A = arith.extui %lt3A_3 : i1 to i32
    %cond3A = arith.constant 0 : i32
    %cond3A_4 = arith.cmpi ne, %convert_element_type3A, %cond3A : i32
    scf.if %cond3A_4 {
      %mul3A_31 = arith.constant 128 : i32
      %mul3A_32 = arith.muli %add3A, %mul3A_31 : i32
      %add3A_33 = arith.constant 319488 : i32
      %add3A_34 = arith.addi %add3A_33, %mul3A_32 : i32
      "tpu.region"() ({
        %run_scoped3A = tpu.sem_alloc : memref<!tpu.dma_semaphore, #tpu.memory_space<semaphore_mem>>
        %dma_start3A = arith.constant 0 : i32
        %dma_start3A_35 = arith.constant 9984 : i32
        %dma_start3A_36 = tpu.memref_slice %arg5[%dma_start3A, %dma_start3A_35] : memref<2x10112xi32, #tpu.memory_space<vmem>> -> memref<2x128xi32, #tpu.memory_space<vmem>>
        %dma_start3A_37 = arith.constant 0 : i32
        %dma_start3A_38 = tpu.memref_slice %arg3[%dma_start3A_37, %add3A_34] : memref<2x320000xi32, #tpu.memory_space<hbm>> -> memref<2x128xi32, #tpu.memory_space<hbm>>
        %dma_start3A_39 = arith.constant 0 : i32
        %dma_start3A_40 = arith.constant 9984 : i32
        %dma_start3A_41 = tpu.memref_slice %arg5[%dma_start3A_39, %dma_start3A_40] : memref<2x10112xi32, #tpu.memory_space<vmem>> -> memref<2x128xi32, #tpu.memory_space<vmem>>
        %dma_start3A_42 = arith.constant 0 : i32
        %dma_start3A_43 = tpu.memref_slice %arg3[%dma_start3A_42, %add3A_34] : memref<2x320000xi32, #tpu.memory_space<hbm>> -> memref<2x128xi32, #tpu.memory_space<hbm>>
        tpu.enqueue_dma source(%dma_start3A_43 : memref<2x128xi32, #tpu.memory_space<hbm>>) target(%dma_start3A_41 : memref<2x128xi32, #tpu.memory_space<vmem>>) target_semaphore(%run_scoped3A : memref<!tpu.dma_semaphore, #tpu.memory_space<semaphore_mem>>)
        %dma_wait3A = arith.constant 0 : i32
        %dma_wait3A_44 = arith.constant 9984 : i32
        %dma_wait3A_45 = tpu.memref_slice %arg5[%dma_wait3A, %dma_wait3A_44] : memref<2x10112xi32, #tpu.memory_space<vmem>> -> memref<2x128xi32, #tpu.memory_space<vmem>>
        %dma_wait3A_46 = arith.constant 0 : i32
        %dma_wait3A_47 = tpu.memref_slice %arg3[%dma_wait3A_46, %add3A_34] : memref<2x320000xi32, #tpu.memory_space<hbm>> -> memref<2x128xi32, #tpu.memory_space<hbm>>
        %dma_wait3A_48 = arith.constant 0 : i32
        %dma_wait3A_49 = arith.constant 9984 : i32
        %dma_wait3A_50 = tpu.memref_slice %arg5[%dma_wait3A_48, %dma_wait3A_49] : memref<2x10112xi32, #tpu.memory_space<vmem>> -> memref<2x128xi32, #tpu.memory_space<vmem>>
        %dma_wait3A_51 = arith.constant 0 : i32
        %dma_wait3A_52 = tpu.memref_slice %arg3[%dma_wait3A_51, %add3A_34] : memref<2x320000xi32, #tpu.memory_space<hbm>> -> memref<2x128xi32, #tpu.memory_space<hbm>>
        tpu.wait_dma2 semaphore(%run_scoped3A : memref<!tpu.dma_semaphore, #tpu.memory_space<semaphore_mem>>) src(%dma_wait3A_52 : memref<2x128xi32, #tpu.memory_space<hbm>>) dst(%dma_wait3A_50 : memref<2x128xi32, #tpu.memory_space<vmem>>)
        tpu.yield
      }) : () -> ()
    } else {
    }
    %lt3A_5 = arith.constant 4 : i32
    %lt3A_6 = arith.cmpi slt, %add3A, %lt3A_5 : i32
    %jit3A = arith.constant 632 : i32
    %jit3A_7 = arith.constant 624 : i32
    %select_n3A = arith.select %lt3A_6, %jit3A, %jit3A_7 : i32
    "tpu.region"() ({
      %run_scoped3A = tpu.sem_alloc : memref<!tpu.dma_semaphore, #tpu.memory_space<semaphore_mem>>
      tpu.enqueue_dma source(%arg2 : memref<10000xf32, #tpu.memory_space<hbm>>) target(%arg6 : memref<10000xf32, #tpu.memory_space<vmem>>) target_semaphore(%run_scoped3A : memref<!tpu.dma_semaphore, #tpu.memory_space<semaphore_mem>>)
      tpu.wait_dma2 semaphore(%run_scoped3A : memref<!tpu.dma_semaphore, #tpu.memory_space<semaphore_mem>>) src(%arg2 : memref<10000xf32, #tpu.memory_space<hbm>>) dst(%arg6 : memref<10000xf32, #tpu.memory_space<vmem>>)
      tpu.yield
    }) : () -> ()
    %broadcast_in_dim3A = arith.constant 0.000000e+00 : f32
    %broadcast_in_dim3A_8 = vector.broadcast %broadcast_in_dim3A : f32 to vector<16xf32>
    %scan3A = arith.constant 0 : i32
    %scan3A_9 = arith.constant 0 : i32
    %scan3A_10 = arith.constant 640 : i32
    %scan3A_11 = arith.addi %scan3A_9, %scan3A_10 : i32
    %scan3A_12 = arith.constant 1 : i32
    scf.for %scan3A_31 = %scan3A_9 to %scan3A_11 step %scan3A_12  : i32 {
      %mul3A_32 = arith.constant 16 : i32
      %mul3A_33 = arith.muli %scan3A_31, %mul3A_32 : i32
      %swap3A = arith.index_cast %mul3A_33 : i32 to index
      %swap3A_34 = tpu.vector_load %arg7[%swap3A] {strides = array<i32>} : memref<10240xf32, #tpu.memory_space<vmem>>, vector<16xf32>,
      tpu.vector_store %arg7[%swap3A], %broadcast_in_dim3A_8 {strides = array<i32>} : memref<10240xf32, #tpu.memory_space<vmem>>, vector<16xf32>,
    }
    %scan3A_13 = arith.constant 640 : i32
    %while3A = arith.constant 0 : i32
    %while3A_14 = arith.constant 0 : i32
    %while3A_15 = arith.subi %select_n3A, %while3A_14 : i32
    %while3A_16 = arith.addi %while3A_14, %while3A_15 : i32
    %while3A_17 = arith.constant 1 : i32
    %while3A_18 = arith.divsi %while3A_15, %while3A_17 : i32
    %while3A_19 = arith.muli %while3A_18, %while3A_17 : i32
    %while3A_20 = arith.addi %while3A_14, %while3A_19 : i32
    %while3A_21 = arith.constant 1 : i32
    scf.for %while3A_31 = %while3A_14 to %while3A_20 step %while3A_21  : i32 {
      %mul3A_32 = arith.constant 16 : i32
      %mul3A_33 = arith.muli %while3A_31, %mul3A_32 : i32
      %get3A = arith.constant 0 : i32
      %get3A_34 = arith.index_cast %get3A : i32 to index
      %get3A_35 = arith.index_cast %mul3A_33 : i32 to index
      %get3A_36 = tpu.vector_load %arg5[%get3A_34, %get3A_35] {strides = array<i32>} : memref<2x10112xi32, #tpu.memory_space<vmem>>, vector<16xi32>,
      %mul3A_37 = arith.constant 16 : i32
      %mul3A_38 = arith.muli %while3A_31, %mul3A_37 : i32
      %get3A_39 = arith.constant 1 : i32
      %get3A_40 = arith.index_cast %get3A_39 : i32 to index
      %get3A_41 = arith.index_cast %mul3A_38 : i32 to index
      %get3A_42 = tpu.vector_load %arg5[%get3A_40, %get3A_41] {strides = array<i32>} : memref<2x10112xi32, #tpu.memory_space<vmem>>, vector<16xi32>,
      %gather3A = tpu.vector_load_idx %arg6[%get3A_36] : memref<10000xf32, #tpu.memory_space<vmem>>[vector<16xi32>], vector<16xf32>,
      tpu.vector_store_idx %arg7[%get3A_42], %gather3A {add = true} : memref<10240xf32, #tpu.memory_space<vmem>>[vector<16xi32>], vector<16xf32>,
    }
    %while3A_22 = arith.constant 1 : i32
    scf.for %while3A_31 = %while3A_20 to %while3A_16 step %while3A_22  : i32 {
      %mul3A_32 = arith.constant 16 : i32
      %mul3A_33 = arith.muli %while3A_31, %mul3A_32 : i32
      %get3A = arith.constant 0 : i32
      %get3A_34 = arith.index_cast %get3A : i32 to index
      %get3A_35 = arith.index_cast %mul3A_33 : i32 to index
      %get3A_36 = tpu.vector_load %arg5[%get3A_34, %get3A_35] {strides = array<i32>} : memref<2x10112xi32, #tpu.memory_space<vmem>>, vector<16xi32>,
      %mul3A_37 = arith.constant 16 : i32
      %mul3A_38 = arith.muli %while3A_31, %mul3A_37 : i32
      %get3A_39 = arith.constant 1 : i32
      %get3A_40 = arith.index_cast %get3A_39 : i32 to index
      %get3A_41 = arith.index_cast %mul3A_38 : i32 to index
      %get3A_42 = tpu.vector_load %arg5[%get3A_40, %get3A_41] {strides = array<i32>} : memref<2x10112xi32, #tpu.memory_space<vmem>>, vector<16xi32>,
      %gather3A = tpu.vector_load_idx %arg6[%get3A_36] : memref<10000xf32, #tpu.memory_space<vmem>>[vector<16xi32>], vector<16xf32>,
      tpu.vector_store_idx %arg7[%get3A_42], %gather3A {add = true} : memref<10240xf32, #tpu.memory_space<vmem>>[vector<16xi32>], vector<16xf32>,
    }
    %mul3A_23 = arith.constant 640 : i32
    %mul3A_24 = arith.muli %arg1, %mul3A_23 : i32
    "tpu.region"() ({
      %run_scoped3A = tpu.sem_alloc : memref<!tpu.dma_semaphore, #tpu.memory_space<semaphore_mem>>
      %dma_start3A = arith.constant 0 : i32
      %dma_start3A_31 = tpu.memref_slice %arg9[%arg1, %dma_start3A] : memref<16x10240xf32, #tpu.memory_space<vmem_shared>> -> memref<1x10240xf32, #tpu.memory_space<vmem_shared>>
      %dma_start3A_32 = tpu.memref_squeeze %dma_start3A_31 : memref<1x10240xf32, #tpu.memory_space<vmem_shared>> -> memref<10240xf32, #tpu.memory_space<vmem_shared>>
      %dma_start3A_33 = arith.constant 0 : i32
      %dma_start3A_34 = tpu.memref_slice %arg9[%arg1, %dma_start3A_33] : memref<16x10240xf32, #tpu.memory_space<vmem_shared>> -> memref<1x10240xf32, #tpu.memory_space<vmem_shared>>
      %dma_start3A_35 = tpu.memref_squeeze %dma_start3A_34 : memref<1x10240xf32, #tpu.memory_space<vmem_shared>> -> memref<10240xf32, #tpu.memory_space<vmem_shared>>
      tpu.enqueue_dma source(%arg7 : memref<10240xf32, #tpu.memory_space<vmem>>) target(%dma_start3A_35 : memref<10240xf32, #tpu.memory_space<vmem_shared>>) target_semaphore(%run_scoped3A : memref<!tpu.dma_semaphore, #tpu.memory_space<semaphore_mem>>)
      %dma_wait3A = arith.constant 0 : i32
      %dma_wait3A_36 = tpu.memref_slice %arg9[%arg1, %dma_wait3A] : memref<16x10240xf32, #tpu.memory_space<vmem_shared>> -> memref<1x10240xf32, #tpu.memory_space<vmem_shared>>
      %dma_wait3A_37 = tpu.memref_squeeze %dma_wait3A_36 : memref<1x10240xf32, #tpu.memory_space<vmem_shared>> -> memref<10240xf32, #tpu.memory_space<vmem_shared>>
      %dma_wait3A_38 = arith.constant 0 : i32
      %dma_wait3A_39 = tpu.memref_slice %arg9[%arg1, %dma_wait3A_38] : memref<16x10240xf32, #tpu.memory_space<vmem_shared>> -> memref<1x10240xf32, #tpu.memory_space<vmem_shared>>
      %dma_wait3A_40 = tpu.memref_squeeze %dma_wait3A_39 : memref<1x10240xf32, #tpu.memory_space<vmem_shared>> -> memref<10240xf32, #tpu.memory_space<vmem_shared>>
      tpu.wait_dma2 semaphore(%run_scoped3A : memref<!tpu.dma_semaphore, #tpu.memory_space<semaphore_mem>>) src(%arg7 : memref<10240xf32, #tpu.memory_space<vmem>>) dst(%dma_wait3A_40 : memref<10240xf32, #tpu.memory_space<vmem_shared>>)
      tpu.yield
    }) : () -> ()
    %barrier3A = arith.constant 0 : index
    tpu.barrier barrier_id(%barrier3A)
    "tpu.region"() ({
      %run_scoped3A = tpu.sem_alloc : memref<!tpu.dma_semaphore, #tpu.memory_space<semaphore_mem>>
      %dma_start3A = arith.constant 0 : i32
      %dma_start3A_31 = tpu.memref_slice %arg9[%dma_start3A, %mul3A_24] : memref<16x10240xf32, #tpu.memory_space<vmem_shared>> -> memref<16x640xf32, #tpu.memory_space<vmem_shared>>
      %dma_start3A_32 = arith.constant 0 : i32
      %dma_start3A_33 = tpu.memref_slice %arg9[%dma_start3A_32, %mul3A_24] : memref<16x10240xf32, #tpu.memory_space<vmem_shared>> -> memref<16x640xf32, #tpu.memory_space<vmem_shared>>
      tpu.enqueue_dma source(%dma_start3A_33 : memref<16x640xf32, #tpu.memory_space<vmem_shared>>) target(%arg8 : memref<16x640xf32, #tpu.memory_space<vmem>>) target_semaphore(%run_scoped3A : memref<!tpu.dma_semaphore, #tpu.memory_space<semaphore_mem>>)
      %dma_wait3A = arith.constant 0 : i32
      %dma_wait3A_34 = tpu.memref_slice %arg9[%dma_wait3A, %mul3A_24] : memref<16x10240xf32, #tpu.memory_space<vmem_shared>> -> memref<16x640xf32, #tpu.memory_space<vmem_shared>>
      %dma_wait3A_35 = arith.constant 0 : i32
      %dma_wait3A_36 = tpu.memref_slice %arg9[%dma_wait3A_35, %mul3A_24] : memref<16x10240xf32, #tpu.memory_space<vmem_shared>> -> memref<16x640xf32, #tpu.memory_space<vmem_shared>>
      tpu.wait_dma2 semaphore(%run_scoped3A : memref<!tpu.dma_semaphore, #tpu.memory_space<semaphore_mem>>) src(%dma_wait3A_36 : memref<16x640xf32, #tpu.memory_space<vmem_shared>>) dst(%arg8 : memref<16x640xf32, #tpu.memory_space<vmem>>)
      tpu.yield
    }) : () -> ()
    %scan3A_25 = arith.constant 0 : i32
    %scan3A_26 = arith.constant 0 : i32
    %scan3A_27 = arith.constant 40 : i32
    %scan3A_28 = arith.addi %scan3A_26, %scan3A_27 : i32
    %scan3A_29 = arith.constant 1 : i32
    scf.for %scan3A_31 = %scan3A_26 to %scan3A_28 step %scan3A_29  : i32 {
      %mul3A_32 = arith.constant 16 : i32
      %mul3A_33 = arith.muli %scan3A_31, %mul3A_32 : i32
      %get3A = arith.constant 0 : i32
      %get3A_34 = arith.index_cast %get3A : i32 to index
      %get3A_35 = arith.index_cast %mul3A_33 : i32 to index
      %get3A_36 = tpu.vector_load %arg8[%get3A_34, %get3A_35] {strides = array<i32>} : memref<16x640xf32, #tpu.memory_space<vmem>>, vector<16xf32>,
      %get3A_37 = arith.constant 1 : i32
      %get3A_38 = arith.index_cast %get3A_37 : i32 to index
      %get3A_39 = arith.index_cast %mul3A_33 : i32 to index
      %get3A_40 = tpu.vector_load %arg8[%get3A_38, %get3A_39] {strides = array<i32>} : memref<16x640xf32, #tpu.memory_space<vmem>>, vector<16xf32>,
      %add3A_41 = arith.addf %get3A_36, %get3A_40 : vector<16xf32>
      %get3A_42 = arith.constant 2 : i32
      %get3A_43 = arith.index_cast %get3A_42 : i32 to index
      %get3A_44 = arith.index_cast %mul3A_33 : i32 to index
      %get3A_45 = tpu.vector_load %arg8[%get3A_43, %get3A_44] {strides = array<i32>} : memref<16x640xf32, #tpu.memory_space<vmem>>, vector<16xf32>,
      %add3A_46 = arith.addf %add3A_41, %get3A_45 : vector<16xf32>
      %get3A_47 = arith.constant 3 : i32
      %get3A_48 = arith.index_cast %get3A_47 : i32 to index
      %get3A_49 = arith.index_cast %mul3A_33 : i32 to index
      %get3A_50 = tpu.vector_load %arg8[%get3A_48, %get3A_49] {strides = array<i32>} : memref<16x640xf32, #tpu.memory_space<vmem>>, vector<16xf32>,
      %add3A_51 = arith.addf %add3A_46, %get3A_50 : vector<16xf32>
      %get3A_52 = arith.constant 4 : i32
      %get3A_53 = arith.index_cast %get3A_52 : i32 to index
      %get3A_54 = arith.index_cast %mul3A_33 : i32 to index
      %get3A_55 = tpu.vector_load %arg8[%get3A_53, %get3A_54] {strides = array<i32>} : memref<16x640xf32, #tpu.memory_space<vmem>>, vector<16xf32>,
      %add3A_56 = arith.addf %add3A_51, %get3A_55 : vector<16xf32>
      %get3A_57 = arith.constant 5 : i32
      %get3A_58 = arith.index_cast %get3A_57 : i32 to index
      %get3A_59 = arith.index_cast %mul3A_33 : i32 to index
      %get3A_60 = tpu.vector_load %arg8[%get3A_58, %get3A_59] {strides = array<i32>} : memref<16x640xf32, #tpu.memory_space<vmem>>, vector<16xf32>,
      %add3A_61 = arith.addf %add3A_56, %get3A_60 : vector<16xf32>
      %get3A_62 = arith.constant 6 : i32
      %get3A_63 = arith.index_cast %get3A_62 : i32 to index
      %get3A_64 = arith.index_cast %mul3A_33 : i32 to index
      %get3A_65 = tpu.vector_load %arg8[%get3A_63, %get3A_64] {strides = array<i32>} : memref<16x640xf32, #tpu.memory_space<vmem>>, vector<16xf32>,
      %add3A_66 = arith.addf %add3A_61, %get3A_65 : vector<16xf32>
      %get3A_67 = arith.constant 7 : i32
      %get3A_68 = arith.index_cast %get3A_67 : i32 to index
      %get3A_69 = arith.index_cast %mul3A_33 : i32 to index
      %get3A_70 = tpu.vector_load %arg8[%get3A_68, %get3A_69] {strides = array<i32>} : memref<16x640xf32, #tpu.memory_space<vmem>>, vector<16xf32>,
      %add3A_71 = arith.addf %add3A_66, %get3A_70 : vector<16xf32>
      %get3A_72 = arith.constant 8 : i32
      %get3A_73 = arith.index_cast %get3A_72 : i32 to index
      %get3A_74 = arith.index_cast %mul3A_33 : i32 to index
      %get3A_75 = tpu.vector_load %arg8[%get3A_73, %get3A_74] {strides = array<i32>} : memref<16x640xf32, #tpu.memory_space<vmem>>, vector<16xf32>,
      %add3A_76 = arith.addf %add3A_71, %get3A_75 : vector<16xf32>
      %get3A_77 = arith.constant 9 : i32
      %get3A_78 = arith.index_cast %get3A_77 : i32 to index
      %get3A_79 = arith.index_cast %mul3A_33 : i32 to index
      %get3A_80 = tpu.vector_load %arg8[%get3A_78, %get3A_79] {strides = array<i32>} : memref<16x640xf32, #tpu.memory_space<vmem>>, vector<16xf32>,
      %add3A_81 = arith.addf %add3A_76, %get3A_80 : vector<16xf32>
      %get3A_82 = arith.constant 10 : i32
      %get3A_83 = arith.index_cast %get3A_82 : i32 to index
      %get3A_84 = arith.index_cast %mul3A_33 : i32 to index
      %get3A_85 = tpu.vector_load %arg8[%get3A_83, %get3A_84] {strides = array<i32>} : memref<16x640xf32, #tpu.memory_space<vmem>>, vector<16xf32>,
      %add3A_86 = arith.addf %add3A_81, %get3A_85 : vector<16xf32>
      %get3A_87 = arith.constant 11 : i32
      %get3A_88 = arith.index_cast %get3A_87 : i32 to index
      %get3A_89 = arith.index_cast %mul3A_33 : i32 to index
      %get3A_90 = tpu.vector_load %arg8[%get3A_88, %get3A_89] {strides = array<i32>} : memref<16x640xf32, #tpu.memory_space<vmem>>, vector<16xf32>,
      %add3A_91 = arith.addf %add3A_86, %get3A_90 : vector<16xf32>
      %get3A_92 = arith.constant 12 : i32
      %get3A_93 = arith.index_cast %get3A_92 : i32 to index
      %get3A_94 = arith.index_cast %mul3A_33 : i32 to index
      %get3A_95 = tpu.vector_load %arg8[%get3A_93, %get3A_94] {strides = array<i32>} : memref<16x640xf32, #tpu.memory_space<vmem>>, vector<16xf32>,
      %add3A_96 = arith.addf %add3A_91, %get3A_95 : vector<16xf32>
      %get3A_97 = arith.constant 13 : i32
      %get3A_98 = arith.index_cast %get3A_97 : i32 to index
      %get3A_99 = arith.index_cast %mul3A_33 : i32 to index
      %get3A_100 = tpu.vector_load %arg8[%get3A_98, %get3A_99] {strides = array<i32>} : memref<16x640xf32, #tpu.memory_space<vmem>>, vector<16xf32>,
      %add3A_101 = arith.addf %add3A_96, %get3A_100 : vector<16xf32>
      %get3A_102 = arith.constant 14 : i32
      %get3A_103 = arith.index_cast %get3A_102 : i32 to index
      %get3A_104 = arith.index_cast %mul3A_33 : i32 to index
      %get3A_105 = tpu.vector_load %arg8[%get3A_103, %get3A_104] {strides = array<i32>} : memref<16x640xf32, #tpu.memory_space<vmem>>, vector<16xf32>,
      %add3A_106 = arith.addf %add3A_101, %get3A_105 : vector<16xf32>
      %get3A_107 = arith.constant 15 : i32
      %get3A_108 = arith.index_cast %get3A_107 : i32 to index
      %get3A_109 = arith.index_cast %mul3A_33 : i32 to index
      %get3A_110 = tpu.vector_load %arg8[%get3A_108, %get3A_109] {strides = array<i32>} : memref<16x640xf32, #tpu.memory_space<vmem>>, vector<16xf32>,
      %add3A_111 = arith.addf %add3A_106, %get3A_110 : vector<16xf32>
      %swap3A = arith.index_cast %mul3A_33 : i32 to index
      %swap3A_112 = tpu.vector_load %arg7[%swap3A] {strides = array<i32>} : memref<10240xf32, #tpu.memory_space<vmem>>, vector<16xf32>,
      tpu.vector_store %arg7[%swap3A], %add3A_111 {strides = array<i32>} : memref<10240xf32, #tpu.memory_space<vmem>>, vector<16xf32>,
    }
    %scan3A_30 = arith.constant 40 : i32
    "tpu.region"() ({
      %run_scoped3A = tpu.sem_alloc : memref<!tpu.dma_semaphore, #tpu.memory_space<semaphore_mem>>
      %dma_start3A = arith.constant 0 : i32
      %dma_start3A_31 = tpu.memref_slice %arg7[%dma_start3A] : memref<10240xf32, #tpu.memory_space<vmem>> -> memref<640xf32, #tpu.memory_space<vmem>>
      %dma_start3A_32 = tpu.memref_slice %arg4[%arg0, %mul3A_24] : memref<2x10240xf32, #tpu.memory_space<hbm>> -> memref<1x640xf32, #tpu.memory_space<hbm>>
      %dma_start3A_33 = tpu.memref_squeeze %dma_start3A_32 : memref<1x640xf32, #tpu.memory_space<hbm>> -> memref<640xf32, #tpu.memory_space<hbm>>
      %dma_start3A_34 = tpu.memref_slice %arg4[%arg0, %mul3A_24] : memref<2x10240xf32, #tpu.memory_space<hbm>> -> memref<1x640xf32, #tpu.memory_space<hbm>>
      %dma_start3A_35 = tpu.memref_squeeze %dma_start3A_34 : memref<1x640xf32, #tpu.memory_space<hbm>> -> memref<640xf32, #tpu.memory_space<hbm>>
      %dma_start3A_36 = arith.constant 0 : i32
      %dma_start3A_37 = tpu.memref_slice %arg7[%dma_start3A_36] : memref<10240xf32, #tpu.memory_space<vmem>> -> memref<640xf32, #tpu.memory_space<vmem>>
      tpu.enqueue_dma source(%dma_start3A_37 : memref<640xf32, #tpu.memory_space<vmem>>) target(%dma_start3A_35 : memref<640xf32, #tpu.memory_space<hbm>>) target_semaphore(%run_scoped3A : memref<!tpu.dma_semaphore, #tpu.memory_space<semaphore_mem>>)
      %dma_wait3A = arith.constant 0 : i32
      %dma_wait3A_38 = tpu.memref_slice %arg7[%dma_wait3A] : memref<10240xf32, #tpu.memory_space<vmem>> -> memref<640xf32, #tpu.memory_space<vmem>>
      %dma_wait3A_39 = tpu.memref_slice %arg4[%arg0, %mul3A_24] : memref<2x10240xf32, #tpu.memory_space<hbm>> -> memref<1x640xf32, #tpu.memory_space<hbm>>
      %dma_wait3A_40 = tpu.memref_squeeze %dma_wait3A_39 : memref<1x640xf32, #tpu.memory_space<hbm>> -> memref<640xf32, #tpu.memory_space<hbm>>
      %dma_wait3A_41 = tpu.memref_slice %arg4[%arg0, %mul3A_24] : memref<2x10240xf32, #tpu.memory_space<hbm>> -> memref<1x640xf32, #tpu.memory_space<hbm>>
      %dma_wait3A_42 = tpu.memref_squeeze %dma_wait3A_41 : memref<1x640xf32, #tpu.memory_space<hbm>> -> memref<640xf32, #tpu.memory_space<hbm>>
      %dma_wait3A_43 = arith.constant 0 : i32
      %dma_wait3A_44 = tpu.memref_slice %arg7[%dma_wait3A_43] : memref<10240xf32, #tpu.memory_space<vmem>> -> memref<640xf32, #tpu.memory_space<vmem>>
      tpu.wait_dma2 semaphore(%run_scoped3A : memref<!tpu.dma_semaphore, #tpu.memory_space<semaphore_mem>>) src(%dma_wait3A_44 : memref<640xf32, #tpu.memory_space<vmem>>) dst(%dma_wait3A_42 : memref<640xf32, #tpu.memory_space<hbm>>)
      tpu.yield
    }) : () -> ()
    return
  }
}

#map = affine_map<(d0, d1) -> (0, 0)>
#map1 = affine_map<(d0, d1) -> (0, 0, 0)>
module attributes {stable_mosaic.version = 14 : i64} {
  func.func @_sc_agg_rows(%arg0: i32, %arg1: i32, %arg2: memref<10000x128xf32, #tpu.memory_space<hbm>>, %arg3: memref<2x320000xi32, #tpu.memory_space<hbm>>, %arg4: memref<640x128xf32, #tpu.memory_space<hbm>>, %arg5: memref<2x10240x128xf32, #tpu.memory_space<hbm>>, %arg6: memref<4x2x128xi32, #tpu.memory_space<vmem>>, %arg7: memref<2x128x128xf32, #tpu.memory_space<vmem>>, %arg8: memref<10240x128xf32, #tpu.memory_space<vmem_shared>>, %arg9: memref<4x!tpu.dma_semaphore, #tpu.memory_space<semaphore_mem>>, %arg10: memref<2x!tpu.dma_semaphore, #tpu.memory_space<semaphore_mem>>, %arg11: memref<!tpu.dma_semaphore, #tpu.memory_space<semaphore_mem>>) attributes {dimension_semantics = [#tpu.dimension_semantics<core_parallel>, #tpu.dimension_semantics<subcore_parallel>], iteration_bounds = array<i64: 2, 16>, scalar_prefetch = 0 : i64, scratch_operands = 6 : i64, tpu.core_type = #tpu.core_type<sc_vector_subcore>, window_params = [{transform_indices = #map}, {transform_indices = #map}, {transform_indices = #map}, {transform_indices = #map1}]} {
    %mul3A = arith.constant 2 : i32
    %mul3A_0 = arith.muli %arg1, %mul3A : i32
    %add3A = arith.addi %mul3A_0, %arg0 : i32
    %mul3A_1 = arith.constant 640 : i32
    %mul3A_2 = arith.muli %arg1, %mul3A_1 : i32
    %lt3A = arith.constant 4 : i32
    %lt3A_3 = arith.cmpi slt, %add3A, %lt3A : i32
    %jit3A = arith.constant 79 : i32
    %jit3A_4 = arith.constant 78 : i32
    %select_n3A = arith.select %lt3A_3, %jit3A, %jit3A_4 : i32
    %dma_start3A = arith.constant 0 : i32
    %dma_start3A_5 = tpu.memref_slice %arg8[%mul3A_2, %dma_start3A] : memref<10240x128xf32, #tpu.memory_space<vmem_shared>> -> memref<640x128xf32, #tpu.memory_space<vmem_shared>>
    tpu.enqueue_dma source(%arg4 : memref<640x128xf32, #tpu.memory_space<hbm>>) target(%dma_start3A_5 : memref<640x128xf32, #tpu.memory_space<vmem_shared>>) target_semaphore(%arg11 : memref<!tpu.dma_semaphore, #tpu.memory_space<semaphore_mem>>)
    %add3A_6 = arith.constant 0 : i32
    %add3A_7 = arith.addi %add3A, %add3A_6 : i32
    %mul3A_8 = arith.constant 128 : i32
    %mul3A_9 = arith.muli %add3A_7, %mul3A_8 : i32
    %dma_start3A_10 = arith.constant 0 : i32
    %dma_start3A_11 = arith.constant 0 : i32
    %dma_start3A_12 = arith.constant 0 : i32
    %dma_start3A_13 = arith.constant 0 : i32
    %dma_start3A_14 = tpu.memref_slice %arg6[%dma_start3A_10, %dma_start3A_12, %dma_start3A_13] : memref<4x2x128xi32, #tpu.memory_space<vmem>> -> memref<1x2x128xi32, #tpu.memory_space<vmem>>
    %dma_start3A_15 = tpu.memref_squeeze %dma_start3A_14 : memref<1x2x128xi32, #tpu.memory_space<vmem>> -> memref<2x128xi32, #tpu.memory_space<vmem>>
    %dma_start3A_16 = arith.constant 0 : i32
    %dma_start3A_17 = tpu.memref_slice %arg3[%dma_start3A_16, %mul3A_9] : memref<2x320000xi32, #tpu.memory_space<hbm>> -> memref<2x128xi32, #tpu.memory_space<hbm>>
    %dma_start3A_18 = tpu.memref_slice %arg9[%dma_start3A_11] : memref<4x!tpu.dma_semaphore, #tpu.memory_space<semaphore_mem>> -> memref<1x!tpu.dma_semaphore, #tpu.memory_space<semaphore_mem>>
    %dma_start3A_19 = tpu.memref_squeeze %dma_start3A_18 : memref<1x!tpu.dma_semaphore, #tpu.memory_space<semaphore_mem>> -> memref<!tpu.dma_semaphore, #tpu.memory_space<semaphore_mem>>
    %dma_start3A_20 = arith.constant 0 : i32
    %dma_start3A_21 = arith.constant 0 : i32
    %dma_start3A_22 = tpu.memref_slice %arg6[%dma_start3A_10, %dma_start3A_20, %dma_start3A_21] : memref<4x2x128xi32, #tpu.memory_space<vmem>> -> memref<1x2x128xi32, #tpu.memory_space<vmem>>
    %dma_start3A_23 = tpu.memref_squeeze %dma_start3A_22 : memref<1x2x128xi32, #tpu.memory_space<vmem>> -> memref<2x128xi32, #tpu.memory_space<vmem>>
    %dma_start3A_24 = arith.constant 0 : i32
    %dma_start3A_25 = tpu.memref_slice %arg3[%dma_start3A_24, %mul3A_9] : memref<2x320000xi32, #tpu.memory_space<hbm>> -> memref<2x128xi32, #tpu.memory_space<hbm>>
    tpu.enqueue_dma source(%dma_start3A_25 : memref<2x128xi32, #tpu.memory_space<hbm>>) target(%dma_start3A_23 : memref<2x128xi32, #tpu.memory_space<vmem>>) target_semaphore(%dma_start3A_19 : memref<!tpu.dma_semaphore, #tpu.memory_space<semaphore_mem>>)
    %add3A_26 = arith.constant 32 : i32
    %add3A_27 = arith.addi %add3A, %add3A_26 : i32
    %mul3A_28 = arith.constant 128 : i32
    %mul3A_29 = arith.muli %add3A_27, %mul3A_28 : i32
    %dma_start3A_30 = arith.constant 1 : i32
    %dma_start3A_31 = arith.constant 1 : i32
    %dma_start3A_32 = arith.constant 0 : i32
    %dma_start3A_33 = arith.constant 0 : i32
    %dma_start3A_34 = tpu.memref_slice %arg6[%dma_start3A_30, %dma_start3A_32, %dma_start3A_33] : memref<4x2x128xi32, #tpu.memory_space<vmem>> -> memref<1x2x128xi32, #tpu.memory_space<vmem>>
    %dma_start3A_35 = tpu.memref_squeeze %dma_start3A_34 : memref<1x2x128xi32, #tpu.memory_space<vmem>> -> memref<2x128xi32, #tpu.memory_space<vmem>>
    %dma_start3A_36 = arith.constant 0 : i32
    %dma_start3A_37 = tpu.memref_slice %arg3[%dma_start3A_36, %mul3A_29] : memref<2x320000xi32, #tpu.memory_space<hbm>> -> memref<2x128xi32, #tpu.memory_space<hbm>>
    %dma_start3A_38 = tpu.memref_slice %arg9[%dma_start3A_31] : memref<4x!tpu.dma_semaphore, #tpu.memory_space<semaphore_mem>> -> memref<1x!tpu.dma_semaphore, #tpu.memory_space<semaphore_mem>>
    %dma_start3A_39 = tpu.memref_squeeze %dma_start3A_38 : memref<1x!tpu.dma_semaphore, #tpu.memory_space<semaphore_mem>> -> memref<!tpu.dma_semaphore, #tpu.memory_space<semaphore_mem>>
    %dma_start3A_40 = arith.constant 0 : i32
    %dma_start3A_41 = arith.constant 0 : i32
    %dma_start3A_42 = tpu.memref_slice %arg6[%dma_start3A_30, %dma_start3A_40, %dma_start3A_41] : memref<4x2x128xi32, #tpu.memory_space<vmem>> -> memref<1x2x128xi32, #tpu.memory_space<vmem>>
    %dma_start3A_43 = tpu.memref_squeeze %dma_start3A_42 : memref<1x2x128xi32, #tpu.memory_space<vmem>> -> memref<2x128xi32, #tpu.memory_space<vmem>>
    %dma_start3A_44 = arith.constant 0 : i32
    %dma_start3A_45 = tpu.memref_slice %arg3[%dma_start3A_44, %mul3A_29] : memref<2x320000xi32, #tpu.memory_space<hbm>> -> memref<2x128xi32, #tpu.memory_space<hbm>>
    tpu.enqueue_dma source(%dma_start3A_45 : memref<2x128xi32, #tpu.memory_space<hbm>>) target(%dma_start3A_43 : memref<2x128xi32, #tpu.memory_space<vmem>>) target_semaphore(%dma_start3A_39 : memref<!tpu.dma_semaphore, #tpu.memory_space<semaphore_mem>>)
    %add3A_46 = arith.constant 64 : i32
    %add3A_47 = arith.addi %add3A, %add3A_46 : i32
    %mul3A_48 = arith.constant 128 : i32
    %mul3A_49 = arith.muli %add3A_47, %mul3A_48 : i32
    %dma_start3A_50 = arith.constant 2 : i32
    %dma_start3A_51 = arith.constant 2 : i32
    %dma_start3A_52 = arith.constant 0 : i32
    %dma_start3A_53 = arith.constant 0 : i32
    %dma_start3A_54 = tpu.memref_slice %arg6[%dma_start3A_50, %dma_start3A_52, %dma_start3A_53] : memref<4x2x128xi32, #tpu.memory_space<vmem>> -> memref<1x2x128xi32, #tpu.memory_space<vmem>>
    %dma_start3A_55 = tpu.memref_squeeze %dma_start3A_54 : memref<1x2x128xi32, #tpu.memory_space<vmem>> -> memref<2x128xi32, #tpu.memory_space<vmem>>
    %dma_start3A_56 = arith.constant 0 : i32
    %dma_start3A_57 = tpu.memref_slice %arg3[%dma_start3A_56, %mul3A_49] : memref<2x320000xi32, #tpu.memory_space<hbm>> -> memref<2x128xi32, #tpu.memory_space<hbm>>
    %dma_start3A_58 = tpu.memref_slice %arg9[%dma_start3A_51] : memref<4x!tpu.dma_semaphore, #tpu.memory_space<semaphore_mem>> -> memref<1x!tpu.dma_semaphore, #tpu.memory_space<semaphore_mem>>
    %dma_start3A_59 = tpu.memref_squeeze %dma_start3A_58 : memref<1x!tpu.dma_semaphore, #tpu.memory_space<semaphore_mem>> -> memref<!tpu.dma_semaphore, #tpu.memory_space<semaphore_mem>>
    %dma_start3A_60 = arith.constant 0 : i32
    %dma_start3A_61 = arith.constant 0 : i32
    %dma_start3A_62 = tpu.memref_slice %arg6[%dma_start3A_50, %dma_start3A_60, %dma_start3A_61] : memref<4x2x128xi32, #tpu.memory_space<vmem>> -> memref<1x2x128xi32, #tpu.memory_space<vmem>>
    %dma_start3A_63 = tpu.memref_squeeze %dma_start3A_62 : memref<1x2x128xi32, #tpu.memory_space<vmem>> -> memref<2x128xi32, #tpu.memory_space<vmem>>
    %dma_start3A_64 = arith.constant 0 : i32
    %dma_start3A_65 = tpu.memref_slice %arg3[%dma_start3A_64, %mul3A_49] : memref<2x320000xi32, #tpu.memory_space<hbm>> -> memref<2x128xi32, #tpu.memory_space<hbm>>
    tpu.enqueue_dma source(%dma_start3A_65 : memref<2x128xi32, #tpu.memory_space<hbm>>) target(%dma_start3A_63 : memref<2x128xi32, #tpu.memory_space<vmem>>) target_semaphore(%dma_start3A_59 : memref<!tpu.dma_semaphore, #tpu.memory_space<semaphore_mem>>)
    %add3A_66 = arith.constant 0 : i32
    %add3A_67 = arith.addi %add3A, %add3A_66 : i32
    %mul3A_68 = arith.constant 128 : i32
    %mul3A_69 = arith.muli %add3A_67, %mul3A_68 : i32
    %dma_wait3A = arith.constant 0 : i32
    %dma_wait3A_70 = arith.constant 0 : i32
    %dma_wait3A_71 = arith.constant 0 : i32
    %dma_wait3A_72 = arith.constant 0 : i32
    %dma_wait3A_73 = tpu.memref_slice %arg6[%dma_wait3A, %dma_wait3A_71, %dma_wait3A_72] : memref<4x2x128xi32, #tpu.memory_space<vmem>> -> memref<1x2x128xi32, #tpu.memory_space<vmem>>
    %dma_wait3A_74 = tpu.memref_squeeze %dma_wait3A_73 : memref<1x2x128xi32, #tpu.memory_space<vmem>> -> memref<2x128xi32, #tpu.memory_space<vmem>>
    %dma_wait3A_75 = arith.constant 0 : i32
    %dma_wait3A_76 = tpu.memref_slice %arg3[%dma_wait3A_75, %mul3A_69] : memref<2x320000xi32, #tpu.memory_space<hbm>> -> memref<2x128xi32, #tpu.memory_space<hbm>>
    %dma_wait3A_77 = tpu.memref_slice %arg9[%dma_wait3A_70] : memref<4x!tpu.dma_semaphore, #tpu.memory_space<semaphore_mem>> -> memref<1x!tpu.dma_semaphore, #tpu.memory_space<semaphore_mem>>
    %dma_wait3A_78 = tpu.memref_squeeze %dma_wait3A_77 : memref<1x!tpu.dma_semaphore, #tpu.memory_space<semaphore_mem>> -> memref<!tpu.dma_semaphore, #tpu.memory_space<semaphore_mem>>
    %dma_wait3A_79 = arith.constant 0 : i32
    %dma_wait3A_80 = arith.constant 0 : i32
    %dma_wait3A_81 = tpu.memref_slice %arg6[%dma_wait3A, %dma_wait3A_79, %dma_wait3A_80] : memref<4x2x128xi32, #tpu.memory_space<vmem>> -> memref<1x2x128xi32, #tpu.memory_space<vmem>>
    %dma_wait3A_82 = tpu.memref_squeeze %dma_wait3A_81 : memref<1x2x128xi32, #tpu.memory_space<vmem>> -> memref<2x128xi32, #tpu.memory_space<vmem>>
    %dma_wait3A_83 = arith.constant 0 : i32
    %dma_wait3A_84 = tpu.memref_slice %arg3[%dma_wait3A_83, %mul3A_69] : memref<2x320000xi32, #tpu.memory_space<hbm>> -> memref<2x128xi32, #tpu.memory_space<hbm>>
    tpu.wait_dma2 semaphore(%dma_wait3A_78 : memref<!tpu.dma_semaphore, #tpu.memory_space<semaphore_mem>>) src(%dma_wait3A_84 : memref<2x128xi32, #tpu.memory_space<hbm>>) dst(%dma_wait3A_82 : memref<2x128xi32, #tpu.memory_space<vmem>>)
    %dma_start3A_85 = arith.constant 0 : i32
    %dma_start3A_86 = arith.constant 0 : i32
    %dma_start3A_87 = arith.constant 0 : i32
    %dma_start3A_88 = arith.constant 0 : i32
    %dma_start3A_89 = arith.constant 0 : i32
    %dma_start3A_90 = arith.constant 0 : i32
    %dma_start3A_91 = tpu.memref_slice %arg7[%dma_start3A_87, %dma_start3A_89, %dma_start3A_90] : memref<2x128x128xf32, #tpu.memory_space<vmem>> -> memref<1x128x128xf32, #tpu.memory_space<vmem>>
    %dma_start3A_92 = tpu.memref_squeeze %dma_start3A_91 : memref<1x128x128xf32, #tpu.memory_space<vmem>> -> memref<128x128xf32, #tpu.memory_space<vmem>>
    %dma_start3A_93 = arith.constant 0 : i32
    %dma_start3A_94 = tpu.memref_slice %arg6[%dma_start3A_85, %dma_start3A_86, %dma_start3A_93] : memref<4x2x128xi32, #tpu.memory_space<vmem>> -> memref<1x1x128xi32, #tpu.memory_space<vmem>>
    %dma_start3A_95 = tpu.memref_squeeze %dma_start3A_94 : memref<1x1x128xi32, #tpu.memory_space<vmem>> -> memref<128xi32, #tpu.memory_space<vmem>>
    %dma_start3A_96 = arith.constant 0 : i32
    %dma_start3A_97 = arith.constant 0 : i32
    %dma_start3A_98 = tpu.memref_slice %arg2[%dma_start3A_96, %dma_start3A_97] : memref<10000x128xf32, #tpu.memory_space<hbm>> -> memref<10000x128xf32, #tpu.memory_space<hbm>>
    %dma_start3A_99 = tpu.memref_slice %arg10[%dma_start3A_88] : memref<2x!tpu.dma_semaphore, #tpu.memory_space<semaphore_mem>> -> memref<1x!tpu.dma_semaphore, #tpu.memory_space<semaphore_mem>>
    %dma_start3A_100 = tpu.memref_squeeze %dma_start3A_99 : memref<1x!tpu.dma_semaphore, #tpu.memory_space<semaphore_mem>> -> memref<!tpu.dma_semaphore, #tpu.memory_space<semaphore_mem>>
    tpu.enqueue_indirect_dma source(%dma_start3A_98 : memref<10000x128xf32, #tpu.memory_space<hbm>>) target(%dma_start3A_92 : memref<128x128xf32, #tpu.memory_space<vmem>>) offsets(%dma_start3A_95 : memref<128xi32, #tpu.memory_space<vmem>>) semaphore(%dma_start3A_100 : memref<!tpu.dma_semaphore, #tpu.memory_space<semaphore_mem>>)
    %dma_wait3A_101 = arith.constant 0 : i32
    %dma_wait3A_102 = tpu.memref_slice %arg8[%mul3A_2, %dma_wait3A_101] : memref<10240x128xf32, #tpu.memory_space<vmem_shared>> -> memref<640x128xf32, #tpu.memory_space<vmem_shared>>
    tpu.wait_dma2 semaphore(%arg11 : memref<!tpu.dma_semaphore, #tpu.memory_space<semaphore_mem>>) src(%arg4 : memref<640x128xf32, #tpu.memory_space<hbm>>) dst(%dma_wait3A_102 : memref<640x128xf32, #tpu.memory_space<vmem_shared>>)
    %barrier3A = arith.constant 0 : index
    tpu.barrier barrier_id(%barrier3A)
    %while3A = arith.constant 0 : i32
    %while3A_103 = arith.constant 0 : i32
    %while3A_104 = arith.subi %select_n3A, %while3A_103 : i32
    %while3A_105 = arith.addi %while3A_103, %while3A_104 : i32
    %while3A_106 = arith.constant 1 : i32
    %while3A_107 = arith.divsi %while3A_104, %while3A_106 : i32
    %while3A_108 = arith.muli %while3A_107, %while3A_106 : i32
    %while3A_109 = arith.addi %while3A_103, %while3A_108 : i32
    %while3A_110 = arith.constant 1 : i32
    scf.for %while3A_113 = %while3A_103 to %while3A_109 step %while3A_110  : i32 {
      %rem3A = arith.constant 2 : i32
      %rem3A_114 = arith.remsi %while3A_113, %rem3A : i32
      %rem3A_115 = arith.constant 4 : i32
      %rem3A_116 = arith.remsi %while3A_113, %rem3A_115 : i32
      %add3A_117 = arith.constant 4 : i32
      %add3A_118 = arith.addi %while3A_113, %add3A_117 : i32
      %sub3A = arith.constant 1 : i32
      %sub3A_119 = arith.subi %add3A_118, %sub3A : i32
      %lt3A_120 = arith.cmpi slt, %sub3A_119, %select_n3A : i32
      %convert_element_type3A = arith.extui %lt3A_120 : i1 to i32
      %cond3A = arith.constant 0 : i32
      %cond3A_121 = arith.cmpi ne, %convert_element_type3A, %cond3A : i32
      scf.if %cond3A_121 {
        %add3A_141 = arith.constant 4 : i32
        %add3A_142 = arith.addi %while3A_113, %add3A_141 : i32
        %sub3A_143 = arith.constant 1 : i32
        %sub3A_144 = arith.subi %add3A_142, %sub3A_143 : i32
        %add3A_145 = arith.constant 4 : i32
        %add3A_146 = arith.addi %while3A_113, %add3A_145 : i32
        %sub3A_147 = arith.constant 1 : i32
        %sub3A_148 = arith.subi %add3A_146, %sub3A_147 : i32
        %rem3A_149 = arith.constant 4 : i32
        %rem3A_150 = arith.remsi %sub3A_148, %rem3A_149 : i32
        %mul3A_151 = arith.constant 32 : i32
        %mul3A_152 = arith.muli %sub3A_144, %mul3A_151 : i32
        %add3A_153 = arith.addi %add3A, %mul3A_152 : i32
        %mul3A_154 = arith.constant 128 : i32
        %mul3A_155 = arith.muli %add3A_153, %mul3A_154 : i32
        %dma_start3A_156 = arith.constant 0 : i32
        %dma_start3A_157 = arith.constant 0 : i32
        %dma_start3A_158 = tpu.memref_slice %arg6[%rem3A_150, %dma_start3A_156, %dma_start3A_157] : memref<4x2x128xi32, #tpu.memory_space<vmem>> -> memref<1x2x128xi32, #tpu.memory_space<vmem>>
        %dma_start3A_159 = tpu.memref_squeeze %dma_start3A_158 : memref<1x2x128xi32, #tpu.memory_space<vmem>> -> memref<2x128xi32, #tpu.memory_space<vmem>>
        %dma_start3A_160 = arith.constant 0 : i32
        %dma_start3A_161 = tpu.memref_slice %arg3[%dma_start3A_160, %mul3A_155] : memref<2x320000xi32, #tpu.memory_space<hbm>> -> memref<2x128xi32, #tpu.memory_space<hbm>>
        %dma_start3A_162 = tpu.memref_slice %arg9[%rem3A_150] : memref<4x!tpu.dma_semaphore, #tpu.memory_space<semaphore_mem>> -> memref<1x!tpu.dma_semaphore, #tpu.memory_space<semaphore_mem>>
        %dma_start3A_163 = tpu.memref_squeeze %dma_start3A_162 : memref<1x!tpu.dma_semaphore, #tpu.memory_space<semaphore_mem>> -> memref<!tpu.dma_semaphore, #tpu.memory_space<semaphore_mem>>
        %dma_start3A_164 = arith.constant 0 : i32
        %dma_start3A_165 = arith.constant 0 : i32
        %dma_start3A_166 = tpu.memref_slice %arg6[%rem3A_150, %dma_start3A_164, %dma_start3A_165] : memref<4x2x128xi32, #tpu.memory_space<vmem>> -> memref<1x2x128xi32, #tpu.memory_space<vmem>>
        %dma_start3A_167 = tpu.memref_squeeze %dma_start3A_166 : memref<1x2x128xi32, #tpu.memory_space<vmem>> -> memref<2x128xi32, #tpu.memory_space<vmem>>
        %dma_start3A_168 = arith.constant 0 : i32
        %dma_start3A_169 = tpu.memref_slice %arg3[%dma_start3A_168, %mul3A_155] : memref<2x320000xi32, #tpu.memory_space<hbm>> -> memref<2x128xi32, #tpu.memory_space<hbm>>
        tpu.enqueue_dma source(%dma_start3A_169 : memref<2x128xi32, #tpu.memory_space<hbm>>) target(%dma_start3A_167 : memref<2x128xi32, #tpu.memory_space<vmem>>) target_semaphore(%dma_start3A_163 : memref<!tpu.dma_semaphore, #tpu.memory_space<semaphore_mem>>)
      } else {
      }
      %add3A_122 = arith.constant 1 : i32
      %add3A_123 = arith.addi %while3A_113, %add3A_122 : i32
      %lt3A_124 = arith.cmpi slt, %add3A_123, %select_n3A : i32
      %convert_element_type3A_125 = arith.extui %lt3A_124 : i1 to i32
      %cond3A_126 = arith.constant 0 : i32
      %cond3A_127 = arith.cmpi ne, %convert_element_type3A_125, %cond3A_126 : i32
      scf.if %cond3A_127 {
        %add3A_141 = arith.constant 1 : i32
        %add3A_142 = arith.addi %while3A_113, %add3A_141 : i32
        %rem3A_143 = arith.constant 4 : i32
        %rem3A_144 = arith.remsi %add3A_142, %rem3A_143 : i32
        %add3A_145 = arith.constant 1 : i32
        %add3A_146 = arith.addi %while3A_113, %add3A_145 : i32
        %mul3A_147 = arith.constant 32 : i32
        %mul3A_148 = arith.muli %add3A_146, %mul3A_147 : i32
        %add3A_149 = arith.addi %add3A, %mul3A_148 : i32
        %mul3A_150 = arith.constant 128 : i32
        %mul3A_151 = arith.muli %add3A_149, %mul3A_150 : i32
        %dma_wait3A_152 = arith.constant 0 : i32
        %dma_wait3A_153 = arith.constant 0 : i32
        %dma_wait3A_154 = tpu.memref_slice %arg6[%rem3A_144, %dma_wait3A_152, %dma_wait3A_153] : memref<4x2x128xi32, #tpu.memory_space<vmem>> -> memref<1x2x128xi32, #tpu.memory_space<vmem>>
        %dma_wait3A_155 = tpu.memref_squeeze %dma_wait3A_154 : memref<1x2x128xi32, #tpu.memory_space<vmem>> -> memref<2x128xi32, #tpu.memory_space<vmem>>
        %dma_wait3A_156 = arith.constant 0 : i32
        %dma_wait3A_157 = tpu.memref_slice %arg3[%dma_wait3A_156, %mul3A_151] : memref<2x320000xi32, #tpu.memory_space<hbm>> -> memref<2x128xi32, #tpu.memory_space<hbm>>
        %dma_wait3A_158 = tpu.memref_slice %arg9[%rem3A_144] : memref<4x!tpu.dma_semaphore, #tpu.memory_space<semaphore_mem>> -> memref<1x!tpu.dma_semaphore, #tpu.memory_space<semaphore_mem>>
        %dma_wait3A_159 = tpu.memref_squeeze %dma_wait3A_158 : memref<1x!tpu.dma_semaphore, #tpu.memory_space<semaphore_mem>> -> memref<!tpu.dma_semaphore, #tpu.memory_space<semaphore_mem>>
        %dma_wait3A_160 = arith.constant 0 : i32
        %dma_wait3A_161 = arith.constant 0 : i32
        %dma_wait3A_162 = tpu.memref_slice %arg6[%rem3A_144, %dma_wait3A_160, %dma_wait3A_161] : memref<4x2x128xi32, #tpu.memory_space<vmem>> -> memref<1x2x128xi32, #tpu.memory_space<vmem>>
        %dma_wait3A_163 = tpu.memref_squeeze %dma_wait3A_162 : memref<1x2x128xi32, #tpu.memory_space<vmem>> -> memref<2x128xi32, #tpu.memory_space<vmem>>
        %dma_wait3A_164 = arith.constant 0 : i32
        %dma_wait3A_165 = tpu.memref_slice %arg3[%dma_wait3A_164, %mul3A_151] : memref<2x320000xi32, #tpu.memory_space<hbm>> -> memref<2x128xi32, #tpu.memory_space<hbm>>
        tpu.wait_dma2 semaphore(%dma_wait3A_159 : memref<!tpu.dma_semaphore, #tpu.memory_space<semaphore_mem>>) src(%dma_wait3A_165 : memref<2x128xi32, #tpu.memory_space<hbm>>) dst(%dma_wait3A_163 : memref<2x128xi32, #tpu.memory_space<vmem>>)
        %sub3A_166 = arith.constant 1 : i32
        %sub3A_167 = arith.subi %sub3A_166, %rem3A_114 : i32
        %dma_start3A_168 = arith.constant 0 : i32
        %dma_start3A_169 = arith.constant 0 : i32
        %dma_start3A_170 = arith.constant 0 : i32
        %dma_start3A_171 = tpu.memref_slice %arg7[%sub3A_167, %dma_start3A_169, %dma_start3A_170] : memref<2x128x128xf32, #tpu.memory_space<vmem>> -> memref<1x128x128xf32, #tpu.memory_space<vmem>>
        %dma_start3A_172 = tpu.memref_squeeze %dma_start3A_171 : memref<1x128x128xf32, #tpu.memory_space<vmem>> -> memref<128x128xf32, #tpu.memory_space<vmem>>
        %dma_start3A_173 = arith.constant 0 : i32
        %dma_start3A_174 = tpu.memref_slice %arg6[%rem3A_144, %dma_start3A_168, %dma_start3A_173] : memref<4x2x128xi32, #tpu.memory_space<vmem>> -> memref<1x1x128xi32, #tpu.memory_space<vmem>>
        %dma_start3A_175 = tpu.memref_squeeze %dma_start3A_174 : memref<1x1x128xi32, #tpu.memory_space<vmem>> -> memref<128xi32, #tpu.memory_space<vmem>>
        %dma_start3A_176 = arith.constant 0 : i32
        %dma_start3A_177 = arith.constant 0 : i32
        %dma_start3A_178 = tpu.memref_slice %arg2[%dma_start3A_176, %dma_start3A_177] : memref<10000x128xf32, #tpu.memory_space<hbm>> -> memref<10000x128xf32, #tpu.memory_space<hbm>>
        %dma_start3A_179 = tpu.memref_slice %arg10[%sub3A_167] : memref<2x!tpu.dma_semaphore, #tpu.memory_space<semaphore_mem>> -> memref<1x!tpu.dma_semaphore, #tpu.memory_space<semaphore_mem>>
        %dma_start3A_180 = tpu.memref_squeeze %dma_start3A_179 : memref<1x!tpu.dma_semaphore, #tpu.memory_space<semaphore_mem>> -> memref<!tpu.dma_semaphore, #tpu.memory_space<semaphore_mem>>
        tpu.enqueue_indirect_dma source(%dma_start3A_178 : memref<10000x128xf32, #tpu.memory_space<hbm>>) target(%dma_start3A_172 : memref<128x128xf32, #tpu.memory_space<vmem>>) offsets(%dma_start3A_175 : memref<128xi32, #tpu.memory_space<vmem>>) semaphore(%dma_start3A_180 : memref<!tpu.dma_semaphore, #tpu.memory_space<semaphore_mem>>)
      } else {
      }
      %dma_wait3A_128 = arith.constant 0 : i32
      %dma_wait3A_129 = arith.constant 0 : i32
      %dma_wait3A_130 = arith.constant 0 : i32
      %dma_wait3A_131 = tpu.memref_slice %arg7[%rem3A_114, %dma_wait3A_129, %dma_wait3A_130] : memref<2x128x128xf32, #tpu.memory_space<vmem>> -> memref<1x128x128xf32, #tpu.memory_space<vmem>>
      %dma_wait3A_132 = tpu.memref_squeeze %dma_wait3A_131 : memref<1x128x128xf32, #tpu.memory_space<vmem>> -> memref<128x128xf32, #tpu.memory_space<vmem>>
      %dma_wait3A_133 = arith.constant 0 : i32
      %dma_wait3A_134 = tpu.memref_slice %arg6[%rem3A_116, %dma_wait3A_128, %dma_wait3A_133] : memref<4x2x128xi32, #tpu.memory_space<vmem>> -> memref<1x1x128xi32, #tpu.memory_space<vmem>>
      %dma_wait3A_135 = tpu.memref_squeeze %dma_wait3A_134 : memref<1x1x128xi32, #tpu.memory_space<vmem>> -> memref<128xi32, #tpu.memory_space<vmem>>
      %dma_wait3A_136 = arith.constant 0 : i32
      %dma_wait3A_137 = arith.constant 0 : i32
      %dma_wait3A_138 = tpu.memref_slice %arg2[%dma_wait3A_136, %dma_wait3A_137] : memref<10000x128xf32, #tpu.memory_space<hbm>> -> memref<10000x128xf32, #tpu.memory_space<hbm>>
      %dma_wait3A_139 = tpu.memref_slice %arg10[%rem3A_114] : memref<2x!tpu.dma_semaphore, #tpu.memory_space<semaphore_mem>> -> memref<1x!tpu.dma_semaphore, #tpu.memory_space<semaphore_mem>>
      %dma_wait3A_140 = tpu.memref_squeeze %dma_wait3A_139 : memref<1x!tpu.dma_semaphore, #tpu.memory_space<semaphore_mem>> -> memref<!tpu.dma_semaphore, #tpu.memory_space<semaphore_mem>>
      tpu.wait_indirect_dma semaphore(%dma_wait3A_140 : memref<!tpu.dma_semaphore, #tpu.memory_space<semaphore_mem>>) src(%dma_wait3A_138 : memref<10000x128xf32, #tpu.memory_space<hbm>>) dst(%dma_wait3A_132 : memref<128x128xf32, #tpu.memory_space<vmem>>)
      %run_scoped3A = arith.constant 1 : i32
      "tpu.region"() ({
        %run_scoped3A_141 = tpu.sem_alloc : memref<!tpu.dma_semaphore, #tpu.memory_space<semaphore_mem>>
        %dma_start3A_142 = arith.constant 0 : i32
        %dma_start3A_143 = arith.constant 0 : i32
        %dma_start3A_144 = tpu.memref_slice %arg7[%rem3A_114, %dma_start3A_142, %dma_start3A_143] : memref<2x128x128xf32, #tpu.memory_space<vmem>> -> memref<1x128x128xf32, #tpu.memory_space<vmem>>
        %dma_start3A_145 = tpu.memref_squeeze %dma_start3A_144 : memref<1x128x128xf32, #tpu.memory_space<vmem>> -> memref<128x128xf32, #tpu.memory_space<vmem>>
        %dma_start3A_146 = arith.constant 0 : i32
        %dma_start3A_147 = tpu.memref_slice %arg6[%rem3A_116, %run_scoped3A, %dma_start3A_146] : memref<4x2x128xi32, #tpu.memory_space<vmem>> -> memref<1x1x128xi32, #tpu.memory_space<vmem>>
        %dma_start3A_148 = tpu.memref_squeeze %dma_start3A_147 : memref<1x1x128xi32, #tpu.memory_space<vmem>> -> memref<128xi32, #tpu.memory_space<vmem>>
        %dma_start3A_149 = arith.constant 0 : i32
        %dma_start3A_150 = arith.constant 0 : i32
        %dma_start3A_151 = tpu.memref_slice %arg8[%dma_start3A_149, %dma_start3A_150] : memref<10240x128xf32, #tpu.memory_space<vmem_shared>> -> memref<10240x128xf32, #tpu.memory_space<vmem_shared>>
        tpu.enqueue_indirect_dma source(%dma_start3A_145 : memref<128x128xf32, #tpu.memory_space<vmem>>) target(%dma_start3A_151 : memref<10240x128xf32, #tpu.memory_space<vmem_shared>>) offsets(%dma_start3A_148 : memref<128xi32, #tpu.memory_space<vmem>>) semaphore(%run_scoped3A_141 : memref<!tpu.dma_semaphore, #tpu.memory_space<semaphore_mem>>) {add = true}
        %dma_wait3A_152 = arith.constant 0 : i32
        %dma_wait3A_153 = arith.constant 0 : i32
        %dma_wait3A_154 = tpu.memref_slice %arg7[%rem3A_114, %dma_wait3A_152, %dma_wait3A_153] : memref<2x128x128xf32, #tpu.memory_space<vmem>> -> memref<1x128x128xf32, #tpu.memory_space<vmem>>
        %dma_wait3A_155 = tpu.memref_squeeze %dma_wait3A_154 : memref<1x128x128xf32, #tpu.memory_space<vmem>> -> memref<128x128xf32, #tpu.memory_space<vmem>>
        %dma_wait3A_156 = arith.constant 0 : i32
        %dma_wait3A_157 = tpu.memref_slice %arg6[%rem3A_116, %run_scoped3A, %dma_wait3A_156] : memref<4x2x128xi32, #tpu.memory_space<vmem>> -> memref<1x1x128xi32, #tpu.memory_space<vmem>>
        %dma_wait3A_158 = tpu.memref_squeeze %dma_wait3A_157 : memref<1x1x128xi32, #tpu.memory_space<vmem>> -> memref<128xi32, #tpu.memory_space<vmem>>
        %dma_wait3A_159 = arith.constant 0 : i32
        %dma_wait3A_160 = arith.constant 0 : i32
        %dma_wait3A_161 = tpu.memref_slice %arg8[%dma_wait3A_159, %dma_wait3A_160] : memref<10240x128xf32, #tpu.memory_space<vmem_shared>> -> memref<10240x128xf32, #tpu.memory_space<vmem_shared>>
        tpu.wait_indirect_dma semaphore(%run_scoped3A_141 : memref<!tpu.dma_semaphore, #tpu.memory_space<semaphore_mem>>) src(%dma_wait3A_155 : memref<128x128xf32, #tpu.memory_space<vmem>>) dst(%dma_wait3A_161 : memref<10240x128xf32, #tpu.memory_space<vmem_shared>>)
        tpu.yield
      }) : () -> ()
    }
    %while3A_111 = arith.constant 1 : i32
    scf.for %while3A_113 = %while3A_109 to %while3A_105 step %while3A_111  : i32 {
      %rem3A = arith.constant 2 : i32
      %rem3A_114 = arith.remsi %while3A_113, %rem3A : i32
      %rem3A_115 = arith.constant 4 : i32
      %rem3A_116 = arith.remsi %while3A_113, %rem3A_115 : i32
      %add3A_117 = arith.constant 4 : i32
      %add3A_118 = arith.addi %while3A_113, %add3A_117 : i32
      %sub3A = arith.constant 1 : i32
      %sub3A_119 = arith.subi %add3A_118, %sub3A : i32
      %lt3A_120 = arith.cmpi slt, %sub3A_119, %select_n3A : i32
      %convert_element_type3A = arith.extui %lt3A_120 : i1 to i32
      %cond3A = arith.constant 0 : i32
      %cond3A_121 = arith.cmpi ne, %convert_element_type3A, %cond3A : i32
      scf.if %cond3A_121 {
        %add3A_141 = arith.constant 4 : i32
        %add3A_142 = arith.addi %while3A_113, %add3A_141 : i32
        %sub3A_143 = arith.constant 1 : i32
        %sub3A_144 = arith.subi %add3A_142, %sub3A_143 : i32
        %add3A_145 = arith.constant 4 : i32
        %add3A_146 = arith.addi %while3A_113, %add3A_145 : i32
        %sub3A_147 = arith.constant 1 : i32
        %sub3A_148 = arith.subi %add3A_146, %sub3A_147 : i32
        %rem3A_149 = arith.constant 4 : i32
        %rem3A_150 = arith.remsi %sub3A_148, %rem3A_149 : i32
        %mul3A_151 = arith.constant 32 : i32
        %mul3A_152 = arith.muli %sub3A_144, %mul3A_151 : i32
        %add3A_153 = arith.addi %add3A, %mul3A_152 : i32
        %mul3A_154 = arith.constant 128 : i32
        %mul3A_155 = arith.muli %add3A_153, %mul3A_154 : i32
        %dma_start3A_156 = arith.constant 0 : i32
        %dma_start3A_157 = arith.constant 0 : i32
        %dma_start3A_158 = tpu.memref_slice %arg6[%rem3A_150, %dma_start3A_156, %dma_start3A_157] : memref<4x2x128xi32, #tpu.memory_space<vmem>> -> memref<1x2x128xi32, #tpu.memory_space<vmem>>
        %dma_start3A_159 = tpu.memref_squeeze %dma_start3A_158 : memref<1x2x128xi32, #tpu.memory_space<vmem>> -> memref<2x128xi32, #tpu.memory_space<vmem>>
        %dma_start3A_160 = arith.constant 0 : i32
        %dma_start3A_161 = tpu.memref_slice %arg3[%dma_start3A_160, %mul3A_155] : memref<2x320000xi32, #tpu.memory_space<hbm>> -> memref<2x128xi32, #tpu.memory_space<hbm>>
        %dma_start3A_162 = tpu.memref_slice %arg9[%rem3A_150] : memref<4x!tpu.dma_semaphore, #tpu.memory_space<semaphore_mem>> -> memref<1x!tpu.dma_semaphore, #tpu.memory_space<semaphore_mem>>
        %dma_start3A_163 = tpu.memref_squeeze %dma_start3A_162 : memref<1x!tpu.dma_semaphore, #tpu.memory_space<semaphore_mem>> -> memref<!tpu.dma_semaphore, #tpu.memory_space<semaphore_mem>>
        %dma_start3A_164 = arith.constant 0 : i32
        %dma_start3A_165 = arith.constant 0 : i32
        %dma_start3A_166 = tpu.memref_slice %arg6[%rem3A_150, %dma_start3A_164, %dma_start3A_165] : memref<4x2x128xi32, #tpu.memory_space<vmem>> -> memref<1x2x128xi32, #tpu.memory_space<vmem>>
        %dma_start3A_167 = tpu.memref_squeeze %dma_start3A_166 : memref<1x2x128xi32, #tpu.memory_space<vmem>> -> memref<2x128xi32, #tpu.memory_space<vmem>>
        %dma_start3A_168 = arith.constant 0 : i32
        %dma_start3A_169 = tpu.memref_slice %arg3[%dma_start3A_168, %mul3A_155] : memref<2x320000xi32, #tpu.memory_space<hbm>> -> memref<2x128xi32, #tpu.memory_space<hbm>>
        tpu.enqueue_dma source(%dma_start3A_169 : memref<2x128xi32, #tpu.memory_space<hbm>>) target(%dma_start3A_167 : memref<2x128xi32, #tpu.memory_space<vmem>>) target_semaphore(%dma_start3A_163 : memref<!tpu.dma_semaphore, #tpu.memory_space<semaphore_mem>>)
      } else {
      }
      %add3A_122 = arith.constant 1 : i32
      %add3A_123 = arith.addi %while3A_113, %add3A_122 : i32
      %lt3A_124 = arith.cmpi slt, %add3A_123, %select_n3A : i32
      %convert_element_type3A_125 = arith.extui %lt3A_124 : i1 to i32
      %cond3A_126 = arith.constant 0 : i32
      %cond3A_127 = arith.cmpi ne, %convert_element_type3A_125, %cond3A_126 : i32
      scf.if %cond3A_127 {
        %add3A_141 = arith.constant 1 : i32
        %add3A_142 = arith.addi %while3A_113, %add3A_141 : i32
        %rem3A_143 = arith.constant 4 : i32
        %rem3A_144 = arith.remsi %add3A_142, %rem3A_143 : i32
        %add3A_145 = arith.constant 1 : i32
        %add3A_146 = arith.addi %while3A_113, %add3A_145 : i32
        %mul3A_147 = arith.constant 32 : i32
        %mul3A_148 = arith.muli %add3A_146, %mul3A_147 : i32
        %add3A_149 = arith.addi %add3A, %mul3A_148 : i32
        %mul3A_150 = arith.constant 128 : i32
        %mul3A_151 = arith.muli %add3A_149, %mul3A_150 : i32
        %dma_wait3A_152 = arith.constant 0 : i32
        %dma_wait3A_153 = arith.constant 0 : i32
        %dma_wait3A_154 = tpu.memref_slice %arg6[%rem3A_144, %dma_wait3A_152, %dma_wait3A_153] : memref<4x2x128xi32, #tpu.memory_space<vmem>> -> memref<1x2x128xi32, #tpu.memory_space<vmem>>
        %dma_wait3A_155 = tpu.memref_squeeze %dma_wait3A_154 : memref<1x2x128xi32, #tpu.memory_space<vmem>> -> memref<2x128xi32, #tpu.memory_space<vmem>>
        %dma_wait3A_156 = arith.constant 0 : i32
        %dma_wait3A_157 = tpu.memref_slice %arg3[%dma_wait3A_156, %mul3A_151] : memref<2x320000xi32, #tpu.memory_space<hbm>> -> memref<2x128xi32, #tpu.memory_space<hbm>>
        %dma_wait3A_158 = tpu.memref_slice %arg9[%rem3A_144] : memref<4x!tpu.dma_semaphore, #tpu.memory_space<semaphore_mem>> -> memref<1x!tpu.dma_semaphore, #tpu.memory_space<semaphore_mem>>
        %dma_wait3A_159 = tpu.memref_squeeze %dma_wait3A_158 : memref<1x!tpu.dma_semaphore, #tpu.memory_space<semaphore_mem>> -> memref<!tpu.dma_semaphore, #tpu.memory_space<semaphore_mem>>
        %dma_wait3A_160 = arith.constant 0 : i32
        %dma_wait3A_161 = arith.constant 0 : i32
        %dma_wait3A_162 = tpu.memref_slice %arg6[%rem3A_144, %dma_wait3A_160, %dma_wait3A_161] : memref<4x2x128xi32, #tpu.memory_space<vmem>> -> memref<1x2x128xi32, #tpu.memory_space<vmem>>
        %dma_wait3A_163 = tpu.memref_squeeze %dma_wait3A_162 : memref<1x2x128xi32, #tpu.memory_space<vmem>> -> memref<2x128xi32, #tpu.memory_space<vmem>>
        %dma_wait3A_164 = arith.constant 0 : i32
        %dma_wait3A_165 = tpu.memref_slice %arg3[%dma_wait3A_164, %mul3A_151] : memref<2x320000xi32, #tpu.memory_space<hbm>> -> memref<2x128xi32, #tpu.memory_space<hbm>>
        tpu.wait_dma2 semaphore(%dma_wait3A_159 : memref<!tpu.dma_semaphore, #tpu.memory_space<semaphore_mem>>) src(%dma_wait3A_165 : memref<2x128xi32, #tpu.memory_space<hbm>>) dst(%dma_wait3A_163 : memref<2x128xi32, #tpu.memory_space<vmem>>)
        %sub3A_166 = arith.constant 1 : i32
        %sub3A_167 = arith.subi %sub3A_166, %rem3A_114 : i32
        %dma_start3A_168 = arith.constant 0 : i32
        %dma_start3A_169 = arith.constant 0 : i32
        %dma_start3A_170 = arith.constant 0 : i32
        %dma_start3A_171 = tpu.memref_slice %arg7[%sub3A_167, %dma_start3A_169, %dma_start3A_170] : memref<2x128x128xf32, #tpu.memory_space<vmem>> -> memref<1x128x128xf32, #tpu.memory_space<vmem>>
        %dma_start3A_172 = tpu.memref_squeeze %dma_start3A_171 : memref<1x128x128xf32, #tpu.memory_space<vmem>> -> memref<128x128xf32, #tpu.memory_space<vmem>>
        %dma_start3A_173 = arith.constant 0 : i32
        %dma_start3A_174 = tpu.memref_slice %arg6[%rem3A_144, %dma_start3A_168, %dma_start3A_173] : memref<4x2x128xi32, #tpu.memory_space<vmem>> -> memref<1x1x128xi32, #tpu.memory_space<vmem>>
        %dma_start3A_175 = tpu.memref_squeeze %dma_start3A_174 : memref<1x1x128xi32, #tpu.memory_space<vmem>> -> memref<128xi32, #tpu.memory_space<vmem>>
        %dma_start3A_176 = arith.constant 0 : i32
        %dma_start3A_177 = arith.constant 0 : i32
        %dma_start3A_178 = tpu.memref_slice %arg2[%dma_start3A_176, %dma_start3A_177] : memref<10000x128xf32, #tpu.memory_space<hbm>> -> memref<10000x128xf32, #tpu.memory_space<hbm>>
        %dma_start3A_179 = tpu.memref_slice %arg10[%sub3A_167] : memref<2x!tpu.dma_semaphore, #tpu.memory_space<semaphore_mem>> -> memref<1x!tpu.dma_semaphore, #tpu.memory_space<semaphore_mem>>
        %dma_start3A_180 = tpu.memref_squeeze %dma_start3A_179 : memref<1x!tpu.dma_semaphore, #tpu.memory_space<semaphore_mem>> -> memref<!tpu.dma_semaphore, #tpu.memory_space<semaphore_mem>>
        tpu.enqueue_indirect_dma source(%dma_start3A_178 : memref<10000x128xf32, #tpu.memory_space<hbm>>) target(%dma_start3A_172 : memref<128x128xf32, #tpu.memory_space<vmem>>) offsets(%dma_start3A_175 : memref<128xi32, #tpu.memory_space<vmem>>) semaphore(%dma_start3A_180 : memref<!tpu.dma_semaphore, #tpu.memory_space<semaphore_mem>>)
      } else {
      }
      %dma_wait3A_128 = arith.constant 0 : i32
      %dma_wait3A_129 = arith.constant 0 : i32
      %dma_wait3A_130 = arith.constant 0 : i32
      %dma_wait3A_131 = tpu.memref_slice %arg7[%rem3A_114, %dma_wait3A_129, %dma_wait3A_130] : memref<2x128x128xf32, #tpu.memory_space<vmem>> -> memref<1x128x128xf32, #tpu.memory_space<vmem>>
      %dma_wait3A_132 = tpu.memref_squeeze %dma_wait3A_131 : memref<1x128x128xf32, #tpu.memory_space<vmem>> -> memref<128x128xf32, #tpu.memory_space<vmem>>
      %dma_wait3A_133 = arith.constant 0 : i32
      %dma_wait3A_134 = tpu.memref_slice %arg6[%rem3A_116, %dma_wait3A_128, %dma_wait3A_133] : memref<4x2x128xi32, #tpu.memory_space<vmem>> -> memref<1x1x128xi32, #tpu.memory_space<vmem>>
      %dma_wait3A_135 = tpu.memref_squeeze %dma_wait3A_134 : memref<1x1x128xi32, #tpu.memory_space<vmem>> -> memref<128xi32, #tpu.memory_space<vmem>>
      %dma_wait3A_136 = arith.constant 0 : i32
      %dma_wait3A_137 = arith.constant 0 : i32
      %dma_wait3A_138 = tpu.memref_slice %arg2[%dma_wait3A_136, %dma_wait3A_137] : memref<10000x128xf32, #tpu.memory_space<hbm>> -> memref<10000x128xf32, #tpu.memory_space<hbm>>
      %dma_wait3A_139 = tpu.memref_slice %arg10[%rem3A_114] : memref<2x!tpu.dma_semaphore, #tpu.memory_space<semaphore_mem>> -> memref<1x!tpu.dma_semaphore, #tpu.memory_space<semaphore_mem>>
      %dma_wait3A_140 = tpu.memref_squeeze %dma_wait3A_139 : memref<1x!tpu.dma_semaphore, #tpu.memory_space<semaphore_mem>> -> memref<!tpu.dma_semaphore, #tpu.memory_space<semaphore_mem>>
      tpu.wait_indirect_dma semaphore(%dma_wait3A_140 : memref<!tpu.dma_semaphore, #tpu.memory_space<semaphore_mem>>) src(%dma_wait3A_138 : memref<10000x128xf32, #tpu.memory_space<hbm>>) dst(%dma_wait3A_132 : memref<128x128xf32, #tpu.memory_space<vmem>>)
      %run_scoped3A = arith.constant 1 : i32
      "tpu.region"() ({
        %run_scoped3A_141 = tpu.sem_alloc : memref<!tpu.dma_semaphore, #tpu.memory_space<semaphore_mem>>
        %dma_start3A_142 = arith.constant 0 : i32
        %dma_start3A_143 = arith.constant 0 : i32
        %dma_start3A_144 = tpu.memref_slice %arg7[%rem3A_114, %dma_start3A_142, %dma_start3A_143] : memref<2x128x128xf32, #tpu.memory_space<vmem>> -> memref<1x128x128xf32, #tpu.memory_space<vmem>>
        %dma_start3A_145 = tpu.memref_squeeze %dma_start3A_144 : memref<1x128x128xf32, #tpu.memory_space<vmem>> -> memref<128x128xf32, #tpu.memory_space<vmem>>
        %dma_start3A_146 = arith.constant 0 : i32
        %dma_start3A_147 = tpu.memref_slice %arg6[%rem3A_116, %run_scoped3A, %dma_start3A_146] : memref<4x2x128xi32, #tpu.memory_space<vmem>> -> memref<1x1x128xi32, #tpu.memory_space<vmem>>
        %dma_start3A_148 = tpu.memref_squeeze %dma_start3A_147 : memref<1x1x128xi32, #tpu.memory_space<vmem>> -> memref<128xi32, #tpu.memory_space<vmem>>
        %dma_start3A_149 = arith.constant 0 : i32
        %dma_start3A_150 = arith.constant 0 : i32
        %dma_start3A_151 = tpu.memref_slice %arg8[%dma_start3A_149, %dma_start3A_150] : memref<10240x128xf32, #tpu.memory_space<vmem_shared>> -> memref<10240x128xf32, #tpu.memory_space<vmem_shared>>
        tpu.enqueue_indirect_dma source(%dma_start3A_145 : memref<128x128xf32, #tpu.memory_space<vmem>>) target(%dma_start3A_151 : memref<10240x128xf32, #tpu.memory_space<vmem_shared>>) offsets(%dma_start3A_148 : memref<128xi32, #tpu.memory_space<vmem>>) semaphore(%run_scoped3A_141 : memref<!tpu.dma_semaphore, #tpu.memory_space<semaphore_mem>>) {add = true}
        %dma_wait3A_152 = arith.constant 0 : i32
        %dma_wait3A_153 = arith.constant 0 : i32
        %dma_wait3A_154 = tpu.memref_slice %arg7[%rem3A_114, %dma_wait3A_152, %dma_wait3A_153] : memref<2x128x128xf32, #tpu.memory_space<vmem>> -> memref<1x128x128xf32, #tpu.memory_space<vmem>>
        %dma_wait3A_155 = tpu.memref_squeeze %dma_wait3A_154 : memref<1x128x128xf32, #tpu.memory_space<vmem>> -> memref<128x128xf32, #tpu.memory_space<vmem>>
        %dma_wait3A_156 = arith.constant 0 : i32
        %dma_wait3A_157 = tpu.memref_slice %arg6[%rem3A_116, %run_scoped3A, %dma_wait3A_156] : memref<4x2x128xi32, #tpu.memory_space<vmem>> -> memref<1x1x128xi32, #tpu.memory_space<vmem>>
        %dma_wait3A_158 = tpu.memref_squeeze %dma_wait3A_157 : memref<1x1x128xi32, #tpu.memory_space<vmem>> -> memref<128xi32, #tpu.memory_space<vmem>>
        %dma_wait3A_159 = arith.constant 0 : i32
        %dma_wait3A_160 = arith.constant 0 : i32
        %dma_wait3A_161 = tpu.memref_slice %arg8[%dma_wait3A_159, %dma_wait3A_160] : memref<10240x128xf32, #tpu.memory_space<vmem_shared>> -> memref<10240x128xf32, #tpu.memory_space<vmem_shared>>
        tpu.wait_indirect_dma semaphore(%run_scoped3A_141 : memref<!tpu.dma_semaphore, #tpu.memory_space<semaphore_mem>>) src(%dma_wait3A_155 : memref<128x128xf32, #tpu.memory_space<vmem>>) dst(%dma_wait3A_161 : memref<10240x128xf32, #tpu.memory_space<vmem_shared>>)
        tpu.yield
      }) : () -> ()
    }
    %barrier3A_112 = arith.constant 0 : index
    tpu.barrier barrier_id(%barrier3A_112)
    "tpu.region"() ({
      %run_scoped3A = tpu.sem_alloc : memref<!tpu.dma_semaphore, #tpu.memory_space<semaphore_mem>>
      %dma_start3A_113 = arith.constant 0 : i32
      %dma_start3A_114 = tpu.memref_slice %arg5[%arg0, %mul3A_2, %dma_start3A_113] : memref<2x10240x128xf32, #tpu.memory_space<hbm>> -> memref<1x640x128xf32, #tpu.memory_space<hbm>>
      %dma_start3A_115 = tpu.memref_squeeze %dma_start3A_114 : memref<1x640x128xf32, #tpu.memory_space<hbm>> -> memref<640x128xf32, #tpu.memory_space<hbm>>
      %dma_start3A_116 = arith.constant 0 : i32
      %dma_start3A_117 = tpu.memref_slice %arg8[%mul3A_2, %dma_start3A_116] : memref<10240x128xf32, #tpu.memory_space<vmem_shared>> -> memref<640x128xf32, #tpu.memory_space<vmem_shared>>
      tpu.enqueue_dma source(%dma_start3A_117 : memref<640x128xf32, #tpu.memory_space<vmem_shared>>) target(%dma_start3A_115 : memref<640x128xf32, #tpu.memory_space<hbm>>) target_semaphore(%run_scoped3A : memref<!tpu.dma_semaphore, #tpu.memory_space<semaphore_mem>>)
      %dma_wait3A_118 = arith.constant 0 : i32
      %dma_wait3A_119 = tpu.memref_slice %arg5[%arg0, %mul3A_2, %dma_wait3A_118] : memref<2x10240x128xf32, #tpu.memory_space<hbm>> -> memref<1x640x128xf32, #tpu.memory_space<hbm>>
      %dma_wait3A_120 = tpu.memref_squeeze %dma_wait3A_119 : memref<1x640x128xf32, #tpu.memory_space<hbm>> -> memref<640x128xf32, #tpu.memory_space<hbm>>
      %dma_wait3A_121 = arith.constant 0 : i32
      %dma_wait3A_122 = tpu.memref_slice %arg8[%mul3A_2, %dma_wait3A_121] : memref<10240x128xf32, #tpu.memory_space<vmem_shared>> -> memref<640x128xf32, #tpu.memory_space<vmem_shared>>
      tpu.wait_dma2 semaphore(%run_scoped3A : memref<!tpu.dma_semaphore, #tpu.memory_space<semaphore_mem>>) src(%dma_wait3A_122 : memref<640x128xf32, #tpu.memory_space<vmem_shared>>) dst(%dma_wait3A_120 : memref<640x128xf32, #tpu.memory_space<hbm>>)
      tpu.yield
    }) : () -> ()
    return
  }
}

module attributes {stable_mosaic.version = 14 : i64} {
  func.func @_tc_first_body(%arg0: i32, %arg1: memref<2000x128xf32, #tpu.memory_space<vmem>>, %arg2: memref<128x128xf32, #tpu.memory_space<vmem>>, %arg3: memref<2000x2xf32, #tpu.memory_space<vmem>>, %arg4: memref<2000x128xf32, #tpu.memory_space<vmem>>) attributes {dimension_semantics = [#tpu.dimension_semantics<arbitrary>], iteration_bounds = array<i64: 5>, scalar_prefetch = 0 : i64, scratch_operands = 0 : i64, tpu.core_type = #tpu.core_type<tc>, window_params = [{transform_indices = @transform_0, window_bounds = array<i64: 2000, 128>}, {pipeline_mode = #tpu.pipeline_mode<synchronous>, transform_indices = @transform_1, window_bounds = array<i64: 128, 128>}, {transform_indices = @transform_2, window_bounds = array<i64: 2000, 2>}, {transform_indices = @transform_3, window_bounds = array<i64: 2000, 128>}]} {
    %get3A = arith.constant 0 : index
    %get3A_0 = arith.constant 0 : index
    %get3A_1 = vector.load %arg3[%get3A, %get3A_0] : memref<2000x2xf32, #tpu.memory_space<vmem>>, vector<2000x1xf32>
    %get3A_2 = arith.constant 0 : index
    %get3A_3 = arith.constant 1 : index
    %get3A_4 = vector.load %arg3[%get3A_2, %get3A_3] : memref<2000x2xf32, #tpu.memory_space<vmem>>, vector<2000x1xf32>
    %add3A = arith.addf %get3A_1, %get3A_4 : vector<2000x1xf32>
    %add3A_5 = arith.constant 1.000000e+00 : f32
    %add3A_6 = vector.broadcast %add3A_5 : f32 to vector<2000x1xf32>
    %add3A_7 = arith.addf %add3A, %add3A_6 : vector<2000x1xf32>
    %rsqrt3A = math.rsqrt %add3A_7 : vector<2000x1xf32>
    %get3A_8 = arith.constant 0 : index
    %get3A_9 = arith.constant 0 : index
    %get3A_10 = vector.load %arg1[%get3A_8, %get3A_9] : memref<2000x128xf32, #tpu.memory_space<vmem>>, vector<2000x128xf32>
    %get3A_11 = arith.constant 0 : index
    %get3A_12 = arith.constant 0 : index
    %get3A_13 = vector.load %arg2[%get3A_11, %get3A_12] : memref<128x128xf32, #tpu.memory_space<vmem>>, vector<128x128xf32>
    %dot_general3A = arith.constant dense<0.000000e+00> : vector<2000x128xf32>
    %dot_general3A_14 = tpu.matmul %get3A_10, %get3A_13, %dot_general3A {dimension_numbers = #tpu.dot_dimension_numbers<[1], [0], [0], [1], [0, 0, 1, 1], [], []>, transpose_lhs_hint = false} : vector<2000x128xf32>, vector<128x128xf32>, vector<2000x128xf32> -> vector<2000x128xf32>
    %mul3A = vector.broadcast %rsqrt3A : vector<2000x1xf32> to vector<2000x128xf32>
    %mul3A_15 = arith.mulf %dot_general3A_14, %mul3A : vector<2000x128xf32>
    %swap3A = arith.constant 0 : index
    %swap3A_16 = arith.constant 0 : index
    %swap3A_17 = vector.load %arg4[%swap3A, %swap3A_16] : memref<2000x128xf32, #tpu.memory_space<vmem>>, vector<2000x128xf32>
    tpu.vector_store %arg4[%swap3A, %swap3A_16], %mul3A_15 {strides = array<i32>} : memref<2000x128xf32, #tpu.memory_space<vmem>>, vector<2000x128xf32>,
    return
  }
  func.func @transform_0(%arg0: i32) -> (i32, i32) {
    %c0_i32 = arith.constant 0 : i32
    %c0_i32_0 = arith.constant 0 : i32
    return %arg0, %c0_i32 : i32, i32
  }
  func.func @transform_1(%arg0: i32) -> (i32, i32) {
    %c0_i32 = arith.constant 0 : i32
    %c0_i32_0 = arith.constant 0 : i32
    %c0_i32_1 = arith.constant 0 : i32
    return %c0_i32, %c0_i32_0 : i32, i32
  }
  func.func @transform_2(%arg0: i32) -> (i32, i32) {
    %c0_i32 = arith.constant 0 : i32
    %c0_i32_0 = arith.constant 0 : i32
    return %arg0, %c0_i32 : i32, i32
  }
  func.func @transform_3(%arg0: i32) -> (i32, i32) {
    %c0_i32 = arith.constant 0 : i32
    %c0_i32_0 = arith.constant 0 : i32
    return %arg0, %c0_i32 : i32, i32
  }
}

module attributes {stable_mosaic.version = 14 : i64} {
  func.func @_tc_mid_body(%arg0: i32, %arg1: memref<2x2000x128xf32, #tpu.memory_space<vmem>>, %arg2: memref<2000x128xf32, #tpu.memory_space<vmem>>, %arg3: memref<2000x2xf32, #tpu.memory_space<vmem>>, %arg4: memref<1x128xf32, #tpu.memory_space<vmem>>, %arg5: memref<128x128xf32, #tpu.memory_space<vmem>>, %arg6: memref<2000x128xf32, #tpu.memory_space<vmem>>) attributes {dimension_semantics = [#tpu.dimension_semantics<arbitrary>], iteration_bounds = array<i64: 5>, scalar_prefetch = 0 : i64, scratch_operands = 0 : i64, tpu.core_type = #tpu.core_type<tc>, window_params = [{transform_indices = @transform_0, window_bounds = array<i64: 2, 2000, 128>}, {transform_indices = @transform_1, window_bounds = array<i64: 2000, 128>}, {transform_indices = @transform_2, window_bounds = array<i64: 2000, 2>}, {pipeline_mode = #tpu.pipeline_mode<synchronous>, transform_indices = @transform_3, window_bounds = array<i64: 1, 128>}, {pipeline_mode = #tpu.pipeline_mode<synchronous>, transform_indices = @transform_4, window_bounds = array<i64: 128, 128>}, {transform_indices = @transform_5, window_bounds = array<i64: 2000, 128>}]} {
    %get3A = arith.constant 0 : index
    %get3A_0 = arith.constant 0 : index
    %get3A_1 = vector.load %arg3[%get3A, %get3A_0] : memref<2000x2xf32, #tpu.memory_space<vmem>>, vector<2000x1xf32>
    %get3A_2 = arith.constant 0 : index
    %get3A_3 = arith.constant 1 : index
    %get3A_4 = vector.load %arg3[%get3A_2, %get3A_3] : memref<2000x2xf32, #tpu.memory_space<vmem>>, vector<2000x1xf32>
    %add3A = arith.addf %get3A_1, %get3A_4 : vector<2000x1xf32>
    %add3A_5 = arith.constant 1.000000e+00 : f32
    %add3A_6 = vector.broadcast %add3A_5 : f32 to vector<2000x1xf32>
    %add3A_7 = arith.addf %add3A, %add3A_6 : vector<2000x1xf32>
    %rsqrt3A = math.rsqrt %add3A_7 : vector<2000x1xf32>
    %get3A_8 = arith.constant 0 : index
    %get3A_9 = arith.constant 0 : index
    %get3A_10 = arith.constant 0 : index
    %get3A_11 = vector.load %arg1[%get3A_8, %get3A_9, %get3A_10] : memref<2x2000x128xf32, #tpu.memory_space<vmem>>, vector<1x2000x128xf32>
    %get3A_12 = vector.shape_cast %get3A_11 : vector<1x2000x128xf32> to vector<2000x128xf32>
    %get3A_13 = arith.constant 1 : index
    %get3A_14 = arith.constant 0 : index
    %get3A_15 = arith.constant 0 : index
    %get3A_16 = vector.load %arg1[%get3A_13, %get3A_14, %get3A_15] : memref<2x2000x128xf32, #tpu.memory_space<vmem>>, vector<1x2000x128xf32>
    %get3A_17 = vector.shape_cast %get3A_16 : vector<1x2000x128xf32> to vector<2000x128xf32>
    %add3A_18 = arith.addf %get3A_12, %get3A_17 : vector<2000x128xf32>
    %get3A_19 = arith.constant 0 : index
    %get3A_20 = arith.constant 0 : index
    %get3A_21 = vector.load %arg2[%get3A_19, %get3A_20] : memref<2000x128xf32, #tpu.memory_space<vmem>>, vector<2000x128xf32>
    %add3A_22 = arith.addf %add3A_18, %get3A_21 : vector<2000x128xf32>
    %mul3A = vector.broadcast %rsqrt3A : vector<2000x1xf32> to vector<2000x128xf32>
    %mul3A_23 = arith.mulf %add3A_22, %mul3A : vector<2000x128xf32>
    %get3A_24 = arith.constant 0 : index
    %get3A_25 = arith.constant 0 : index
    %get3A_26 = vector.load %arg4[%get3A_24, %get3A_25] : memref<1x128xf32, #tpu.memory_space<vmem>>, vector<1x128xf32>
    %add3A_27 = vector.broadcast %get3A_26 : vector<1x128xf32> to vector<2000x128xf32>
    %add3A_28 = arith.addf %mul3A_23, %add3A_27 : vector<2000x128xf32>
    %ge3A = arith.constant 0.000000e+00 : f32
    %ge3A_29 = vector.broadcast %ge3A : f32 to vector<2000x128xf32>
    %ge3A_30 = arith.cmpf oge, %add3A_28, %ge3A_29 : vector<2000x128xf32>
    %mul3A_31 = arith.constant 0.00999999977 : f32
    %mul3A_32 = vector.broadcast %mul3A_31 : f32 to vector<2000x128xf32>
    %mul3A_33 = arith.mulf %mul3A_32, %add3A_28 : vector<2000x128xf32>
    %select_n3A = arith.select %ge3A_30, %add3A_28, %mul3A_33 : vector<2000x128xi1>, vector<2000x128xf32>
    %get3A_34 = arith.constant 0 : index
    %get3A_35 = arith.constant 0 : index
    %get3A_36 = vector.load %arg5[%get3A_34, %get3A_35] : memref<128x128xf32, #tpu.memory_space<vmem>>, vector<128x128xf32>
    %dot_general3A = arith.constant dense<0.000000e+00> : vector<2000x128xf32>
    %dot_general3A_37 = tpu.matmul %select_n3A, %get3A_36, %dot_general3A {dimension_numbers = #tpu.dot_dimension_numbers<[1], [0], [0], [1], [0, 0, 1, 1], [], []>, transpose_lhs_hint = false} : vector<2000x128xf32>, vector<128x128xf32>, vector<2000x128xf32> -> vector<2000x128xf32>
    %mul3A_38 = vector.broadcast %rsqrt3A : vector<2000x1xf32> to vector<2000x128xf32>
    %mul3A_39 = arith.mulf %dot_general3A_37, %mul3A_38 : vector<2000x128xf32>
    %swap3A = arith.constant 0 : index
    %swap3A_40 = arith.constant 0 : index
    %swap3A_41 = vector.load %arg6[%swap3A, %swap3A_40] : memref<2000x128xf32, #tpu.memory_space<vmem>>, vector<2000x128xf32>
    tpu.vector_store %arg6[%swap3A, %swap3A_40], %mul3A_39 {strides = array<i32>} : memref<2000x128xf32, #tpu.memory_space<vmem>>, vector<2000x128xf32>,
    return
  }
  func.func @transform_0(%arg0: i32) -> (i32, i32, i32) {
    %c0_i32 = arith.constant 0 : i32
    %c0_i32_0 = arith.constant 0 : i32
    %c0_i32_1 = arith.constant 0 : i32
    return %c0_i32, %arg0, %c0_i32_0 : i32, i32, i32
  }
  func.func @transform_1(%arg0: i32) -> (i32, i32) {
    %c0_i32 = arith.constant 0 : i32
    %c0_i32_0 = arith.constant 0 : i32
    return %arg0, %c0_i32 : i32, i32
  }
  func.func @transform_2(%arg0: i32) -> (i32, i32) {
    %c0_i32 = arith.constant 0 : i32
    %c0_i32_0 = arith.constant 0 : i32
    return %arg0, %c0_i32 : i32, i32
  }
  func.func @transform_3(%arg0: i32) -> (i32, i32) {
    %c0_i32 = arith.constant 0 : i32
    %c0_i32_0 = arith.constant 0 : i32
    %c0_i32_1 = arith.constant 0 : i32
    return %c0_i32, %c0_i32_0 : i32, i32
  }
  func.func @transform_4(%arg0: i32) -> (i32, i32) {
    %c0_i32 = arith.constant 0 : i32
    %c0_i32_0 = arith.constant 0 : i32
    %c0_i32_1 = arith.constant 0 : i32
    return %c0_i32, %c0_i32_0 : i32, i32
  }
  func.func @transform_5(%arg0: i32) -> (i32, i32) {
    %c0_i32 = arith.constant 0 : i32
    %c0_i32_0 = arith.constant 0 : i32
    return %arg0, %c0_i32 : i32, i32
  }
}

module attributes {stable_mosaic.version = 14 : i64} {
  func.func @_tc_mid_body(%arg0: i32, %arg1: memref<2x2000x128xf32, #tpu.memory_space<vmem>>, %arg2: memref<2000x128xf32, #tpu.memory_space<vmem>>, %arg3: memref<2000x2xf32, #tpu.memory_space<vmem>>, %arg4: memref<1x128xf32, #tpu.memory_space<vmem>>, %arg5: memref<128x1xf32, #tpu.memory_space<vmem>>, %arg6: memref<2000x1xf32, #tpu.memory_space<vmem>>) attributes {dimension_semantics = [#tpu.dimension_semantics<arbitrary>], iteration_bounds = array<i64: 5>, scalar_prefetch = 0 : i64, scratch_operands = 0 : i64, tpu.core_type = #tpu.core_type<tc>, window_params = [{transform_indices = @transform_0, window_bounds = array<i64: 2, 2000, 128>}, {transform_indices = @transform_1, window_bounds = array<i64: 2000, 128>}, {transform_indices = @transform_2, window_bounds = array<i64: 2000, 2>}, {pipeline_mode = #tpu.pipeline_mode<synchronous>, transform_indices = @transform_3, window_bounds = array<i64: 1, 128>}, {pipeline_mode = #tpu.pipeline_mode<synchronous>, transform_indices = @transform_4, window_bounds = array<i64: 128, 1>}, {transform_indices = @transform_5, window_bounds = array<i64: 2000, 1>}]} {
    %get3A = arith.constant 0 : index
    %get3A_0 = arith.constant 0 : index
    %get3A_1 = vector.load %arg3[%get3A, %get3A_0] : memref<2000x2xf32, #tpu.memory_space<vmem>>, vector<2000x1xf32>
    %get3A_2 = arith.constant 0 : index
    %get3A_3 = arith.constant 1 : index
    %get3A_4 = vector.load %arg3[%get3A_2, %get3A_3] : memref<2000x2xf32, #tpu.memory_space<vmem>>, vector<2000x1xf32>
    %add3A = arith.addf %get3A_1, %get3A_4 : vector<2000x1xf32>
    %add3A_5 = arith.constant 1.000000e+00 : f32
    %add3A_6 = vector.broadcast %add3A_5 : f32 to vector<2000x1xf32>
    %add3A_7 = arith.addf %add3A, %add3A_6 : vector<2000x1xf32>
    %rsqrt3A = math.rsqrt %add3A_7 : vector<2000x1xf32>
    %get3A_8 = arith.constant 0 : index
    %get3A_9 = arith.constant 0 : index
    %get3A_10 = arith.constant 0 : index
    %get3A_11 = vector.load %arg1[%get3A_8, %get3A_9, %get3A_10] : memref<2x2000x128xf32, #tpu.memory_space<vmem>>, vector<1x2000x128xf32>
    %get3A_12 = vector.shape_cast %get3A_11 : vector<1x2000x128xf32> to vector<2000x128xf32>
    %get3A_13 = arith.constant 1 : index
    %get3A_14 = arith.constant 0 : index
    %get3A_15 = arith.constant 0 : index
    %get3A_16 = vector.load %arg1[%get3A_13, %get3A_14, %get3A_15] : memref<2x2000x128xf32, #tpu.memory_space<vmem>>, vector<1x2000x128xf32>
    %get3A_17 = vector.shape_cast %get3A_16 : vector<1x2000x128xf32> to vector<2000x128xf32>
    %add3A_18 = arith.addf %get3A_12, %get3A_17 : vector<2000x128xf32>
    %get3A_19 = arith.constant 0 : index
    %get3A_20 = arith.constant 0 : index
    %get3A_21 = vector.load %arg2[%get3A_19, %get3A_20] : memref<2000x128xf32, #tpu.memory_space<vmem>>, vector<2000x128xf32>
    %add3A_22 = arith.addf %add3A_18, %get3A_21 : vector<2000x128xf32>
    %mul3A = vector.broadcast %rsqrt3A : vector<2000x1xf32> to vector<2000x128xf32>
    %mul3A_23 = arith.mulf %add3A_22, %mul3A : vector<2000x128xf32>
    %get3A_24 = arith.constant 0 : index
    %get3A_25 = arith.constant 0 : index
    %get3A_26 = vector.load %arg4[%get3A_24, %get3A_25] : memref<1x128xf32, #tpu.memory_space<vmem>>, vector<1x128xf32>
    %add3A_27 = vector.broadcast %get3A_26 : vector<1x128xf32> to vector<2000x128xf32>
    %add3A_28 = arith.addf %mul3A_23, %add3A_27 : vector<2000x128xf32>
    %ge3A = arith.constant 0.000000e+00 : f32
    %ge3A_29 = vector.broadcast %ge3A : f32 to vector<2000x128xf32>
    %ge3A_30 = arith.cmpf oge, %add3A_28, %ge3A_29 : vector<2000x128xf32>
    %mul3A_31 = arith.constant 0.00999999977 : f32
    %mul3A_32 = vector.broadcast %mul3A_31 : f32 to vector<2000x128xf32>
    %mul3A_33 = arith.mulf %mul3A_32, %add3A_28 : vector<2000x128xf32>
    %select_n3A = arith.select %ge3A_30, %add3A_28, %mul3A_33 : vector<2000x128xi1>, vector<2000x128xf32>
    %get3A_34 = arith.constant 0 : index
    %get3A_35 = arith.constant 0 : index
    %get3A_36 = vector.load %arg5[%get3A_34, %get3A_35] : memref<128x1xf32, #tpu.memory_space<vmem>>, vector<128x1xf32>
    %dot_general3A = arith.constant dense<0.000000e+00> : vector<2000x1xf32>
    %dot_general3A_37 = tpu.matmul %select_n3A, %get3A_36, %dot_general3A {dimension_numbers = #tpu.dot_dimension_numbers<[1], [0], [0], [1], [0, 0, 1, 1], [], []>, transpose_lhs_hint = false} : vector<2000x128xf32>, vector<128x1xf32>, vector<2000x1xf32> -> vector<2000x1xf32>
    %mul3A_38 = arith.mulf %dot_general3A_37, %rsqrt3A : vector<2000x1xf32>
    %swap3A = arith.constant 0 : index
    %swap3A_39 = arith.constant 0 : index
    %swap3A_40 = vector.load %arg6[%swap3A, %swap3A_39] : memref<2000x1xf32, #tpu.memory_space<vmem>>, vector<2000x1xf32>
    tpu.vector_store %arg6[%swap3A, %swap3A_39], %mul3A_38 {strides = array<i32>} : memref<2000x1xf32, #tpu.memory_space<vmem>>, vector<2000x1xf32>,
    return
  }
  func.func @transform_0(%arg0: i32) -> (i32, i32, i32) {
    %c0_i32 = arith.constant 0 : i32
    %c0_i32_0 = arith.constant 0 : i32
    %c0_i32_1 = arith.constant 0 : i32
    return %c0_i32, %arg0, %c0_i32_0 : i32, i32, i32
  }
  func.func @transform_1(%arg0: i32) -> (i32, i32) {
    %c0_i32 = arith.constant 0 : i32
    %c0_i32_0 = arith.constant 0 : i32
    return %arg0, %c0_i32 : i32, i32
  }
  func.func @transform_2(%arg0: i32) -> (i32, i32) {
    %c0_i32 = arith.constant 0 : i32
    %c0_i32_0 = arith.constant 0 : i32
    return %arg0, %c0_i32 : i32, i32
  }
  func.func @transform_3(%arg0: i32) -> (i32, i32) {
    %c0_i32 = arith.constant 0 : i32
    %c0_i32_0 = arith.constant 0 : i32
    %c0_i32_1 = arith.constant 0 : i32
    return %c0_i32, %c0_i32_0 : i32, i32
  }
  func.func @transform_4(%arg0: i32) -> (i32, i32) {
    %c0_i32 = arith.constant 0 : i32
    %c0_i32_0 = arith.constant 0 : i32
    %c0_i32_1 = arith.constant 0 : i32
    return %c0_i32, %c0_i32_0 : i32, i32
  }
  func.func @transform_5(%arg0: i32) -> (i32, i32) {
    %c0_i32 = arith.constant 0 : i32
    %c0_i32_0 = arith.constant 0 : i32
    return %arg0, %c0_i32 : i32, i32
  }
}

</mosaic_0001>

<sc_bundles>
// kernel: kernel.12.cloned.1.call-start
scs
__scs_entry_jumppad:
0x0: {  	(pc) =	sbr.rel $0x88, $3  }
0x1: {  	(tag) =	ssettag $0x0;
	lr =	simm.s32 $0x1  }
0x2: {  	[smem:$0x3F99] =	sst lr;
	_ =	strace $0xD0000000  }
0x3: {  	_ = 	snop  }
0x4: {  	_ = 	snop  }
0x5: {  	_ = 	snop  }
0x6: {  	_ = 	snop  }
0x7: {  	_ = 	snop  }
__scs_overlays_trampoline_lowered:
0x8: {  	[smem:$0x3FA8] =	sst s0  }
0x9: {  	[smem:$0x3FA9] =	sst s1  }
0xa: {  	[smem:$0x3FAA] =	sst s2  }
0xb: {  	[smem:$0x3FAB] =	sst s3  }
0xc: {  	[smem:$0x3FAC] =	sst s4  }
0xd: {  	[smem:$0x3FAD] =	sst s5  }
0xe: {  	[smem:$0x3FAE] =	sst s6  }
0xf: {  	[smem:$0x3FAF] =	sst s7  }
0x10: {  	[smem:$0x3FB0] =	sst s8  }
0x11: {  	[smem:$0x3FB1] =	sst s9;
	s0 =	simm.s32 @!p0 $0x0  }
0x12: {  	s1 =	sld [smem:$0x3F97];
	s0 =	simm.s32 @p0 $0x1  }
0x13: {  	[smem:$0x3FB2] =	sst s0;
	s0 =	simm.s32 @!p1 $0x0  }
0x14: {  	s2 =	sld [smem:$0x3F96];
	s0 =	simm.s32 @p1 $0x1  }
0x15: {  	[smem:$0x3FB3] =	sst s0;
	s0 =	simm.s32 @!p2 $0x0  }
0x16: {  	s3 =	sld [smem:$0x3FDB];
	s0 =	simm.s32 @p2 $0x1  }
0x17: {  	s4 =	simm.s32 $0x1BF5;
	[smem:$0x3FB5] =	sst s0  }
0x18: {  	s0 =	sld [smem:$0x3F98];
	_ =	swait.ge [sflag:s4], $0x0  }
0x19: {  	s7 =	sld [smem:$0x3F99]  }
0x1a: {  	s8 =	sadd.s32 $0xFFFFE003, lr  }
0x1b: {  	s9 =	sadd.s32 $0xFFFFFEF7, lr;
	s5 =	simm.s32 $0xFFFFFFFF;
	p2 =	slt.u32 s8, $0xFFFFF086  }
0x1c: {  	p1 =	slt.u32 s9, $0xF7A;
	s5 =	simm.s32 @!p2 $0x0  }
0x1d: {  	s5 =	simm.s32 @p1 $0x1;
	p0 =	seq.s32 s7, s2  }
0x1e: {  	s7 =	smul.u32 @!p0 $0xF7A, s2;
	p2 =	seq.s32 @!p0 s5, $0x0  }
0x1f: {  	s9 =	smul.u32 $0xF7A, s1;
	s8 =	simm.s32 @!p0 $0x1BF5;
	p2 =	por !p2, p0  }
0x20: {  	[sflag:s8] =	ssyncset.s32 @!p0 $0xFFFFF086;
	s6 =	sadd.s32 @!p0 s3, s7;
	s7 =	simm.s32 @!p0 $0x108  }
0x21: {  	s3 =	sadd.s32 s3, s9;
	s6 =	sadd.s32 @!p0 $0x88, s6;
	s7 =	simm.s32 @p2 $0x1082  }
0x22: {  	[simem:s7], [sflag:s8] =	dma.local @!p0 [hbm:s6], $0xF7A  }
0x23: {  	s9 =	sor.u32 $0xD0000000, s2;
	s6 =	simm.s32 $0x108;
	_ =	swait.ge @!p0 [sflag:s8], $0x0  }
0x24: {  	s3 =	sadd.s32 $0x88, s3;
	s6 =	simm.s32 @!p1 $0x1082;
	[sflag:s4] =	ssyncset.s32 $0xFFFFF086  }
0x25: {  	[simem:s6], [sflag:s4] =	dma.local [hbm:s3], $0xF7A  }
0x26: {  	[smem:$0x3F99] =	sst s1;
	(tag) =	ssettag s2;
	_ =	strace s9  }
0x27: {  	s1 =	sld [smem:$0x3FA9]  }
0x28: {  	s2 =	sld [smem:$0x3FAA]  }
0x29: {  	s4 =	sld [smem:$0x3FAC]  }
0x2a: {  	p0 =	seq.s32 s5, $0x0;
	s5 =	sld [smem:$0x3FAD]  }
0x2b: {  	s6 =	sld [smem:$0x3FAE]  }
0x2c: {  	s7 =	sld [smem:$0x3FAF]  }
0x2d: {  	s3 =	simm.s32 $0x108;
	s8 =	sld [smem:$0x3FB0]  }
0x2e: {  	s3 =	simm.s32 @!p0 $0x1082;
	s9 =	sld [smem:$0x3FB1]  }
0x2f: {  	lr =	sadd.s32 s0, s3;
	s0 =	sld [smem:$0x3FA8]  }
0x30: {  	s3 =	sld [smem:$0x3FAB]  }
0x31: {  	[smem:$0x3FB4] =	sst s10  }
0x32: {  	s10 =	sld [smem:$0x3FB2];
	_ =	sdelay $0x3  }
0x33: {  	p0 =	seq.s32 s10, $0x1;
	s10 =	sld [smem:$0x3FB4];
	_ =	sdelay $0x3  }
0x34: {  	[smem:$0x3FB4] =	sst s10  }
0x35: {  	s10 =	sld [smem:$0x3FB3];
	_ =	sdelay $0x3  }
0x36: {  	p1 =	seq.s32 s10, $0x1;
	s10 =	sld [smem:$0x3FB4];
	_ =	sdelay $0x3  }
0x37: {  	[smem:$0x3FB4] =	sst s10  }
0x38: {  	s10 =	sld [smem:$0x3FB5]  }
0x39: {  	_ = 	snop;
	(pc) =	sbr.ind lr, $3  }
0x3a: {  	_ = 	snop  }
0x3b: {  	_ = 	snop  }
0x3c: {  	p2 =	seq.s32 s10, $0x1;
	s10 =	sld [smem:$0x3FB4]  }
0x3d: {  	_ =	shalt  }
0x3e: {  	_ =	shalt  }
0x3f: {  	_ =	shalt  }
0x40: {  	_ =	shalt  }
0x41: {  	_ =	shalt  }
0x42: {  	_ =	shalt  }
0x43: {  	_ =	shalt  }
0x44: {  	_ =	shalt  }
0x45: {  	_ =	shalt  }
0x46: {  	_ =	shalt  }
0x47: {  	_ =	shalt  }
0x48: {  	_ =	shalt  }
0x49: {  	_ =	shalt  }
0x4a: {  	_ =	shalt  }
0x4b: {  	_ =	shalt  }
0x4c: {  	_ =	shalt  }
0x4d: {  	_ =	shalt  }
0x4e: {  	_ =	shalt  }
0x4f: {  	_ =	shalt  }
0x50: {  	_ =	shalt  }
0x51: {  	_ =	shalt  }
0x52: {  	_ =	shalt  }
0x53: {  	_ =	shalt  }
0x54: {  	_ =	shalt  }
0x55: {  	_ =	shalt  }
0x56: {  	_ =	shalt  }
0x57: {  	_ =	shalt  }
0x58: {  	_ =	shalt  }
0x59: {  	_ =	shalt  }
0x5a: {  	_ =	shalt  }
0x5b: {  	_ =	shalt  }
0x5c: {  	_ =	shalt  }
0x5d: {  	_ =	shalt  }
0x5e: {  	_ =	shalt  }
0x5f: {  	_ =	shalt  }
0x60: {  	_ =	shalt  }
0x61: {  	_ =	shalt  }
0x62: {  	_ =	shalt  }
0x63: {  	_ =	shalt  }
0x64: {  	_ =	shalt  }
0x65: {  	_ =	shalt  }
0x66: {  	_ =	shalt  }
0x67: {  	_ =	shalt  }
0x68: {  	_ =	shalt  }
0x69: {  	_ =	shalt  }
0x6a: {  	_ =	shalt  }
0x6b: {  	_ =	shalt  }
0x6c: {  	_ =	shalt  }
0x6d: {  	_ =	shalt  }
0x6e: {  	_ =	shalt  }
0x6f: {  	_ =	shalt  }
0x70: {  	_ =	shalt  }
0x71: {  	_ =	shalt  }
0x72: {  	_ =	shalt  }
0x73: {  	_ =	shalt  }
0x74: {  	_ =	shalt  }
0x75: {  	_ =	shalt  }
0x76: {  	_ =	shalt  }
0x77: {  	_ =	shalt  }
0x78: {  	_ =	shalt  }
0x79: {  	_ =	shalt  }
0x7a: {  	_ =	shalt  }
0x7b: {  	_ =	shalt  }
0x7c: {  	_ =	shalt  }
0x7d: {  	_ =	shalt  }
0x7e: {  	_ =	shalt  }
0x7f: {  	_ =	shalt  }
0x80: {  	_ =	shalt  }
0x81: {  	_ =	shalt  }
0x82: {  	_ =	shalt  }
0x83: {  	_ =	shalt  }
0x84: {  	_ =	shalt  }
0x85: {  	_ =	shalt  }
0x86: {  	_ =	shalt  }
0x87: {  	_ =	shalt  }
.Lfunc_end0:
.L_simem_size_0:
called_computation.1_lowered:
.L_overlay_start_0:
0x88: {  	s2 =	sld [smem:$0x3FD9]  }
0x89: {  	s3 =	sld [smem:$0x3FFE];
	_ =	sdelay $0x1  }
0x8a: {  	s1 =	srdreg.scid  }
0x8b: {  	s0 =	sand.u32 $0x1, s1  }
0x8c: {  	s17 =	sshll.u32 s0, $0xA;
	s2 =	sadd.s32 s3, s2  }
0x8d: {  	s2 =	sadd.s32 s2, s17  }
0x8e: {  	[smem:$0x3FC0] =	sst s2  }
0x8f: {  	_ = 	snop  }
0x90: {  	s2 =	sld [smem:$0x3FC8];
	(tm) =	ssettm $0x1  }
0x91: {  	s18 =	sld [smem:$0x3FFB];
	_ =	sdelay $0x3  }
0x92: {  	_ =	strace s18  }
0x93: {  	s3 =	sld [smem:$0x3FFC];
	_ =	sdelay $0x3  }
0x94: {  	_ =	strace s3  }
0x95: {  	s3 =	sld [smem:$0x3FFD];
	_ =	sdelay $0x3  }
0x96: {  	_ =	strace s3  }
0x97: {  	_ =	strace $0x8FFFFFFF  }
0x98: {  	s19 =	sld [smem:$0x3FDB];
	_ =	sdelay $0x1  }
0x99: {  	s4 =	simm.s32 $_scs_section_size  }
0x9a: {  	s5 =	simm.s32 $_size__tile_overlayer_lowered;
	s6 =	simm.s32 $_tile_overlayer_lowered  }
0x9b: {  	s22 =	simm.s32 $0x1BFF;
	s21 =	sshll.u32 s6, $0x1;
	s3 =	sadd.s32 s4, s19  }
0x9c: {  	s7 =	simm.s32 $0x0;
	s20 =	sshll.u32 s5, $0x1;
	s5 =	sadd.s32 s21, s3  }
0x9d: {  	[timem:s7], [sflag:s22] =	dma.local [hbm:s5], s20  }
0x9e: {  	_ =	swait.ge [sflag:s22], s20  }
0x9f: {  	s4 =	ssub.s32 $0x0, s20;
	[sflag:s22] =	ssyncset.done $0x0  }
0xa0: {  	[sflag:s22] =	ssyncadd.s32 s4;
	_ =	sdelay $0x1  }
0xa1: {  	s23 =	simm.s32 $0x1B8B  }
0xa2: {  	_ =	swait.ge [sflag:s23], $0x1  }
0xa3: {  	[sflag:s23] =	ssyncset.done $0x0  }
0xa4: {  	s25 =	simm.s32 $0x1B8E;
	s24 =	sld [smem:$0x3FFE];
	[sflag:s23] =	ssyncadd.s32 $0xFFFFFFFF  }
0xa5: {  	s26 =	simm.s32 $execute0_lowered;
	[smem:$0x3FD2] =	sst s25  }
0xa6: {  	s5 =	sshll.u32 s26, $0x1;
	_ =	strace $0x80000049;
	[dreg:$0x1] =	wrdreg $0xFFFFFFFF  }
0xa7: {  	s28 =	simm.s32 $_size_execute0_lowered;
	s3 =	sadd.s32 s3, s5;
	[dreg:$0x0] =	wrdreg $0x0  }
0xa8: {  	s5 =	sshll.u32 s28, $0x1;
	[dreg:$0x2] =	wrdreg s3  }
0xa9: {  	[dreg:$0x3] =	wrdreg s5  }
0xaa: {  	[dreg:$0x4] =	wrdreg $0xC0  }
0xab: {  	_ =	task [dreg:s7], $0x5FFFF  }
0xac: {  	[dreg:$0x1] =	wrdreg $0xFFFFFFFF  }
0xad: {  	[dreg:$0x0] =	wrdreg $0x60  }
0xae: {  	[dreg:$0x2] =	wrdreg s24  }
0xaf: {  	[dreg:$0x3] =	wrdreg s2  }
0xb0: {  	[dreg:$0x4] =	wrdreg $0x84000  }
0xb1: {  	[dreg:$0x5] =	wrdreg $0x9  }
0xb2: {  	_ =	task.clear_ibuf [dreg:s7], $0x6FFFF;
	_ =	strace $0x90000049  }
0xb3: {  	s29 =	simm.s32 $0x9;
	_ =	strace $0x8000004B  }
0xb4: {  	_ =	swait.ge [sflag:s29], $0x1  }
0xb5: {  	[sflag:s29] =	ssyncadd.s32 $0xFFFFFFFF  }
0xb6: {  	_ =	strace $0x9000004B  }
0xb7: {  	_ =	sfence  }
0xb8: {  	s30 =	sld [smem:$0x0];
	_ =	sdelay $0x2  }
0xb9: {  	s31 =	sshll.u32 s1, $0xD;
	s1 =	sshrl.u32 s1, $0x2  }
0xba: {  	s3 =	sand.u32 $0x4000, s31;
	s1 =	sadd.s32 s1, s30  }
0xbb: {  	s0 =	sor.u32 s3, s0;
	s1 =	sshll.u32 s1, $0x11  }
0xbc: {  	s0 =	sor.u32 s1, s0  }
0xbd: {  	s0 =	sadd.s32 $0x8F2B, s0  }
0xbe: {  	[sflag:s0] =	ssyncadd.remote.s32 $0x1  }
0xbf: {  	_ =	sfence.sel $0xFFFF  }
0xc0: {  	[dreg:$0x0] =	wrdreg $0xFFFFFFFF;
	(pc) =	sbr.abs _section_cstart, $3  }
0xc1: {  	[dreg:$0x1] =	wrdreg $0xFFFFFFFF  }
0xc2: {  	_ =	task.clear_ibuf [dreg:s7], $0x2FFFF;
	_ =	strace $0x9FFFFFFF  }
0xc3: {  	(tm) =	ssettm $0x7FFFFFFF  }
tec
execute0_lowered:
.L_overlay_start_1:
0x0: {  	(tag) =	ssettag $0x1  }
0x1: {  	s7 =	rddreg [dreg:$0x0]  }
0x2: {  	s15 =	rddreg [dreg:$0x1]  }
0x3: {  	s1 =	rddreg [dreg:$0x2];
	s2 =	srdreg.scid;
	s3 =	simm.s32 $0x0  }
0x4: {  	s0 =	stileid.u32;
	s19 =	simm.s32 $0x1;
	s20 =	simm.s32 $0x80  }
0x5: {  	s22 =	simm.s32 $0x7;
	s23 =	simm.s32 $0x8;
	s24 =	simm.s32 $0x0  }
0x6: {  	s8 =	sand.u32 $0x1, s2;
	[smem:$0x7FF] =	sst s3;
	s6 =	smul.u32 $0x14000, s0  }
0x7: {  	s4 =	sadd.s32 $0x2600, s7;
	p0 =	slt.u32 s0, $0x2;
	s12 =	smul.u32 $0x50000, s0  }
0x8: {  	s30 =	sshll.u32 s0, $0x9;
	s5 =	smul.u32 $0x140000, s8;
	_ =	strace $0x8000004A  }
0x9: {  	s9 =	ssub.s32 $0x2, s8;
	s29 =	sshll.u32 s8, $0x5;
	s31 =	sshll.u32 s8, $0x8  }
0xa: {  	s11 =	sshrl.u32 s9, $0x1;
	s28 =	sshrl.u32 s12, $0x2;
	s6 =	sadd.s32 s6, s5  }
0xb: {  	s5 =	sadd.s32 $0x29800, s7;
	s14 =	ssub.s32 s9, s11;
	s16 =	sadd.s32 s28, s1  }
0xc: {  	s11 =	sor.u32 s31, s30;
	s10 =	sshrl.u32 s6, $0x3;
	s6 =	simm.s32 $0x4F  }
0xd: {  	s17 =	sor.u32 $0x6000, s11;
	s16 =	sshrl.u32 s16, $0x3;
	s13 =	sadd.s32 s10, s7  }
0xe: {  	s6 =	simm.s32 @!p0 $0x4E;
	s7 =	sshll.u32 s0, $0x6;
	s17 =	sshrl.u32 s17, $0x3  }
0xf: {  	s10 =	sor.u32 s29, s7;
	s9 =	sor.u32 $0x1C07, s7;
	s12 =	sadd.s32 $0x2C000, s13  }
0x10: {  	s13 =	smax.u32 s14, $0x1;
	s14 =	sadd.s32 $0xFFFFFFFF, s6;
	s8 =	sadd.s32 s15, s10  }
0x11: {  	s15 =	sadd.s32 s17, s15;
	s10 =	sadd.s32 $0x400, s8;
	s11 =	sadd.s32 $0x800, s8  }
.LBB2_1:
0x12: {  	[spmem:s16], [sflag:s9] =	dma.local [hbm:s5], $0x2800  }
0x13: {  	[tilespmem:s3], [sflag:$0x1] =	stream.linear.gather [hbm4b:s8+s3], $0x100, $0x38;
	[tilespmem:$0x1C400] =	vst v63  }
0x14: {  	s0 =	simm.s32 $0x100  }
0x15: {  	[tilespmem:s0], [sflag:$0x2] =	stream.linear.gather [hbm4b:s10+s3], $0x100, $0x38;
	[tilespmem:$0x1C400] =	vst v63  }
0x16: {  	s30 =	simm.s32 $0x200  }
0x17: {  	[tilespmem:s30], [sflag:$0x3] =	stream.linear.gather [hbm4b:s11+s3], $0x100, $0x38;
	[tilespmem:$0x1C400] =	vst v63  }
0x18: {  	_ =	swait.ge [sflag:s19], $0x100  }
0x19: {  	[sflag:s19] =	ssyncset.done $0x0  }
0x1a: {  	s31 =	simm.s32 $0x400;
	p1 =	sne.s32 s14, $0x1;
	[sflag:s19] =	ssyncadd.s32 $0xFFFFFF00  }
0x1b: {  	[tilespmem:s31], [sflag:$0x5] =	stream.indirect.gather [hbm4b:s4+s20], $0x80, s3, s20, $0xb8;
	[tilespmem:$0x1C400] =	vst v63  }
.Ltmp0:
0x1c: {  	_ =	swait.ge [sflag:s22], $0x2800;
	(pc) =	sbr.rel @!p1 .LBB2_2-.Ltmp0, $4  }
0x1d: {  	[sflag:s22] =	ssyncset.done $0x0  }
0x1e: {  	[sflag:s22] =	ssyncadd.s32 $0xFFFFD800  }
0x1f: {  	s28 =	simm.s32 $0x1;
	[bflag:$0x0] =	sbarrier.arrive $0xFFFF  }
0x20: {  	p0 =	por $0x0, $0x0;
	s29 =	sand.u32 $0x3, s28  }
0x21: {  	s25 =	simm.s32 $0x3  }
0x22: {  	s26 =	sand.u32 $0x1, s3;
	p0 =	sle.u32 s6, $0x3;
	s31 =	sadd.s32 $0x1, s29  }
0x23: {  	s18 =	sshll.u32 s29, $0x8;
	s25 =	sand.u32 @!p0 $0x3, s25;
	s30 =	sadd.s32 @!p0 $0x0, s15  }
0x24: {  	s2 =	simm.s32 @!p0 $0x0;
	s0 =	sshll.u32 @!p0 s25, $0x8;
	s25 =	sadd.s32 @!p0 $0x1, s25  }
0x25: {  	[tilespmem:s0], [sflag:s25] =	stream.linear.gather @!p0 [hbm4b:s30+s2], $0x100, $0x38;
	[tilespmem:$0x1C400] =	vst v63  }
0x26: {  	p1 =	sne.s32 s14, $0x2;
	s17 =	sxor.u32 $0x1, s26;
	_ =	swait.ge [sflag:s31], $0x100  }
0x27: {  	s29 =	sadd.s32 $0x5, s26;
	s21 =	sshll.u32 s17, $0xE;
	[sflag:s31] =	ssyncset.done $0x0  }
0x28: {  	s25 =	sor.u32 $0x400, s21;
	s0 =	sadd.s32 $0x5, s17;
	[sflag:s31] =	ssyncadd.s32 $0xFFFFFF00  }
0x29: {  	[tilespmem:s25], [sflag:s0] =	stream.indirect.gather [hbm4b:s4+s20], $0x80, s18, s20, $0xb8;
	[tilespmem:$0x1C400] =	vst v63  }
0x2a: {  	s30 =	sand.u32 $0xC00, s3;
	s31 =	sshll.u32 s26, $0xE;
	_ =	swait.ge [sflag:s29], $0x4000  }
.Ltmp1:
0x2b: {  	s0 =	sshrl.u32 s30, $0x2;
	[sflag:s29] =	ssyncset.done $0x0;
	(pc) =	sbr.rel @!p1 .LBB2_5-.Ltmp1, $4  }
0x2c: {  	s2 =	sor.u32 $0x400, s31;
	s0 =	sor.u32 $0x80, s0;
	[sflag:s29] =	ssyncadd.s32 $0xFFFFC000  }
0x2d: {  	[spmem:s1] =	stream.indirect.scatter.add.f32 [tilespmem:s2], [sflag:$0x8], $0x80, s0, s20, $0xb8;
	[tilespmem:$0x1C400] =	vst v63  }
0x2e: {  	p0 =	por $0x1, $0x1;
	s25 =	simm.s32 $0x2;
	_ =	swait.ge [sflag:s23], $0x4000  }
0x2f: {  	s26 =	simm.s32 $0x400;
	s29 =	sand.u32 $0x3, s25;
	[sflag:s23] =	ssyncset.done $0x0  }
.LBB2_4:
0x30: {  	s0 =	sadd.s32 $0x3, s28  }
0x31: {  	[sflag:s23] =	ssyncadd.s32 $0xFFFFC000;
	s2 =	smov.u32 s25;
	s25 =	sadd.s32 $0x1, s25  }
0x32: {  	s28 =	sand.u32 $0x1, s28;
	s30 =	sand.u32 $0x3, s25;
	p1 =	sge.u32 s0, s6  }
0x33: {  	s17 =	sadd.s32 $0x1, s29;
	s0 =	sand.u32 @!p1 $0x3, s0;
	s31 =	sadd.s32 @!p1 s26, s15  }
0x34: {  	s21 =	simm.s32 @!p1 $0x0;
	s18 =	sshll.u32 @!p1 s0, $0x8;
	s0 =	sadd.s32 @!p1 $0x1, s0  }
0x35: {  	[tilespmem:s18], [sflag:s0] =	stream.linear.gather @!p1 [hbm4b:s31+s21], $0x100, $0x38;
	[tilespmem:$0x1C400] =	vst v63  }
0x36: {  	s0 =	sxor.u32 $0x1, s28  }
0x37: {  	s18 =	sshll.u32 s29, $0x8;
	s29 =	sadd.s32 $0x5, s28;
	_ =	swait.ge [sflag:s17], $0x100  }
0x38: {  	p1 =	sne.s32 s14, s25;
	s21 =	sshll.u32 s0, $0xE;
	[sflag:s17] =	ssyncset.done $0x0  }
0x39: {  	s0 =	sadd.s32 $0x5, s0;
	[sflag:s17] =	ssyncadd.s32 $0xFFFFFF00;
	s17 =	sor.u32 $0x400, s21  }
0x3a: {  	[tilespmem:s17], [sflag:s0] =	stream.indirect.gather [hbm4b:s4+s20], $0x80, s18, s20, $0xb8;
	[tilespmem:$0x1C400] =	vst v63  }
0x3b: {  	s0 =	sshll.u32 s28, $0xE;
	s17 =	sand.u32 $0xC00, s26;
	_ =	swait.ge [sflag:s29], $0x4000  }
.Ltmp2:
0x3c: {  	s17 =	sshrl.u32 s17, $0x2;
	[sflag:s29] =	ssyncset.done $0x0;
	(pc) =	sbr.rel @p1 .LBB2_4-.Ltmp2, $4  }
0x3d: {  	s0 =	sor.u32 $0x400, s0;
	s17 =	sor.u32 $0x80, s17;
	[sflag:s29] =	ssyncadd.s32 $0xFFFFC000  }
0x3e: {  	[spmem:s1] =	stream.indirect.scatter.add.f32 [tilespmem:s0], [sflag:$0x8], $0x80, s17, s20, $0xb8;
	[tilespmem:$0x1C400] =	vst v63  }
0x3f: {  	s28 =	smov.u32 s2;
	_ =	swait.ge [sflag:s23], $0x4000  }
0x40: {  	s26 =	sadd.s32 $0x400, s26;
	s29 =	smov.u32 s30;
	[sflag:s23] =	ssyncset.done $0x0  }
.LBB2_5:
0x41: {  	s0 =	sadd.s32 $0x3, s28  }
0x42: {  	[sflag:s23] =	ssyncadd.s32 @p0 $0xFFFFC000;
	s2 =	sand.u32 $0x1, s28;
	p0 =	sge.u32 s0, s6  }
0x43: {  	s18 =	sadd.s32 $0x1, s29;
	s0 =	sand.u32 @!p0 $0x3, s0;
	s17 =	sadd.s32 @!p0 s26, s15  }
0x44: {  	s28 =	simm.s32 @!p0 $0x0;
	s21 =	sshll.u32 @!p0 s0, $0x8;
	s0 =	sadd.s32 @!p0 $0x1, s0  }
0x45: {  	[tilespmem:s21], [sflag:s0] =	stream.linear.gather @!p0 [hbm4b:s17+s28], $0x100, $0x38;
	[tilespmem:$0x1C400] =	vst v63  }
0x46: {  	s30 =	sadd.s32 $0x5, s2;
	s0 =	sxor.u32 $0x1, s2;
	_ =	swait.ge [sflag:s18], $0x100  }
0x47: {  	s17 =	sshll.u32 s29, $0x8;
	s29 =	sshll.u32 s0, $0xE;
	[sflag:s18] =	ssyncset.done $0x0  }
0x48: {  	s0 =	sadd.s32 $0x5, s0;
	s31 =	sor.u32 $0x400, s29;
	[sflag:s18] =	ssyncadd.s32 $0xFFFFFF00  }
0x49: {  	[tilespmem:s31], [sflag:s0] =	stream.indirect.gather [hbm4b:s4+s20], $0x80, s17, s20, $0xb8;
	[tilespmem:$0x1C400] =	vst v63  }
0x4a: {  	s21 =	sand.u32 $0xC00, s26;
	_ =	swait.ge [sflag:s30], $0x4000  }
0x4b: {  	s2 =	sshll.u32 s2, $0xE;
	s0 =	sshrl.u32 s21, $0x2;
	[sflag:s30] =	ssyncset.done $0x0  }
0x4c: {  	s2 =	sor.u32 $0x400, s2;
	s0 =	sor.u32 $0x80, s0;
	[sflag:s30] =	ssyncadd.s32 $0xFFFFC000  }
0x4d: {  	[spmem:s1] =	stream.indirect.scatter.add.f32 [tilespmem:s2], [sflag:$0x8], $0x80, s0, s20, $0xb8;
	[tilespmem:$0x1C400] =	vst v63  }
0x4e: {  	_ =	swait.ge [sflag:s23], $0x4000  }
0x4f: {  	s28 =	sand.u32 $0x1, s25;
	[sflag:s23] =	ssyncset.done $0x0  }
0x50: {  	s29 =	sadd.s32 $0x400, s26;
	s30 =	sadd.s32 $0x5, s28;
	[sflag:s23] =	ssyncadd.s32 $0xFFFFC000  }
0x51: {  	s2 =	sand.u32 $0xC00, s29;
	_ =	swait.ge [sflag:s30], $0x4000  }
0x52: {  	s0 =	sshll.u32 s28, $0xE;
	s2 =	sshrl.u32 s2, $0x2;
	[sflag:s30] =	ssyncset.done $0x0  }
0x53: {  	s0 =	sor.u32 $0x400, s0;
	s2 =	sor.u32 $0x80, s2;
	[sflag:s30] =	ssyncadd.s32 $0xFFFFC000  }
0x54: {  	[spmem:s1] =	stream.indirect.scatter.add.f32 [tilespmem:s0], [sflag:$0x8], $0x80, s2, s20, $0xb8;
	[tilespmem:$0x1C400] =	vst v63  }
0x55: {  	_ =	swait.ge [sflag:s23], $0x4000  }
0x56: {  	[sflag:s23] =	ssyncset.done $0x0  }
0x57: {  	s24 =	sadd.s32 $0x1, s24;
	[sflag:s23] =	ssyncadd.s32 $0xFFFFC000  }
0x58: {  	p0 =	sne.s32 s24, s13;
	s31 =	sor.u32 $0x1C08, s7;
	[bflag:$0x0] =	sbarrier.arrive $0xFFFF  }
0x59: {  	[hbm:s12], [sflag:s31] =	dma.local [spmem:s16], $0x2800  }
.Ltmp3:
0x5a: {  	_ = 	snop;
	(pc) =	sbr.rel @p0 .LBB2_1-.Ltmp3, $4  }
.Ltmp4:
0x5b: {  	_ = 	snop;
	(pc) =	sbr.rel @!p0 .LBB2_6-.Ltmp4, $4  }
0x5c: {  	_ =	swait.ge [sflag:s23], $0x2800  }
0x5d: {  	[sflag:s23] =	ssyncset.done $0x0  }
0x5e: {  	[sflag:s23] =	ssyncadd.s32 $0xFFFFD800  }
0x5f: {  	_ = 	snop  }
.LBB2_2:
.Ltmp5:
0x60: {  	(pc) =	sbr.rel .LBB2_5-.Ltmp5, $2  }
0x61: {  	_ =	sdelay $0x2  }
0x62: {  	s25 =	simm.s32 $0x1;
	s28 =	simm.s32 $0x0;
	s26 =	simm.s32 $0x0  }
.LBB2_6:
0x63: {  	_ =	sfence.sel $0x180000  }
0x64: {  	[bflag:$0x0] =	sbarrier.arrive $0xFFFF  }
0x65: {  	_ =	strace $0x9000004A  }
0x66: {  	s0 =	stileid.u32;
	[bflag:$0x2] =	sbarrier.arrive $0xFFFF  }
0x67: {  	p0 =	sne.s32 s0, $0x0;
	s0 =	rddreg [dreg:$0x3]  }
0x68: {  	s0 =	sadd.s32 @!p0 $0x100000, s0  }
0x69: {  	[sflag:s0] =	ssyncadd.tile.s32 @!p0 $0x1;
	_ =	shalt  }
.Lfunc_end2:
_tile_overlayer_lowered:
.L_overlay_start_2:
0x6a: {  	(tag) =	ssettag $0x2  }
0x6b: {  	s0 =	rddreg [dreg:$0x0];
	s2 =	stileid.u32  }
0x6c: {  	s1 =	rddreg [dreg:$0x1];
	p0 =	sne.s32 s2, $0x0  }
0x6d: {  	s3 =	rddreg [dreg:$0x2];
	[bflag:$0x3] =	sbarrier.arrive $0xFFFF;
	s2 =	simm.s32 @!p0 $0x1C08  }
0x6e: {  	[timem:s3], [sflag:s2] =	dma.local @!p0 [hbm:s0], s1  }
0x6f: {  	s0 =	simm.s32 @!p0 $0x8  }
0x70: {  	_ =	swait.ge @!p0 [sflag:s0], s1  }
0x71: {  	s1 =	ssub.s32 @!p0 $0x0, s1;
	[sflag:s0] =	ssyncset.done @!p0 $0x0  }
0x72: {  	[sflag:s0] =	ssyncadd.s32 @!p0 s1  }
0x73: {  	[bflag:$0x3] =	sbarrier.arrive $0xFFFF  }
0x74: {  	_ =	shalt  }

// kernel: kernel.15.cloned.1.call-start
scs
__scs_entry_jumppad:
0x0: {  	(pc) =	sbr.rel $0x88, $3  }
0x1: {  	(tag) =	ssettag $0x0;
	lr =	simm.s32 $0x1  }
0x2: {  	[smem:$0x3F99] =	sst lr;
	_ =	strace $0xD0000000  }
0x3: {  	_ = 	snop  }
0x4: {  	_ = 	snop  }
0x5: {  	_ = 	snop  }
0x6: {  	_ = 	snop  }
0x7: {  	_ = 	snop  }
__scs_overlays_trampoline_lowered:
0x8: {  	[smem:$0x3FA8] =	sst s0  }
0x9: {  	[smem:$0x3FA9] =	sst s1  }
0xa: {  	[smem:$0x3FAA] =	sst s2  }
0xb: {  	[smem:$0x3FAB] =	sst s3  }
0xc: {  	[smem:$0x3FAC] =	sst s4  }
0xd: {  	[smem:$0x3FAD] =	sst s5  }
0xe: {  	[smem:$0x3FAE] =	sst s6  }
0xf: {  	[smem:$0x3FAF] =	sst s7  }
0x10: {  	[smem:$0x3FB0] =	sst s8  }
0x11: {  	[smem:$0x3FB1] =	sst s9;
	s0 =	simm.s32 @!p0 $0x0  }
0x12: {  	s1 =	sld [smem:$0x3F97];
	s0 =	simm.s32 @p0 $0x1  }
0x13: {  	[smem:$0x3FB2] =	sst s0;
	s0 =	simm.s32 @!p1 $0x0  }
0x14: {  	s2 =	sld [smem:$0x3F96];
	s0 =	simm.s32 @p1 $0x1  }
0x15: {  	[smem:$0x3FB3] =	sst s0;
	s0 =	simm.s32 @!p2 $0x0  }
0x16: {  	s3 =	sld [smem:$0x3FDB];
	s0 =	simm.s32 @p2 $0x1  }
0x17: {  	s4 =	simm.s32 $0x1BF5;
	[smem:$0x3FB5] =	sst s0  }
0x18: {  	s0 =	sld [smem:$0x3F98];
	_ =	swait.ge [sflag:s4], $0x0  }
0x19: {  	s7 =	sld [smem:$0x3F99]  }
0x1a: {  	s8 =	sadd.s32 $0xFFFFE003, lr  }
0x1b: {  	s9 =	sadd.s32 $0xFFFFFEF7, lr;
	s5 =	simm.s32 $0xFFFFFFFF;
	p2 =	slt.u32 s8, $0xFFFFF086  }
0x1c: {  	p1 =	slt.u32 s9, $0xF7A;
	s5 =	simm.s32 @!p2 $0x0  }
0x1d: {  	s5 =	simm.s32 @p1 $0x1;
	p0 =	seq.s32 s7, s2  }
0x1e: {  	s7 =	smul.u32 @!p0 $0xF7A, s2;
	p2 =	seq.s32 @!p0 s5, $0x0  }
0x1f: {  	s9 =	smul.u32 $0xF7A, s1;
	s8 =	simm.s32 @!p0 $0x1BF5;
	p2 =	por !p2, p0  }
0x20: {  	[sflag:s8] =	ssyncset.s32 @!p0 $0xFFFFF086;
	s6 =	sadd.s32 @!p0 s3, s7;
	s7 =	simm.s32 @!p0 $0x108  }
0x21: {  	s3 =	sadd.s32 s3, s9;
	s6 =	sadd.s32 @!p0 $0x88, s6;
	s7 =	simm.s32 @p2 $0x1082  }
0x22: {  	[simem:s7], [sflag:s8] =	dma.local @!p0 [hbm:s6], $0xF7A  }
0x23: {  	s9 =	sor.u32 $0xD0000000, s2;
	s6 =	simm.s32 $0x108;
	_ =	swait.ge @!p0 [sflag:s8], $0x0  }
0x24: {  	s3 =	sadd.s32 $0x88, s3;
	s6 =	simm.s32 @!p1 $0x1082;
	[sflag:s4] =	ssyncset.s32 $0xFFFFF086  }
0x25: {  	[simem:s6], [sflag:s4] =	dma.local [hbm:s3], $0xF7A  }
0x26: {  	[smem:$0x3F99] =	sst s1;
	(tag) =	ssettag s2;
	_ =	strace s9  }
0x27: {  	s1 =	sld [smem:$0x3FA9]  }
0x28: {  	s2 =	sld [smem:$0x3FAA]  }
0x29: {  	s4 =	sld [smem:$0x3FAC]  }
0x2a: {  	p0 =	seq.s32 s5, $0x0;
	s5 =	sld [smem:$0x3FAD]  }
0x2b: {  	s6 =	sld [smem:$0x3FAE]  }
0x2c: {  	s7 =	sld [smem:$0x3FAF]  }
0x2d: {  	s3 =	simm.s32 $0x108;
	s8 =	sld [smem:$0x3FB0]  }
0x2e: {  	s3 =	simm.s32 @!p0 $0x1082;
	s9 =	sld [smem:$0x3FB1]  }
0x2f: {  	lr =	sadd.s32 s0, s3;
	s0 =	sld [smem:$0x3FA8]  }
0x30: {  	s3 =	sld [smem:$0x3FAB]  }
0x31: {  	[smem:$0x3FB4] =	sst s10  }
0x32: {  	s10 =	sld [smem:$0x3FB2];
	_ =	sdelay $0x3  }
0x33: {  	p0 =	seq.s32 s10, $0x1;
	s10 =	sld [smem:$0x3FB4];
	_ =	sdelay $0x3  }
0x34: {  	[smem:$0x3FB4] =	sst s10  }
0x35: {  	s10 =	sld [smem:$0x3FB3];
	_ =	sdelay $0x3  }
0x36: {  	p1 =	seq.s32 s10, $0x1;
	s10 =	sld [smem:$0x3FB4];
	_ =	sdelay $0x3  }
0x37: {  	[smem:$0x3FB4] =	sst s10  }
0x38: {  	s10 =	sld [smem:$0x3FB5]  }
0x39: {  	_ = 	snop;
	(pc) =	sbr.ind lr, $3  }
0x3a: {  	_ = 	snop  }
0x3b: {  	_ = 	snop  }
0x3c: {  	p2 =	seq.s32 s10, $0x1;
	s10 =	sld [smem:$0x3FB4]  }
0x3d: {  	_ =	shalt  }
0x3e: {  	_ =	shalt  }
0x3f: {  	_ =	shalt  }
0x40: {  	_ =	shalt  }
0x41: {  	_ =	shalt  }
0x42: {  	_ =	shalt  }
0x43: {  	_ =	shalt  }
0x44: {  	_ =	shalt  }
0x45: {  	_ =	shalt  }
0x46: {  	_ =	shalt  }
0x47: {  	_ =	shalt  }
0x48: {  	_ =	shalt  }
0x49: {  	_ =	shalt  }
0x4a: {  	_ =	shalt  }
0x4b: {  	_ =	shalt  }
0x4c: {  	_ =	shalt  }
0x4d: {  	_ =	shalt  }
0x4e: {  	_ =	shalt  }
0x4f: {  	_ =	shalt  }
0x50: {  	_ =	shalt  }
0x51: {  	_ =	shalt  }
0x52: {  	_ =	shalt  }
0x53: {  	_ =	shalt  }
0x54: {  	_ =	shalt  }
0x55: {  	_ =	shalt  }
0x56: {  	_ =	shalt  }
0x57: {  	_ =	shalt  }
0x58: {  	_ =	shalt  }
0x59: {  	_ =	shalt  }
0x5a: {  	_ =	shalt  }
0x5b: {  	_ =	shalt  }
0x5c: {  	_ =	shalt  }
0x5d: {  	_ =	shalt  }
0x5e: {  	_ =	shalt  }
0x5f: {  	_ =	shalt  }
0x60: {  	_ =	shalt  }
0x61: {  	_ =	shalt  }
0x62: {  	_ =	shalt  }
0x63: {  	_ =	shalt  }
0x64: {  	_ =	shalt  }
0x65: {  	_ =	shalt  }
0x66: {  	_ =	shalt  }
0x67: {  	_ =	shalt  }
0x68: {  	_ =	shalt  }
0x69: {  	_ =	shalt  }
0x6a: {  	_ =	shalt  }
0x6b: {  	_ =	shalt  }
0x6c: {  	_ =	shalt  }
0x6d: {  	_ =	shalt  }
0x6e: {  	_ =	shalt  }
0x6f: {  	_ =	shalt  }
0x70: {  	_ =	shalt  }
0x71: {  	_ =	shalt  }
0x72: {  	_ =	shalt  }
0x73: {  	_ =	shalt  }
0x74: {  	_ =	shalt  }
0x75: {  	_ =	shalt  }
0x76: {  	_ =	shalt  }
0x77: {  	_ =	shalt  }
0x78: {  	_ =	shalt  }
0x79: {  	_ =	shalt  }
0x7a: {  	_ =	shalt  }
0x7b: {  	_ =	shalt  }
0x7c: {  	_ =	shalt  }
0x7d: {  	_ =	shalt  }
0x7e: {  	_ =	shalt  }
0x7f: {  	_ =	shalt  }
0x80: {  	_ =	shalt  }
0x81: {  	_ =	shalt  }
0x82: {  	_ =	shalt  }
0x83: {  	_ =	shalt  }
0x84: {  	_ =	shalt  }
0x85: {  	_ =	shalt  }
0x86: {  	_ =	shalt  }
0x87: {  	_ =	shalt  }
.Lfunc_end0:
.L_simem_size_0:
called_computation.2_lowered:
.L_overlay_start_0:
0x88: {  	s2 =	sld [smem:$0x3FD9]  }
0x89: {  	s3 =	sld [smem:$0x3FFE];
	_ =	sdelay $0x1  }
0x8a: {  	s1 =	srdreg.scid  }
0x8b: {  	s0 =	sand.u32 $0x1, s1  }
0x8c: {  	s17 =	sshll.u32 s0, $0xA;
	s2 =	sadd.s32 s3, s2  }
0x8d: {  	s2 =	sadd.s32 s2, s17  }
0x8e: {  	[smem:$0x3FC0] =	sst s2  }
0x8f: {  	_ = 	snop  }
0x90: {  	s2 =	sld [smem:$0x3FC8];
	(tm) =	ssettm $0x1  }
0x91: {  	s18 =	sld [smem:$0x3FFB];
	_ =	sdelay $0x3  }
0x92: {  	_ =	strace s18  }
0x93: {  	s3 =	sld [smem:$0x3FFC];
	_ =	sdelay $0x3  }
0x94: {  	_ =	strace s3  }
0x95: {  	s3 =	sld [smem:$0x3FFD];
	_ =	sdelay $0x3  }
0x96: {  	_ =	strace s3  }
0x97: {  	_ =	strace $0x8FFFFFFF  }
0x98: {  	s19 =	sld [smem:$0x3FDB];
	_ =	sdelay $0x1  }
0x99: {  	s4 =	simm.s32 $_scs_section_size  }
0x9a: {  	s5 =	simm.s32 $_size__tile_overlayer_lowered;
	s6 =	simm.s32 $_tile_overlayer_lowered  }
0x9b: {  	s22 =	simm.s32 $0x1BFF;
	s21 =	sshll.u32 s6, $0x1;
	s3 =	sadd.s32 s4, s19  }
0x9c: {  	s7 =	simm.s32 $0x0;
	s20 =	sshll.u32 s5, $0x1;
	s5 =	sadd.s32 s21, s3  }
0x9d: {  	[timem:s7], [sflag:s22] =	dma.local [hbm:s5], s20  }
0x9e: {  	_ =	swait.ge [sflag:s22], s20  }
0x9f: {  	s4 =	ssub.s32 $0x0, s20;
	[sflag:s22] =	ssyncset.done $0x0  }
0xa0: {  	[sflag:s22] =	ssyncadd.s32 s4;
	_ =	sdelay $0x1  }
0xa1: {  	s23 =	simm.s32 $0x1B8B  }
0xa2: {  	_ =	swait.ge [sflag:s23], $0x1  }
0xa3: {  	[sflag:s23] =	ssyncset.done $0x0  }
0xa4: {  	s25 =	simm.s32 $0x1B8E;
	s24 =	sld [smem:$0x3FFE];
	[sflag:s23] =	ssyncadd.s32 $0xFFFFFFFF  }
0xa5: {  	s26 =	simm.s32 $execute0_lowered;
	[smem:$0x3FD2] =	sst s25  }
0xa6: {  	s5 =	sshll.u32 s26, $0x1;
	_ =	strace $0x8000004C;
	[dreg:$0x1] =	wrdreg $0xFFFFFFFF  }
0xa7: {  	s28 =	simm.s32 $_size_execute0_lowered;
	s3 =	sadd.s32 s3, s5;
	[dreg:$0x0] =	wrdreg $0x0  }
0xa8: {  	s5 =	sshll.u32 s28, $0x1;
	[dreg:$0x2] =	wrdreg s3  }
0xa9: {  	[dreg:$0x3] =	wrdreg s5  }
0xaa: {  	[dreg:$0x4] =	wrdreg $0xC0  }
0xab: {  	_ =	task [dreg:s7], $0x5FFFF  }
0xac: {  	[dreg:$0x1] =	wrdreg $0xFFFFFFFF  }
0xad: {  	[dreg:$0x0] =	wrdreg $0x60  }
0xae: {  	[dreg:$0x2] =	wrdreg s24  }
0xaf: {  	[dreg:$0x3] =	wrdreg s2  }
0xb0: {  	[dreg:$0x4] =	wrdreg $0x84000  }
0xb1: {  	[dreg:$0x5] =	wrdreg $0x9  }
0xb2: {  	_ =	task.clear_ibuf [dreg:s7], $0x6FFFF;
	_ =	strace $0x9000004C  }
0xb3: {  	s29 =	simm.s32 $0x9;
	_ =	strace $0x8000004E  }
0xb4: {  	_ =	swait.ge [sflag:s29], $0x1  }
0xb5: {  	[sflag:s29] =	ssyncadd.s32 $0xFFFFFFFF  }
0xb6: {  	_ =	strace $0x9000004E  }
0xb7: {  	_ =	sfence  }
0xb8: {  	s30 =	sld [smem:$0x0];
	_ =	sdelay $0x2  }
0xb9: {  	s31 =	sshll.u32 s1, $0xD;
	s1 =	sshrl.u32 s1, $0x2  }
0xba: {  	s3 =	sand.u32 $0x4000, s31;
	s1 =	sadd.s32 s1, s30  }
0xbb: {  	s0 =	sor.u32 s3, s0;
	s1 =	sshll.u32 s1, $0x11  }
0xbc: {  	s0 =	sor.u32 s1, s0  }
0xbd: {  	s0 =	sadd.s32 $0x8F2B, s0  }
0xbe: {  	[sflag:s0] =	ssyncadd.remote.s32 $0x1  }
0xbf: {  	_ =	sfence.sel $0xFFFF  }
0xc0: {  	[dreg:$0x0] =	wrdreg $0xFFFFFFFF;
	(pc) =	sbr.abs _section_cstart, $3  }
0xc1: {  	[dreg:$0x1] =	wrdreg $0xFFFFFFFF  }
0xc2: {  	_ =	task.clear_ibuf [dreg:s7], $0x2FFFF;
	_ =	strace $0x9FFFFFFF  }
0xc3: {  	(tm) =	ssettm $0x7FFFFFFF  }
tec
execute0_lowered:
.L_overlay_start_1:
0x0: {  	(tag) =	ssettag $0x1  }
0x1: {  	s7 =	rddreg [dreg:$0x0]  }
0x2: {  	s15 =	rddreg [dreg:$0x1]  }
0x3: {  	s1 =	rddreg [dreg:$0x2];
	s2 =	srdreg.scid;
	s3 =	simm.s32 $0x0  }
0x4: {  	s0 =	stileid.u32;
	s19 =	simm.s32 $0x1;
	s20 =	simm.s32 $0x80  }
0x5: {  	s22 =	simm.s32 $0x7;
	s23 =	simm.s32 $0x8;
	s24 =	simm.s32 $0x0  }
0x6: {  	s8 =	sand.u32 $0x1, s2;
	[smem:$0x7FF] =	sst s3;
	s6 =	smul.u32 $0x14000, s0  }
0x7: {  	s4 =	sadd.s32 $0x2600, s7;
	p0 =	slt.u32 s0, $0x2;
	s12 =	smul.u32 $0x50000, s0  }
0x8: {  	s30 =	sshll.u32 s0, $0x9;
	s5 =	smul.u32 $0x140000, s8;
	_ =	strace $0x8000004D  }
0x9: {  	s9 =	ssub.s32 $0x2, s8;
	s29 =	sshll.u32 s8, $0x5;
	s31 =	sshll.u32 s8, $0x8  }
0xa: {  	s11 =	sshrl.u32 s9, $0x1;
	s28 =	sshrl.u32 s12, $0x2;
	s6 =	sadd.s32 s6, s5  }
0xb: {  	s5 =	sadd.s32 $0x29800, s7;
	s14 =	ssub.s32 s9, s11;
	s16 =	sadd.s32 s28, s1  }
0xc: {  	s11 =	sor.u32 s31, s30;
	s10 =	sshrl.u32 s6, $0x3;
	s6 =	simm.s32 $0x4F  }
0xd: {  	s17 =	sor.u32 $0x6000, s11;
	s16 =	sshrl.u32 s16, $0x3;
	s13 =	sadd.s32 s10, s7  }
0xe: {  	s6 =	simm.s32 @!p0 $0x4E;
	s7 =	sshll.u32 s0, $0x6;
	s17 =	sshrl.u32 s17, $0x3  }
0xf: {  	s10 =	sor.u32 s29, s7;
	s9 =	sor.u32 $0x1C07, s7;
	s12 =	sadd.s32 $0x2C000, s13  }
0x10: {  	s13 =	smax.u32 s14, $0x1;
	s14 =	sadd.s32 $0xFFFFFFFF, s6;
	s8 =	sadd.s32 s15, s10  }
0x11: {  	s15 =	sadd.s32 s17, s15;
	s10 =	sadd.s32 $0x400, s8;
	s11 =	sadd.s32 $0x800, s8  }
.LBB2_1:
0x12: {  	[spmem:s16], [sflag:s9] =	dma.local [hbm:s5], $0x2800  }
0x13: {  	[tilespmem:s3], [sflag:$0x1] =	stream.linear.gather [hbm4b:s8+s3], $0x100, $0x38;
	[tilespmem:$0x1C400] =	vst v63  }
0x14: {  	s0 =	simm.s32 $0x100  }
0x15: {  	[tilespmem:s0], [sflag:$0x2] =	stream.linear.gather [hbm4b:s10+s3], $0x100, $0x38;
	[tilespmem:$0x1C400] =	vst v63  }
0x16: {  	s30 =	simm.s32 $0x200  }
0x17: {  	[tilespmem:s30], [sflag:$0x3] =	stream.linear.gather [hbm4b:s11+s3], $0x100, $0x38;
	[tilespmem:$0x1C400] =	vst v63  }
0x18: {  	_ =	swait.ge [sflag:s19], $0x100  }
0x19: {  	[sflag:s19] =	ssyncset.done $0x0  }
0x1a: {  	s31 =	simm.s32 $0x400;
	p1 =	sne.s32 s14, $0x1;
	[sflag:s19] =	ssyncadd.s32 $0xFFFFFF00  }
0x1b: {  	[tilespmem:s31], [sflag:$0x5] =	stream.indirect.gather [hbm4b:s4+s20], $0x80, s3, s20, $0xb8;
	[tilespmem:$0x1C400] =	vst v63  }
.Ltmp0:
0x1c: {  	_ =	swait.ge [sflag:s22], $0x2800;
	(pc) =	sbr.rel @!p1 .LBB2_2-.Ltmp0, $4  }
0x1d: {  	[sflag:s22] =	ssyncset.done $0x0  }
0x1e: {  	[sflag:s22] =	ssyncadd.s32 $0xFFFFD800  }
0x1f: {  	s28 =	simm.s32 $0x1;
	[bflag:$0x0] =	sbarrier.arrive $0xFFFF  }
0x20: {  	p0 =	por $0x0, $0x0;
	s29 =	sand.u32 $0x3, s28  }
0x21: {  	s25 =	simm.s32 $0x3  }
0x22: {  	s26 =	sand.u32 $0x1, s3;
	p0 =	sle.u32 s6, $0x3;
	s31 =	sadd.s32 $0x1, s29  }
0x23: {  	s18 =	sshll.u32 s29, $0x8;
	s25 =	sand.u32 @!p0 $0x3, s25;
	s30 =	sadd.s32 @!p0 $0x0, s15  }
0x24: {  	s2 =	simm.s32 @!p0 $0x0;
	s0 =	sshll.u32 @!p0 s25, $0x8;
	s25 =	sadd.s32 @!p0 $0x1, s25  }
0x25: {  	[tilespmem:s0], [sflag:s25] =	stream.linear.gather @!p0 [hbm4b:s30+s2], $0x100, $0x38;
	[tilespmem:$0x1C400] =	vst v63  }
0x26: {  	p1 =	sne.s32 s14, $0x2;
	s17 =	sxor.u32 $0x1, s26;
	_ =	swait.ge [sflag:s31], $0x100  }
0x27: {  	s29 =	sadd.s32 $0x5, s26;
	s21 =	sshll.u32 s17, $0xE;
	[sflag:s31] =	ssyncset.done $0x0  }
0x28: {  	s25 =	sor.u32 $0x400, s21;
	s0 =	sadd.s32 $0x5, s17;
	[sflag:s31] =	ssyncadd.s32 $0xFFFFFF00  }
0x29: {  	[tilespmem:s25], [sflag:s0] =	stream.indirect.gather [hbm4b:s4+s20], $0x80, s18, s20, $0xb8;
	[tilespmem:$0x1C400] =	vst v63  }
0x2a: {  	s30 =	sand.u32 $0xC00, s3;
	s31 =	sshll.u32 s26, $0xE;
	_ =	swait.ge [sflag:s29], $0x4000  }
.Ltmp1:
0x2b: {  	s0 =	sshrl.u32 s30, $0x2;
	[sflag:s29] =	ssyncset.done $0x0;
	(pc) =	sbr.rel @!p1 .LBB2_5-.Ltmp1, $4  }
0x2c: {  	s2 =	sor.u32 $0x400, s31;
	s0 =	sor.u32 $0x80, s0;
	[sflag:s29] =	ssyncadd.s32 $0xFFFFC000  }
0x2d: {  	[spmem:s1] =	stream.indirect.scatter.add.f32 [tilespmem:s2], [sflag:$0x8], $0x80, s0, s20, $0xb8;
	[tilespmem:$0x1C400] =	vst v63  }
0x2e: {  	p0 =	por $0x1, $0x1;
	s25 =	simm.s32 $0x2;
	_ =	swait.ge [sflag:s23], $0x4000  }
0x2f: {  	s26 =	simm.s32 $0x400;
	s29 =	sand.u32 $0x3, s25;
	[sflag:s23] =	ssyncset.done $0x0  }
.LBB2_4:
0x30: {  	s0 =	sadd.s32 $0x3, s28  }
0x31: {  	[sflag:s23] =	ssyncadd.s32 $0xFFFFC000;
	s2 =	smov.u32 s25;
	s25 =	sadd.s32 $0x1, s25  }
0x32: {  	s28 =	sand.u32 $0x1, s28;
	s30 =	sand.u32 $0x3, s25;
	p1 =	sge.u32 s0, s6  }
0x33: {  	s17 =	sadd.s32 $0x1, s29;
	s0 =	sand.u32 @!p1 $0x3, s0;
	s31 =	sadd.s32 @!p1 s26, s15  }
0x34: {  	s21 =	simm.s32 @!p1 $0x0;
	s18 =	sshll.u32 @!p1 s0, $0x8;
	s0 =	sadd.s32 @!p1 $0x1, s0  }
0x35: {  	[tilespmem:s18], [sflag:s0] =	stream.linear.gather @!p1 [hbm4b:s31+s21], $0x100, $0x38;
	[tilespmem:$0x1C400] =	vst v63  }
0x36: {  	s0 =	sxor.u32 $0x1, s28  }
0x37: {  	s18 =	sshll.u32 s29, $0x8;
	s29 =	sadd.s32 $0x5, s28;
	_ =	swait.ge [sflag:s17], $0x100  }
0x38: {  	p1 =	sne.s32 s14, s25;
	s21 =	sshll.u32 s0, $0xE;
	[sflag:s17] =	ssyncset.done $0x0  }
0x39: {  	s0 =	sadd.s32 $0x5, s0;
	[sflag:s17] =	ssyncadd.s32 $0xFFFFFF00;
	s17 =	sor.u32 $0x400, s21  }
0x3a: {  	[tilespmem:s17], [sflag:s0] =	stream.indirect.gather [hbm4b:s4+s20], $0x80, s18, s20, $0xb8;
	[tilespmem:$0x1C400] =	vst v63  }
0x3b: {  	s0 =	sshll.u32 s28, $0xE;
	s17 =	sand.u32 $0xC00, s26;
	_ =	swait.ge [sflag:s29], $0x4000  }
.Ltmp2:
0x3c: {  	s17 =	sshrl.u32 s17, $0x2;
	[sflag:s29] =	ssyncset.done $0x0;
	(pc) =	sbr.rel @p1 .LBB2_4-.Ltmp2, $4  }
0x3d: {  	s0 =	sor.u32 $0x400, s0;
	s17 =	sor.u32 $0x80, s17;
	[sflag:s29] =	ssyncadd.s32 $0xFFFFC000  }
0x3e: {  	[spmem:s1] =	stream.indirect.scatter.add.f32 [tilespmem:s0], [sflag:$0x8], $0x80, s17, s20, $0xb8;
	[tilespmem:$0x1C400] =	vst v63  }
0x3f: {  	s28 =	smov.u32 s2;
	_ =	swait.ge [sflag:s23], $0x4000  }
0x40: {  	s26 =	sadd.s32 $0x400, s26;
	s29 =	smov.u32 s30;
	[sflag:s23] =	ssyncset.done $0x0  }
.LBB2_5:
0x41: {  	s0 =	sadd.s32 $0x3, s28  }
0x42: {  	[sflag:s23] =	ssyncadd.s32 @p0 $0xFFFFC000;
	s2 =	sand.u32 $0x1, s28;
	p0 =	sge.u32 s0, s6  }
0x43: {  	s18 =	sadd.s32 $0x1, s29;
	s0 =	sand.u32 @!p0 $0x3, s0;
	s17 =	sadd.s32 @!p0 s26, s15  }
0x44: {  	s28 =	simm.s32 @!p0 $0x0;
	s21 =	sshll.u32 @!p0 s0, $0x8;
	s0 =	sadd.s32 @!p0 $0x1, s0  }
0x45: {  	[tilespmem:s21], [sflag:s0] =	stream.linear.gather @!p0 [hbm4b:s17+s28], $0x100, $0x38;
	[tilespmem:$0x1C400] =	vst v63  }
0x46: {  	s30 =	sadd.s32 $0x5, s2;
	s0 =	sxor.u32 $0x1, s2;
	_ =	swait.ge [sflag:s18], $0x100  }
0x47: {  	s17 =	sshll.u32 s29, $0x8;
	s29 =	sshll.u32 s0, $0xE;
	[sflag:s18] =	ssyncset.done $0x0  }
0x48: {  	s0 =	sadd.s32 $0x5, s0;
	s31 =	sor.u32 $0x400, s29;
	[sflag:s18] =	ssyncadd.s32 $0xFFFFFF00  }
0x49: {  	[tilespmem:s31], [sflag:s0] =	stream.indirect.gather [hbm4b:s4+s20], $0x80, s17, s20, $0xb8;
	[tilespmem:$0x1C400] =	vst v63  }
0x4a: {  	s21 =	sand.u32 $0xC00, s26;
	_ =	swait.ge [sflag:s30], $0x4000  }
0x4b: {  	s2 =	sshll.u32 s2, $0xE;
	s0 =	sshrl.u32 s21, $0x2;
	[sflag:s30] =	ssyncset.done $0x0  }
0x4c: {  	s2 =	sor.u32 $0x400, s2;
	s0 =	sor.u32 $0x80, s0;
	[sflag:s30] =	ssyncadd.s32 $0xFFFFC000  }
0x4d: {  	[spmem:s1] =	stream.indirect.scatter.add.f32 [tilespmem:s2], [sflag:$0x8], $0x80, s0, s20, $0xb8;
	[tilespmem:$0x1C400] =	vst v63  }
0x4e: {  	_ =	swait.ge [sflag:s23], $0x4000  }
0x4f: {  	s28 =	sand.u32 $0x1, s25;
	[sflag:s23] =	ssyncset.done $0x0  }
0x50: {  	s29 =	sadd.s32 $0x400, s26;
	s30 =	sadd.s32 $0x5, s28;
	[sflag:s23] =	ssyncadd.s32 $0xFFFFC000  }
0x51: {  	s2 =	sand.u32 $0xC00, s29;
	_ =	swait.ge [sflag:s30], $0x4000  }
0x52: {  	s0 =	sshll.u32 s28, $0xE;
	s2 =	sshrl.u32 s2, $0x2;
	[sflag:s30] =	ssyncset.done $0x0  }
0x53: {  	s0 =	sor.u32 $0x400, s0;
	s2 =	sor.u32 $0x80, s2;
	[sflag:s30] =	ssyncadd.s32 $0xFFFFC000  }
0x54: {  	[spmem:s1] =	stream.indirect.scatter.add.f32 [tilespmem:s0], [sflag:$0x8], $0x80, s2, s20, $0xb8;
	[tilespmem:$0x1C400] =	vst v63  }
0x55: {  	_ =	swait.ge [sflag:s23], $0x4000  }
0x56: {  	[sflag:s23] =	ssyncset.done $0x0  }
0x57: {  	s24 =	sadd.s32 $0x1, s24;
	[sflag:s23] =	ssyncadd.s32 $0xFFFFC000  }
0x58: {  	p0 =	sne.s32 s24, s13;
	s31 =	sor.u32 $0x1C08, s7;
	[bflag:$0x0] =	sbarrier.arrive $0xFFFF  }
0x59: {  	[hbm:s12], [sflag:s31] =	dma.local [spmem:s16], $0x2800  }
.Ltmp3:
0x5a: {  	_ = 	snop;
	(pc) =	sbr.rel @p0 .LBB2_1-.Ltmp3, $4  }
.Ltmp4:
0x5b: {  	_ = 	snop;
	(pc) =	sbr.rel @!p0 .LBB2_6-.Ltmp4, $4  }
0x5c: {  	_ =	swait.ge [sflag:s23], $0x2800  }
0x5d: {  	[sflag:s23] =	ssyncset.done $0x0  }
0x5e: {  	[sflag:s23] =	ssyncadd.s32 $0xFFFFD800  }
0x5f: {  	_ = 	snop  }
.LBB2_2:
.Ltmp5:
0x60: {  	(pc) =	sbr.rel .LBB2_5-.Ltmp5, $2  }
0x61: {  	_ =	sdelay $0x2  }
0x62: {  	s25 =	simm.s32 $0x1;
	s28 =	simm.s32 $0x0;
	s26 =	simm.s32 $0x0  }
.LBB2_6:
0x63: {  	_ =	sfence.sel $0x180000  }
0x64: {  	[bflag:$0x0] =	sbarrier.arrive $0xFFFF  }
0x65: {  	_ =	strace $0x9000004D  }
0x66: {  	s0 =	stileid.u32;
	[bflag:$0x2] =	sbarrier.arrive $0xFFFF  }
0x67: {  	p0 =	sne.s32 s0, $0x0;
	s0 =	rddreg [dreg:$0x3]  }
0x68: {  	s0 =	sadd.s32 @!p0 $0x100000, s0  }
0x69: {  	[sflag:s0] =	ssyncadd.tile.s32 @!p0 $0x1;
	_ =	shalt  }
.Lfunc_end2:
_tile_overlayer_lowered:
.L_overlay_start_2:
0x6a: {  	(tag) =	ssettag $0x2  }
0x6b: {  	s0 =	rddreg [dreg:$0x0];
	s2 =	stileid.u32  }
0x6c: {  	s1 =	rddreg [dreg:$0x1];
	p0 =	sne.s32 s2, $0x0  }
0x6d: {  	s3 =	rddreg [dreg:$0x2];
	[bflag:$0x3] =	sbarrier.arrive $0xFFFF;
	s2 =	simm.s32 @!p0 $0x1C08  }
0x6e: {  	[timem:s3], [sflag:s2] =	dma.local @!p0 [hbm:s0], s1  }
0x6f: {  	s0 =	simm.s32 @!p0 $0x8  }
0x70: {  	_ =	swait.ge @!p0 [sflag:s0], s1  }
0x71: {  	s1 =	ssub.s32 @!p0 $0x0, s1;
	[sflag:s0] =	ssyncset.done @!p0 $0x0  }
0x72: {  	[sflag:s0] =	ssyncadd.s32 @!p0 s1  }
0x73: {  	[bflag:$0x3] =	sbarrier.arrive $0xFFFF  }
0x74: {  	_ =	shalt  }

// kernel: kernel.18.cloned.1.call-start
scs
__scs_entry_jumppad:
0x0: {  	(pc) =	sbr.rel $0x88, $3  }
0x1: {  	(tag) =	ssettag $0x0;
	lr =	simm.s32 $0x1  }
0x2: {  	[smem:$0x3F99] =	sst lr;
	_ =	strace $0xD0000000  }
0x3: {  	_ = 	snop  }
0x4: {  	_ = 	snop  }
0x5: {  	_ = 	snop  }
0x6: {  	_ = 	snop  }
0x7: {  	_ = 	snop  }
__scs_overlays_trampoline_lowered:
0x8: {  	[smem:$0x3FA8] =	sst s0  }
0x9: {  	[smem:$0x3FA9] =	sst s1  }
0xa: {  	[smem:$0x3FAA] =	sst s2  }
0xb: {  	[smem:$0x3FAB] =	sst s3  }
0xc: {  	[smem:$0x3FAC] =	sst s4  }
0xd: {  	[smem:$0x3FAD] =	sst s5  }
0xe: {  	[smem:$0x3FAE] =	sst s6  }
0xf: {  	[smem:$0x3FAF] =	sst s7  }
0x10: {  	[smem:$0x3FB0] =	sst s8  }
0x11: {  	[smem:$0x3FB1] =	sst s9;
	s0 =	simm.s32 @!p0 $0x0  }
0x12: {  	s1 =	sld [smem:$0x3F97];
	s0 =	simm.s32 @p0 $0x1  }
0x13: {  	[smem:$0x3FB2] =	sst s0;
	s0 =	simm.s32 @!p1 $0x0  }
0x14: {  	s2 =	sld [smem:$0x3F96];
	s0 =	simm.s32 @p1 $0x1  }
0x15: {  	[smem:$0x3FB3] =	sst s0;
	s0 =	simm.s32 @!p2 $0x0  }
0x16: {  	s3 =	sld [smem:$0x3FDB];
	s0 =	simm.s32 @p2 $0x1  }
0x17: {  	s4 =	simm.s32 $0x1BF5;
	[smem:$0x3FB5] =	sst s0  }
0x18: {  	s0 =	sld [smem:$0x3F98];
	_ =	swait.ge [sflag:s4], $0x0  }
0x19: {  	s7 =	sld [smem:$0x3F99]  }
0x1a: {  	s8 =	sadd.s32 $0xFFFFE003, lr  }
0x1b: {  	s9 =	sadd.s32 $0xFFFFFEF7, lr;
	s5 =	simm.s32 $0xFFFFFFFF;
	p2 =	slt.u32 s8, $0xFFFFF086  }
0x1c: {  	p1 =	slt.u32 s9, $0xF7A;
	s5 =	simm.s32 @!p2 $0x0  }
0x1d: {  	s5 =	simm.s32 @p1 $0x1;
	p0 =	seq.s32 s7, s2  }
0x1e: {  	s7 =	smul.u32 @!p0 $0xF7A, s2;
	p2 =	seq.s32 @!p0 s5, $0x0  }
0x1f: {  	s9 =	smul.u32 $0xF7A, s1;
	s8 =	simm.s32 @!p0 $0x1BF5;
	p2 =	por !p2, p0  }
0x20: {  	[sflag:s8] =	ssyncset.s32 @!p0 $0xFFFFF086;
	s6 =	sadd.s32 @!p0 s3, s7;
	s7 =	simm.s32 @!p0 $0x108  }
0x21: {  	s3 =	sadd.s32 s3, s9;
	s6 =	sadd.s32 @!p0 $0x88, s6;
	s7 =	simm.s32 @p2 $0x1082  }
0x22: {  	[simem:s7], [sflag:s8] =	dma.local @!p0 [hbm:s6], $0xF7A  }
0x23: {  	s9 =	sor.u32 $0xD0000000, s2;
	s6 =	simm.s32 $0x108;
	_ =	swait.ge @!p0 [sflag:s8], $0x0  }
0x24: {  	s3 =	sadd.s32 $0x88, s3;
	s6 =	simm.s32 @!p1 $0x1082;
	[sflag:s4] =	ssyncset.s32 $0xFFFFF086  }
0x25: {  	[simem:s6], [sflag:s4] =	dma.local [hbm:s3], $0xF7A  }
0x26: {  	[smem:$0x3F99] =	sst s1;
	(tag) =	ssettag s2;
	_ =	strace s9  }
0x27: {  	s1 =	sld [smem:$0x3FA9]  }
0x28: {  	s2 =	sld [smem:$0x3FAA]  }
0x29: {  	s4 =	sld [smem:$0x3FAC]  }
0x2a: {  	p0 =	seq.s32 s5, $0x0;
	s5 =	sld [smem:$0x3FAD]  }
0x2b: {  	s6 =	sld [smem:$0x3FAE]  }
0x2c: {  	s7 =	sld [smem:$0x3FAF]  }
0x2d: {  	s3 =	simm.s32 $0x108;
	s8 =	sld [smem:$0x3FB0]  }
0x2e: {  	s3 =	simm.s32 @!p0 $0x1082;
	s9 =	sld [smem:$0x3FB1]  }
0x2f: {  	lr =	sadd.s32 s0, s3;
	s0 =	sld [smem:$0x3FA8]  }
0x30: {  	s3 =	sld [smem:$0x3FAB]  }
0x31: {  	[smem:$0x3FB4] =	sst s10  }
0x32: {  	s10 =	sld [smem:$0x3FB2];
	_ =	sdelay $0x3  }
0x33: {  	p0 =	seq.s32 s10, $0x1;
	s10 =	sld [smem:$0x3FB4];
	_ =	sdelay $0x3  }
0x34: {  	[smem:$0x3FB4] =	sst s10  }
0x35: {  	s10 =	sld [smem:$0x3FB3];
	_ =	sdelay $0x3  }
0x36: {  	p1 =	seq.s32 s10, $0x1;
	s10 =	sld [smem:$0x3FB4];
	_ =	sdelay $0x3  }
0x37: {  	[smem:$0x3FB4] =	sst s10  }
0x38: {  	s10 =	sld [smem:$0x3FB5]  }
0x39: {  	_ = 	snop;
	(pc) =	sbr.ind lr, $3  }
0x3a: {  	_ = 	snop  }
0x3b: {  	_ = 	snop  }
0x3c: {  	p2 =	seq.s32 s10, $0x1;
	s10 =	sld [smem:$0x3FB4]  }
0x3d: {  	_ =	shalt  }
0x3e: {  	_ =	shalt  }
0x3f: {  	_ =	shalt  }
0x40: {  	_ =	shalt  }
0x41: {  	_ =	shalt  }
0x42: {  	_ =	shalt  }
0x43: {  	_ =	shalt  }
0x44: {  	_ =	shalt  }
0x45: {  	_ =	shalt  }
0x46: {  	_ =	shalt  }
0x47: {  	_ =	shalt  }
0x48: {  	_ =	shalt  }
0x49: {  	_ =	shalt  }
0x4a: {  	_ =	shalt  }
0x4b: {  	_ =	shalt  }
0x4c: {  	_ =	shalt  }
0x4d: {  	_ =	shalt  }
0x4e: {  	_ =	shalt  }
0x4f: {  	_ =	shalt  }
0x50: {  	_ =	shalt  }
0x51: {  	_ =	shalt  }
0x52: {  	_ =	shalt  }
0x53: {  	_ =	shalt  }
0x54: {  	_ =	shalt  }
0x55: {  	_ =	shalt  }
0x56: {  	_ =	shalt  }
0x57: {  	_ =	shalt  }
0x58: {  	_ =	shalt  }
0x59: {  	_ =	shalt  }
0x5a: {  	_ =	shalt  }
0x5b: {  	_ =	shalt  }
0x5c: {  	_ =	shalt  }
0x5d: {  	_ =	shalt  }
0x5e: {  	_ =	shalt  }
0x5f: {  	_ =	shalt  }
0x60: {  	_ =	shalt  }
0x61: {  	_ =	shalt  }
0x62: {  	_ =	shalt  }
0x63: {  	_ =	shalt  }
0x64: {  	_ =	shalt  }
0x65: {  	_ =	shalt  }
0x66: {  	_ =	shalt  }
0x67: {  	_ =	shalt  }
0x68: {  	_ =	shalt  }
0x69: {  	_ =	shalt  }
0x6a: {  	_ =	shalt  }
0x6b: {  	_ =	shalt  }
0x6c: {  	_ =	shalt  }
0x6d: {  	_ =	shalt  }
0x6e: {  	_ =	shalt  }
0x6f: {  	_ =	shalt  }
0x70: {  	_ =	shalt  }
0x71: {  	_ =	shalt  }
0x72: {  	_ =	shalt  }
0x73: {  	_ =	shalt  }
0x74: {  	_ =	shalt  }
0x75: {  	_ =	shalt  }
0x76: {  	_ =	shalt  }
0x77: {  	_ =	shalt  }
0x78: {  	_ =	shalt  }
0x79: {  	_ =	shalt  }
0x7a: {  	_ =	shalt  }
0x7b: {  	_ =	shalt  }
0x7c: {  	_ =	shalt  }
0x7d: {  	_ =	shalt  }
0x7e: {  	_ =	shalt  }
0x7f: {  	_ =	shalt  }
0x80: {  	_ =	shalt  }
0x81: {  	_ =	shalt  }
0x82: {  	_ =	shalt  }
0x83: {  	_ =	shalt  }
0x84: {  	_ =	shalt  }
0x85: {  	_ =	shalt  }
0x86: {  	_ =	shalt  }
0x87: {  	_ =	shalt  }
.Lfunc_end0:
.L_simem_size_0:
called_computation.3_lowered:
.L_overlay_start_0:
0x88: {  	s2 =	sld [smem:$0x3FD9]  }
0x89: {  	s3 =	sld [smem:$0x3FFE];
	_ =	sdelay $0x1  }
0x8a: {  	s1 =	srdreg.scid  }
0x8b: {  	s0 =	sand.u32 $0x1, s1  }
0x8c: {  	s17 =	sshll.u32 s0, $0xA;
	s2 =	sadd.s32 s3, s2  }
0x8d: {  	s2 =	sadd.s32 s2, s17  }
0x8e: {  	[smem:$0x3FC0] =	sst s2  }
0x8f: {  	_ = 	snop  }
0x90: {  	s2 =	sld [smem:$0x3FC8];
	(tm) =	ssettm $0x1  }
0x91: {  	s18 =	sld [smem:$0x3FFB];
	_ =	sdelay $0x3  }
0x92: {  	_ =	strace s18  }
0x93: {  	s3 =	sld [smem:$0x3FFC];
	_ =	sdelay $0x3  }
0x94: {  	_ =	strace s3  }
0x95: {  	s3 =	sld [smem:$0x3FFD];
	_ =	sdelay $0x3  }
0x96: {  	_ =	strace s3  }
0x97: {  	_ =	strace $0x8FFFFFFF  }
0x98: {  	s19 =	sld [smem:$0x3FDB];
	_ =	sdelay $0x1  }
0x99: {  	s4 =	simm.s32 $_scs_section_size  }
0x9a: {  	s5 =	simm.s32 $_size__tile_overlayer_lowered;
	s6 =	simm.s32 $_tile_overlayer_lowered  }
0x9b: {  	s22 =	simm.s32 $0x1BFF;
	s21 =	sshll.u32 s6, $0x1;
	s3 =	sadd.s32 s4, s19  }
0x9c: {  	s7 =	simm.s32 $0x0;
	s20 =	sshll.u32 s5, $0x1;
	s5 =	sadd.s32 s21, s3  }
0x9d: {  	[timem:s7], [sflag:s22] =	dma.local [hbm:s5], s20  }
0x9e: {  	_ =	swait.ge [sflag:s22], s20  }
0x9f: {  	s4 =	ssub.s32 $0x0, s20;
	[sflag:s22] =	ssyncset.done $0x0  }
0xa0: {  	[sflag:s22] =	ssyncadd.s32 s4;
	_ =	sdelay $0x1  }
0xa1: {  	s23 =	simm.s32 $0x1B8B  }
0xa2: {  	_ =	swait.ge [sflag:s23], $0x1  }
0xa3: {  	[sflag:s23] =	ssyncset.done $0x0  }
0xa4: {  	s25 =	simm.s32 $0x1B8E;
	s24 =	sld [smem:$0x3FFE];
	[sflag:s23] =	ssyncadd.s32 $0xFFFFFFFF  }
0xa5: {  	s26 =	simm.s32 $execute0_lowered;
	[smem:$0x3FD2] =	sst s25  }
0xa6: {  	s5 =	sshll.u32 s26, $0x1;
	_ =	strace $0x8000004F;
	[dreg:$0x1] =	wrdreg $0xFFFFFFFF  }
0xa7: {  	s28 =	simm.s32 $_size_execute0_lowered;
	s3 =	sadd.s32 s3, s5;
	[dreg:$0x0] =	wrdreg $0x0  }
0xa8: {  	s5 =	sshll.u32 s28, $0x1;
	[dreg:$0x2] =	wrdreg s3  }
0xa9: {  	[dreg:$0x3] =	wrdreg s5  }
0xaa: {  	[dreg:$0x4] =	wrdreg $0xC0  }
0xab: {  	_ =	task [dreg:s7], $0x5FFFF  }
0xac: {  	[dreg:$0x1] =	wrdreg $0xFFFFFFFF  }
0xad: {  	[dreg:$0x0] =	wrdreg $0x60  }
0xae: {  	[dreg:$0x2] =	wrdreg s24  }
0xaf: {  	[dreg:$0x3] =	wrdreg s2  }
0xb0: {  	[dreg:$0x4] =	wrdreg $0xC6800  }
0xb1: {  	[dreg:$0x5] =	wrdreg $0x9  }
0xb2: {  	_ =	task.clear_ibuf [dreg:s7], $0x6FFFF;
	_ =	strace $0x9000004F  }
0xb3: {  	s29 =	simm.s32 $0x9;
	_ =	strace $0x80000051  }
0xb4: {  	_ =	swait.ge [sflag:s29], $0x1  }
0xb5: {  	[sflag:s29] =	ssyncadd.s32 $0xFFFFFFFF  }
0xb6: {  	_ =	strace $0x90000051  }
0xb7: {  	_ =	sfence  }
0xb8: {  	s30 =	sld [smem:$0x0];
	_ =	sdelay $0x2  }
0xb9: {  	s31 =	sshll.u32 s1, $0xD;
	s1 =	sshrl.u32 s1, $0x2  }
0xba: {  	s3 =	sand.u32 $0x4000, s31;
	s1 =	sadd.s32 s1, s30  }
0xbb: {  	s0 =	sor.u32 s3, s0;
	s1 =	sshll.u32 s1, $0x11  }
0xbc: {  	s0 =	sor.u32 s1, s0  }
0xbd: {  	s0 =	sadd.s32 $0x8F2B, s0  }
0xbe: {  	[sflag:s0] =	ssyncadd.remote.s32 $0x1  }
0xbf: {  	_ =	sfence.sel $0xFFFF  }
0xc0: {  	[dreg:$0x0] =	wrdreg $0xFFFFFFFF;
	(pc) =	sbr.abs _section_cstart, $3  }
0xc1: {  	[dreg:$0x1] =	wrdreg $0xFFFFFFFF  }
0xc2: {  	_ =	task.clear_ibuf [dreg:s7], $0x2FFFF;
	_ =	strace $0x9FFFFFFF  }
0xc3: {  	(tm) =	ssettm $0x7FFFFFFF  }
tec
execute0_lowered:
.L_overlay_start_1:
0x0: {  	(tag) =	ssettag $0x1  }
0x1: {  	s4 =	rddreg [dreg:$0x0]  }
0x2: {  	s5 =	rddreg [dreg:$0x1]  }
0x3: {  	s7 =	rddreg [dreg:$0x2]  }
0x4: {  	s0 =	rddreg [dreg:$0x3]  }
0x5: {  	s3 =	srdreg.scid;
	s1 =	stileid.u32;
	s2 =	simm.s32 $0x0  }
0x6: {  	s13 =	simm.s32 $0x80;
	s14 =	simm.s32 $0x400;
	s15 =	simm.s32 $0x1400  }
0x7: {  	s16 =	simm.s32 $0x14000;
	s17 =	simm.s32 $0x9E80;
	s18 =	simm.s32 $0x100  }
0x8: {  	s19 =	simm.s32 $0x0;
	s6 =	sand.u32 $0x1, s3;
	s26 =	smul.u32 $0x500, s1  }
0x9: {  	[smem:$0x7FF] =	sst s2;
	s3 =	sadd.s32 $0x2600, s4;
	s9 =	sshll.u32 s1, $0x1  }
0xa: {  	s11 =	sshrl.u32 s1, $0x3;
	s30 =	smul.u32 $0x5000, s1;
	s31 =	sshll.u32 s1, $0x7  }
0xb: {  	p0 =	sgt.u32 s1, $0x1;
	s8 =	sshll.u32 s6, $0x7;
	_ =	strace $0x80000050  }
0xc: {  	s28 =	ssub.s32 $0x2, s6;
	s6 =	sor.u32 s6, s9;
	s11 =	smul.u32 $0x50000, s11  }
0xd: {  	s8 =	sor.u32 s8, s26;
	s29 =	sshrl.u32 s28, $0x1;
	s10 =	smul.u32 $0x9C0, s6  }
0xe: {  	s6 =	sshll.u32 s6, $0x5;
	s12 =	sshrl.u32 s30, $0x2;
	s8 =	sshrl.u32 s8, $0x3  }
0xf: {  	s9 =	ssub.s32 s28, s29;
	s11 =	sshrl.u32 s11, $0x2;
	s8 =	sadd.s32 s8, s4  }
0x10: {  	s4 =	sadd.s32 s5, s10;
	s5 =	sadd.s32 s6, s5;
	s10 =	sand.u32 $0x380, s31  }
0x11: {  	s11 =	sadd.s32 s11, s7;
	s7 =	sadd.s32 s12, s7;
	s9 =	smax.u32 s9, $0x1  }
0x12: {  	s12 =	simm.s32 $0x7680;
	s5 =	sadd.s32 $0x13800, s5;
	s6 =	sadd.s32 s10, s11  }
0x13: {  	v0 =	vimm.f32 $0.0e+00;
	s8 =	sadd.s32 $0x2C00, s8;
	s10 =	simm.s32 $0x1;
	s11 =	simm.s32 $0x4F00  }
.LBB2_1:
0x14: {  	[tilespmem:s2], [sflag:$0x1] =	stream.linear.gather [hbm4b:s4+s2], $0x4E00, $0x38;
	[tilespmem:$0xEE80] =	vst v63  }
0x15: {  	_ =	swait.ge [sflag:s10], $0x4E00  }
0x16: {  	[sflag:s10] =	ssyncset.done $0x0  }
0x17: {  	s20 =	simm.s32 @!p0 $0x0;
	s21 =	simm.s32 @!p0 $0x4E00;
	[sflag:s10] =	ssyncadd.s32 $0xFFFFB200  }
0x18: {  	[tilespmem:s21], [sflag:$0x1] =	stream.linear.gather @!p0 [hbm4b:s5+s20], $0x100, $0x38;
	[tilespmem:$0xEE80] =	vst v63  }
0x19: {  	s20 =	simm.s32 @!p0 $0x1  }
0x1a: {  	_ =	swait.ge @!p0 [sflag:s20], $0x100  }
0x1b: {  	[sflag:s20] =	ssyncset.done @!p0 $0x0  }
0x1c: {  	[sflag:s20] =	ssyncadd.s32 @!p0 $0xFFFFFF00  }
0x1d: {  	[tilespmem:s11], [sflag:$0x1] =	stream.linear.gather [hbm4b:s3+s2], $0x2780, $0x38;
	[tilespmem:$0xEE80] =	vst v63  }
0x1e: {  	_ =	swait.ge [sflag:s10], $0x2780  }
0x1f: {  	s23 =	simm.s32 $0x0;
	s20 =	simm.s32 @!p0 $0x278;
	[sflag:s10] =	ssyncset.done $0x0  }
0x20: {  	s21 =	simm.s32 $0x40;
	s20 =	simm.s32 @p0 $0x270;
	[sflag:s10] =	ssyncadd.s32 $0xFFFFD880  }
.LBB2_2:
0x21: {  	p1 =	sne.s32 s21, $0x9FC0;
	[tilespmem:s23+$0x7680] =	vst v0;
	s22 =	smov.u32 s21;
	s21 =	sadd.s32 $0x40, s21  }
.Ltmp0:
0x22: {  	(pc) =	sbr.rel @p1 .LBB2_2-.Ltmp0, $2  }
0x23: {  	_ =	sdelay $0x2  }
0x24: {  	s23 =	sshra.s32 s22, $0x2  }
0x25: {  	s22 =	simm.s32 $0x0  }
0x26: {  	s21 =	sand.u32 $0x70, s22;
	s24 =	sand.u32 $0xFFFFFF00, s22  }
0x27: {  	[tilespmem:s23+$0x7680] =	vst v0;
	s31 =	sor.u32 s21, s24  }
0x28: {  	v2 =	vld [tilespmem:s31+$0x0];
	_ =	sdelay $0x4  }
0x29: {  	s20 =	sshll.u32 s20, $0x4;
	v1 =	vld [tilespmem:s31+$0x80]  }
0x2a: {  	p1 =	sne.s32 s20, $0x10  }
.Ltmp1:
0x2b: {  	_ = 	snop;
	(pc) =	sbr.rel @!p1 .LBB2_5-.Ltmp1, $2  }
0x2c: {  	v2 =	vld.idx.msk [tilespmem:v2+s11+$0x0], $0xffff;
	_ =	sdelay $0x2  }
0x2d: {  	s23 =	simm.s32 $0x10;
	s24 =	simm.s32 $0x20  }
.LBB2_4:
0x2e: {  	s25 =	sand.u32 $0x70, s23;
	s26 =	sand.u32 $0xFFFFFF00, s24;
	s23 =	sadd.s32 $0x10, s23  }
0x2f: {  	s25 =	sor.u32 s25, s26;
	p1 =	sne.s32 s20, s23;
	[tilespmem:v1+s12+$0x0] =	vst.idx.add.f32.msk $0xffff, v2  }
0x30: {  	v2 =	vld [tilespmem:s25+$0x0];
	_ =	sdelay $0x5  }
0x31: {  	v1 =	vld [tilespmem:s25+$0x80];
	_ =	sdelay $0x1  }
.Ltmp2:
0x32: {  	v2 =	vld.idx.msk [tilespmem:v2+s11+$0x0], $0xffff;
	(pc) =	sbr.rel @p1 .LBB2_4-.Ltmp2, $2  }
0x33: {  	_ =	sdelay $0x2  }
0x34: {  	s24 =	sadd.s32 $0x20, s24  }
.LBB2_5:
0x35: {  	_ =	sdelay $0x3  }
0x36: {  	s20 =	simm.s32 $0x7680;
	[tilespmem:v1+s12+$0x0] =	vst.idx.add.f32.msk $0xffff, v2  }
0x37: {  	[spmem:s6] =	stream.strided.scatter [tilespmem:s20], [sflag:$0x1], $0x2800, s14, s13, $0x38;
	[tilespmem:$0xEE80] =	vst v63  }
0x38: {  	_ =	swait.ge [sflag:s10], $0x2800  }
0x39: {  	[sflag:s10] =	ssyncset.done $0x0  }
0x3a: {  	[sflag:s10] =	ssyncadd.s32 $0xFFFFD800  }
0x3b: {  	[bflag:$0x0] =	sbarrier.arrive $0xFFFF  }
0x3c: {  	[tilespmem:s17], [sflag:$0x1] =	stream.strided.gather [spmem:s7], $0x2800, s16, s15, $0x38;
	[tilespmem:$0xEE80] =	vst v63  }
0x3d: {  	_ =	swait.ge [sflag:s10], $0x2800  }
0x3e: {  	s22 =	sand.u32 $0x1C00, s22;
	[sflag:s10] =	ssyncset.done $0x0  }
0x3f: {  	s21 =	sor.u32 s21, s22;
	[sflag:s10] =	ssyncadd.s32 $0xFFFFD800  }
0x40: {  	v1 =	vld [tilespmem:s21+$0x9F00]  }
0x41: {  	v2 =	vld [tilespmem:s21+$0x9E80];
	_ =	sdelay $0x1  }
0x42: {  	v3 =	vld [tilespmem:s21+$0x9F80];
	_ =	sdelay $0x1  }
0x43: {  	v4 =	vld [tilespmem:s21+$0xA000]  }
0x44: {  	v1 =	vadd.f32 v1, v2  }
0x45: {  	v2 =	vld [tilespmem:s21+$0xA080]  }
0x46: {  	v1 =	vadd.f32 v3, v1  }
0x47: {  	v3 =	vld [tilespmem:s21+$0xA100]  }
0x48: {  	v1 =	vadd.f32 v4, v1  }
0x49: {  	v60 =	vld [tilespmem:s21+$0xA180]  }
0x4a: {  	v1 =	vadd.f32 v2, v1  }
0x4b: {  	v2 =	vld [tilespmem:s21+$0xA200]  }
0x4c: {  	v1 =	vadd.f32 v3, v1  }
0x4d: {  	v3 =	vld [tilespmem:s21+$0xB280]  }
0x4e: {  	v1 =	vadd.f32 v60, v1  }
0x4f: {  	v61 =	vld [tilespmem:s21+$0xB300]  }
0x50: {  	v1 =	vadd.f32 v2, v1  }
0x51: {  	v2 =	vld [tilespmem:s21+$0xB380]  }
0x52: {  	v1 =	vadd.f32 v3, v1  }
0x53: {  	v3 =	vld [tilespmem:s21+$0xB400]  }
0x54: {  	v1 =	vadd.f32 v61, v1  }
0x55: {  	v62 =	vld [tilespmem:s21+$0xB480]  }
0x56: {  	v1 =	vadd.f32 v2, v1  }
0x57: {  	v2 =	vld [tilespmem:s21+$0xB500]  }
0x58: {  	v1 =	vadd.f32 v3, v1  }
0x59: {  	v3 =	vld [tilespmem:s21+$0xB580]  }
0x5a: {  	v1 =	vadd.f32 v62, v1  }
0x5b: {  	v63 =	vld [tilespmem:s21+$0xB600]  }
0x5c: {  	v1 =	vadd.f32 v2, v1;
	_ =	sdelay $0x1  }
0x5d: {  	v1 =	vadd.f32 v3, v1;
	_ =	sdelay $0x1  }
0x5e: {  	s31 =	simm.s32 $0x10;
	s22 =	simm.s32 $0x80;
	v1 =	vadd.f32 v63, v1  }
0x5f: {  	s23 =	sand.u32 $0x1C00, s22;
	s21 =	sand.u32 $0x70, s31  }
0x60: {  	s21 =	sor.u32 s21, s23;
	s23 =	simm.s32 $0x20;
	[tilespmem:s20+$0x0] =	vst v1  }
.LBB2_6:
0x61: {  	p1 =	sne.s32 s23, $0x270;
	v1 =	vld [tilespmem:s21+$0x9F00]  }
0x62: {  	v2 =	vld [tilespmem:s21+$0x9E80];
	_ =	sdelay $0x1  }
0x63: {  	v3 =	vld [tilespmem:s21+$0x9F80];
	_ =	sdelay $0x1  }
0x64: {  	v4 =	vld [tilespmem:s21+$0xA000]  }
0x65: {  	v1 =	vadd.f32 v1, v2  }
0x66: {  	v2 =	vld [tilespmem:s21+$0xA080]  }
0x67: {  	v1 =	vadd.f32 v3, v1  }
0x68: {  	v3 =	vld [tilespmem:s21+$0xA100]  }
0x69: {  	v1 =	vadd.f32 v4, v1  }
0x6a: {  	v4 =	vld [tilespmem:s21+$0xA180]  }
0x6b: {  	v1 =	vadd.f32 v2, v1  }
0x6c: {  	v2 =	vld [tilespmem:s21+$0xA200]  }
0x6d: {  	v1 =	vadd.f32 v3, v1  }
0x6e: {  	v3 =	vld [tilespmem:s21+$0xB280]  }
0x6f: {  	v1 =	vadd.f32 v4, v1  }
0x70: {  	v4 =	vld [tilespmem:s21+$0xB300]  }
0x71: {  	v1 =	vadd.f32 v2, v1  }
0x72: {  	v2 =	vld [tilespmem:s21+$0xB380]  }
0x73: {  	v1 =	vadd.f32 v3, v1  }
0x74: {  	v3 =	vld [tilespmem:s21+$0xB400]  }
0x75: {  	v1 =	vadd.f32 v4, v1  }
0x76: {  	v4 =	vld [tilespmem:s21+$0xB480]  }
0x77: {  	v1 =	vadd.f32 v2, v1  }
0x78: {  	v2 =	vld [tilespmem:s21+$0xB500]  }
0x79: {  	v1 =	vadd.f32 v3, v1  }
0x7a: {  	v3 =	vld [tilespmem:s21+$0xB580]  }
0x7b: {  	v1 =	vadd.f32 v4, v1  }
0x7c: {  	v4 =	vld [tilespmem:s21+$0xB600]  }
0x7d: {  	v1 =	vadd.f32 v2, v1;
	_ =	sdelay $0x1  }
.Ltmp3:
0x7e: {  	v1 =	vadd.f32 v3, v1;
	(pc) =	sbr.rel @p1 .LBB2_6-.Ltmp3, $4  }
0x7f: {  	_ = 	snop  }
0x80: {  	s22 =	sadd.s32 $0x80, s22;
	v1 =	vadd.f32 v4, v1  }
0x81: {  	s20 =	sadd.s32 $0x10, s20;
	s24 =	sand.u32 $0x1C00, s22;
	s21 =	sand.u32 $0x70, s23  }
0x82: {  	s23 =	sadd.s32 $0x10, s23;
	s21 =	sor.u32 s21, s24;
	[tilespmem:s20+$0x0] =	vst v1  }
0x83: {  	v1 =	vld [tilespmem:s21+$0x9F00]  }
0x84: {  	v2 =	vld [tilespmem:s21+$0x9E80];
	_ =	sdelay $0x1  }
0x85: {  	v3 =	vld [tilespmem:s21+$0x9F80];
	_ =	sdelay $0x1  }
0x86: {  	v4 =	vld [tilespmem:s21+$0xA000]  }
0x87: {  	v1 =	vadd.f32 v1, v2  }
0x88: {  	v2 =	vld [tilespmem:s21+$0xA080]  }
0x89: {  	v1 =	vadd.f32 v3, v1  }
0x8a: {  	v3 =	vld [tilespmem:s21+$0xA100]  }
0x8b: {  	v1 =	vadd.f32 v4, v1  }
0x8c: {  	v60 =	vld [tilespmem:s21+$0xA180]  }
0x8d: {  	v1 =	vadd.f32 v2, v1  }
0x8e: {  	v2 =	vld [tilespmem:s21+$0xA200]  }
0x8f: {  	v1 =	vadd.f32 v3, v1  }
0x90: {  	v3 =	vld [tilespmem:s21+$0xB280]  }
0x91: {  	v1 =	vadd.f32 v60, v1  }
0x92: {  	v61 =	vld [tilespmem:s21+$0xB300]  }
0x93: {  	v1 =	vadd.f32 v2, v1  }
0x94: {  	v2 =	vld [tilespmem:s21+$0xB380]  }
0x95: {  	v1 =	vadd.f32 v3, v1  }
0x96: {  	v3 =	vld [tilespmem:s21+$0xB400]  }
0x97: {  	v1 =	vadd.f32 v61, v1  }
0x98: {  	v62 =	vld [tilespmem:s21+$0xB480]  }
0x99: {  	v1 =	vadd.f32 v2, v1  }
0x9a: {  	v2 =	vld [tilespmem:s21+$0xB500]  }
0x9b: {  	v1 =	vadd.f32 v3, v1  }
0x9c: {  	v3 =	vld [tilespmem:s21+$0xB580]  }
0x9d: {  	v1 =	vadd.f32 v62, v1  }
0x9e: {  	v63 =	vld [tilespmem:s21+$0xB600]  }
0x9f: {  	v1 =	vadd.f32 v2, v1;
	_ =	sdelay $0x1  }
0xa0: {  	v1 =	vadd.f32 v3, v1;
	_ =	sdelay $0x1  }
0xa1: {  	s19 =	sadd.s32 $0x1, s19;
	v1 =	vadd.f32 v63, v1  }
0xa2: {  	s20 =	sadd.s32 $0x10, s20;
	p1 =	sne.s32 s19, s9  }
.Ltmp4:
0xa3: {  	[tilespmem:s20+$0x0] =	vst v1;
	(pc) =	sbr.rel @p1 .LBB2_1-.Ltmp4, $4  }
0xa4: {  	[hbm4b:s8+s13] =	stream.strided.scatter [tilespmem:s12], [sflag:$0x1], $0x280, s18, s13, $0x38;
	[tilespmem:$0xEE80] =	vst v63  }
0xa5: {  	_ =	swait.ge [sflag:s10], $0x280  }
0xa6: {  	[sflag:s10] =	ssyncset.done $0x0  }
0xa7: {  	[sflag:s10] =	ssyncadd.s32 $0xFFFFFD80  }
0xa8: {  	_ =	sfence.sel $0x180000  }
0xa9: {  	[bflag:$0x0] =	sbarrier.arrive $0xFFFF  }
0xaa: {  	p0 =	sne.s32 s1, $0x0;
	_ =	strace $0x90000050  }
0xab: {  	s0 =	sadd.s32 @!p0 $0x100000, s0;
	[bflag:$0x2] =	sbarrier.arrive $0xFFFF  }
0xac: {  	[sflag:s0] =	ssyncadd.tile.s32 @!p0 $0x1;
	_ =	shalt  }
.Lfunc_end2:
_tile_overlayer_lowered:
.L_overlay_start_2:
0xad: {  	(tag) =	ssettag $0x2  }
0xae: {  	s0 =	rddreg [dreg:$0x0];
	s2 =	stileid.u32  }
0xaf: {  	s1 =	rddreg [dreg:$0x1];
	p0 =	sne.s32 s2, $0x0  }
0xb0: {  	s3 =	rddreg [dreg:$0x2];
	[bflag:$0x3] =	sbarrier.arrive $0xFFFF;
	s2 =	simm.s32 @!p0 $0x1C01  }
0xb1: {  	[timem:s3], [sflag:s2] =	dma.local @!p0 [hbm:s0], s1  }
0xb2: {  	s0 =	simm.s32 @!p0 $0x1  }
0xb3: {  	_ =	swait.ge @!p0 [sflag:s0], s1  }
0xb4: {  	s1 =	ssub.s32 @!p0 $0x0, s1;
	[sflag:s0] =	ssyncset.done @!p0 $0x0  }
0xb5: {  	[sflag:s0] =	ssyncadd.s32 @!p0 s1  }
0xb6: {  	[bflag:$0x3] =	sbarrier.arrive $0xFFFF  }
0xb7: {  	_ =	shalt  }

// kernel: kernel.9.cloned.1.call-start
scs
__scs_entry_jumppad:
0x0: {  	(pc) =	sbr.rel $0x88, $3  }
0x1: {  	(tag) =	ssettag $0x0;
	lr =	simm.s32 $0x1  }
0x2: {  	[smem:$0x3F99] =	sst lr;
	_ =	strace $0xD0000000  }
0x3: {  	_ = 	snop  }
0x4: {  	_ = 	snop  }
0x5: {  	_ = 	snop  }
0x6: {  	_ = 	snop  }
0x7: {  	_ = 	snop  }
__scs_overlays_trampoline_lowered:
0x8: {  	[smem:$0x3FA8] =	sst s0  }
0x9: {  	[smem:$0x3FA9] =	sst s1  }
0xa: {  	[smem:$0x3FAA] =	sst s2  }
0xb: {  	[smem:$0x3FAB] =	sst s3  }
0xc: {  	[smem:$0x3FAC] =	sst s4  }
0xd: {  	[smem:$0x3FAD] =	sst s5  }
0xe: {  	[smem:$0x3FAE] =	sst s6  }
0xf: {  	[smem:$0x3FAF] =	sst s7  }
0x10: {  	[smem:$0x3FB0] =	sst s8  }
0x11: {  	[smem:$0x3FB1] =	sst s9;
	s0 =	simm.s32 @!p0 $0x0  }
0x12: {  	s1 =	sld [smem:$0x3F97];
	s0 =	simm.s32 @p0 $0x1  }
0x13: {  	[smem:$0x3FB2] =	sst s0;
	s0 =	simm.s32 @!p1 $0x0  }
0x14: {  	s2 =	sld [smem:$0x3F96];
	s0 =	simm.s32 @p1 $0x1  }
0x15: {  	[smem:$0x3FB3] =	sst s0;
	s0 =	simm.s32 @!p2 $0x0  }
0x16: {  	s3 =	sld [smem:$0x3FDB];
	s0 =	simm.s32 @p2 $0x1  }
0x17: {  	s4 =	simm.s32 $0x1BF5;
	[smem:$0x3FB5] =	sst s0  }
0x18: {  	s0 =	sld [smem:$0x3F98];
	_ =	swait.ge [sflag:s4], $0x0  }
0x19: {  	s7 =	sld [smem:$0x3F99]  }
0x1a: {  	s8 =	sadd.s32 $0xFFFFE003, lr  }
0x1b: {  	s9 =	sadd.s32 $0xFFFFFEF7, lr;
	s5 =	simm.s32 $0xFFFFFFFF;
	p2 =	slt.u32 s8, $0xFFFFF086  }
0x1c: {  	p1 =	slt.u32 s9, $0xF7A;
	s5 =	simm.s32 @!p2 $0x0  }
0x1d: {  	s5 =	simm.s32 @p1 $0x1;
	p0 =	seq.s32 s7, s2  }
0x1e: {  	s7 =	smul.u32 @!p0 $0xF7A, s2;
	p2 =	seq.s32 @!p0 s5, $0x0  }
0x1f: {  	s9 =	smul.u32 $0xF7A, s1;
	s8 =	simm.s32 @!p0 $0x1BF5;
	p2 =	por !p2, p0  }
0x20: {  	[sflag:s8] =	ssyncset.s32 @!p0 $0xFFFFF086;
	s6 =	sadd.s32 @!p0 s3, s7;
	s7 =	simm.s32 @!p0 $0x108  }
0x21: {  	s3 =	sadd.s32 s3, s9;
	s6 =	sadd.s32 @!p0 $0x88, s6;
	s7 =	simm.s32 @p2 $0x1082  }
0x22: {  	[simem:s7], [sflag:s8] =	dma.local @!p0 [hbm:s6], $0xF7A  }
0x23: {  	s9 =	sor.u32 $0xD0000000, s2;
	s6 =	simm.s32 $0x108;
	_ =	swait.ge @!p0 [sflag:s8], $0x0  }
0x24: {  	s3 =	sadd.s32 $0x88, s3;
	s6 =	simm.s32 @!p1 $0x1082;
	[sflag:s4] =	ssyncset.s32 $0xFFFFF086  }
0x25: {  	[simem:s6], [sflag:s4] =	dma.local [hbm:s3], $0xF7A  }
0x26: {  	[smem:$0x3F99] =	sst s1;
	(tag) =	ssettag s2;
	_ =	strace s9  }
0x27: {  	s1 =	sld [smem:$0x3FA9]  }
0x28: {  	s2 =	sld [smem:$0x3FAA]  }
0x29: {  	s4 =	sld [smem:$0x3FAC]  }
0x2a: {  	p0 =	seq.s32 s5, $0x0;
	s5 =	sld [smem:$0x3FAD]  }
0x2b: {  	s6 =	sld [smem:$0x3FAE]  }
0x2c: {  	s7 =	sld [smem:$0x3FAF]  }
0x2d: {  	s3 =	simm.s32 $0x108;
	s8 =	sld [smem:$0x3FB0]  }
0x2e: {  	s3 =	simm.s32 @!p0 $0x1082;
	s9 =	sld [smem:$0x3FB1]  }
0x2f: {  	lr =	sadd.s32 s0, s3;
	s0 =	sld [smem:$0x3FA8]  }
0x30: {  	s3 =	sld [smem:$0x3FAB]  }
0x31: {  	[smem:$0x3FB4] =	sst s10  }
0x32: {  	s10 =	sld [smem:$0x3FB2];
	_ =	sdelay $0x3  }
0x33: {  	p0 =	seq.s32 s10, $0x1;
	s10 =	sld [smem:$0x3FB4];
	_ =	sdelay $0x3  }
0x34: {  	[smem:$0x3FB4] =	sst s10  }
0x35: {  	s10 =	sld [smem:$0x3FB3];
	_ =	sdelay $0x3  }
0x36: {  	p1 =	seq.s32 s10, $0x1;
	s10 =	sld [smem:$0x3FB4];
	_ =	sdelay $0x3  }
0x37: {  	[smem:$0x3FB4] =	sst s10  }
0x38: {  	s10 =	sld [smem:$0x3FB5]  }
0x39: {  	_ = 	snop;
	(pc) =	sbr.ind lr, $3  }
0x3a: {  	_ = 	snop  }
0x3b: {  	_ = 	snop  }
0x3c: {  	p2 =	seq.s32 s10, $0x1;
	s10 =	sld [smem:$0x3FB4]  }
0x3d: {  	_ =	shalt  }
0x3e: {  	_ =	shalt  }
0x3f: {  	_ =	shalt  }
0x40: {  	_ =	shalt  }
0x41: {  	_ =	shalt  }
0x42: {  	_ =	shalt  }
0x43: {  	_ =	shalt  }
0x44: {  	_ =	shalt  }
0x45: {  	_ =	shalt  }
0x46: {  	_ =	shalt  }
0x47: {  	_ =	shalt  }
0x48: {  	_ =	shalt  }
0x49: {  	_ =	shalt  }
0x4a: {  	_ =	shalt  }
0x4b: {  	_ =	shalt  }
0x4c: {  	_ =	shalt  }
0x4d: {  	_ =	shalt  }
0x4e: {  	_ =	shalt  }
0x4f: {  	_ =	shalt  }
0x50: {  	_ =	shalt  }
0x51: {  	_ =	shalt  }
0x52: {  	_ =	shalt  }
0x53: {  	_ =	shalt  }
0x54: {  	_ =	shalt  }
0x55: {  	_ =	shalt  }
0x56: {  	_ =	shalt  }
0x57: {  	_ =	shalt  }
0x58: {  	_ =	shalt  }
0x59: {  	_ =	shalt  }
0x5a: {  	_ =	shalt  }
0x5b: {  	_ =	shalt  }
0x5c: {  	_ =	shalt  }
0x5d: {  	_ =	shalt  }
0x5e: {  	_ =	shalt  }
0x5f: {  	_ =	shalt  }
0x60: {  	_ =	shalt  }
0x61: {  	_ =	shalt  }
0x62: {  	_ =	shalt  }
0x63: {  	_ =	shalt  }
0x64: {  	_ =	shalt  }
0x65: {  	_ =	shalt  }
0x66: {  	_ =	shalt  }
0x67: {  	_ =	shalt  }
0x68: {  	_ =	shalt  }
0x69: {  	_ =	shalt  }
0x6a: {  	_ =	shalt  }
0x6b: {  	_ =	shalt  }
0x6c: {  	_ =	shalt  }
0x6d: {  	_ =	shalt  }
0x6e: {  	_ =	shalt  }
0x6f: {  	_ =	shalt  }
0x70: {  	_ =	shalt  }
0x71: {  	_ =	shalt  }
0x72: {  	_ =	shalt  }
0x73: {  	_ =	shalt  }
0x74: {  	_ =	shalt  }
0x75: {  	_ =	shalt  }
0x76: {  	_ =	shalt  }
0x77: {  	_ =	shalt  }
0x78: {  	_ =	shalt  }
0x79: {  	_ =	shalt  }
0x7a: {  	_ =	shalt  }
0x7b: {  	_ =	shalt  }
0x7c: {  	_ =	shalt  }
0x7d: {  	_ =	shalt  }
0x7e: {  	_ =	shalt  }
0x7f: {  	_ =	shalt  }
0x80: {  	_ =	shalt  }
0x81: {  	_ =	shalt  }
0x82: {  	_ =	shalt  }
0x83: {  	_ =	shalt  }
0x84: {  	_ =	shalt  }
0x85: {  	_ =	shalt  }
0x86: {  	_ =	shalt  }
0x87: {  	_ =	shalt  }
.Lfunc_end0:
.L_simem_size_0:
called_computation_lowered:
.L_overlay_start_0:
0x88: {  	s2 =	sld [smem:$0x3FD9]  }
0x89: {  	s3 =	sld [smem:$0x3FFE];
	_ =	sdelay $0x1  }
0x8a: {  	s1 =	srdreg.scid  }
0x8b: {  	s0 =	sand.u32 $0x1, s1  }
0x8c: {  	s17 =	sshll.u32 s0, $0xA;
	s2 =	sadd.s32 s3, s2  }
0x8d: {  	s2 =	sadd.s32 s2, s17  }
0x8e: {  	[smem:$0x3FC0] =	sst s2  }
0x8f: {  	_ = 	snop  }
0x90: {  	s2 =	sld [smem:$0x3FC8];
	(tm) =	ssettm $0x1  }
0x91: {  	s18 =	sld [smem:$0x3FFB];
	_ =	sdelay $0x3  }
0x92: {  	_ =	strace s18  }
0x93: {  	s3 =	sld [smem:$0x3FFC];
	_ =	sdelay $0x3  }
0x94: {  	_ =	strace s3  }
0x95: {  	s3 =	sld [smem:$0x3FFD];
	_ =	sdelay $0x3  }
0x96: {  	_ =	strace s3  }
0x97: {  	_ =	strace $0x8FFFFFFF  }
0x98: {  	s19 =	sld [smem:$0x3FDB];
	_ =	sdelay $0x1  }
0x99: {  	s4 =	simm.s32 $_scs_section_size  }
0x9a: {  	s5 =	simm.s32 $_size__tile_overlayer_lowered;
	s6 =	simm.s32 $_tile_overlayer_lowered  }
0x9b: {  	s22 =	simm.s32 $0x1BFF;
	s21 =	sshll.u32 s6, $0x1;
	s3 =	sadd.s32 s4, s19  }
0x9c: {  	s7 =	simm.s32 $0x0;
	s20 =	sshll.u32 s5, $0x1;
	s5 =	sadd.s32 s21, s3  }
0x9d: {  	[timem:s7], [sflag:s22] =	dma.local [hbm:s5], s20  }
0x9e: {  	_ =	swait.ge [sflag:s22], s20  }
0x9f: {  	s4 =	ssub.s32 $0x0, s20;
	[sflag:s22] =	ssyncset.done $0x0  }
0xa0: {  	[sflag:s22] =	ssyncadd.s32 s4;
	_ =	sdelay $0x1  }
0xa1: {  	s23 =	simm.s32 $0x1B8B  }
0xa2: {  	_ =	swait.ge [sflag:s23], $0x1  }
0xa3: {  	[sflag:s23] =	ssyncset.done $0x0  }
0xa4: {  	s25 =	simm.s32 $0x1B8E;
	s24 =	sld [smem:$0x3FFE];
	[sflag:s23] =	ssyncadd.s32 $0xFFFFFFFF  }
0xa5: {  	s26 =	simm.s32 $execute0_lowered;
	[smem:$0x3FD2] =	sst s25  }
0xa6: {  	s5 =	sshll.u32 s26, $0x1;
	_ =	strace $0x80000046;
	[dreg:$0x1] =	wrdreg $0xFFFFFFFF  }
0xa7: {  	s28 =	simm.s32 $_size_execute0_lowered;
	s3 =	sadd.s32 s3, s5;
	[dreg:$0x0] =	wrdreg $0x0  }
0xa8: {  	s5 =	sshll.u32 s28, $0x1;
	[dreg:$0x2] =	wrdreg s3  }
0xa9: {  	[dreg:$0x3] =	wrdreg s5  }
0xaa: {  	[dreg:$0x4] =	wrdreg $0xC0  }
0xab: {  	_ =	task [dreg:s7], $0x5FFFF  }
0xac: {  	[dreg:$0x1] =	wrdreg $0xFFFFFFFF  }
0xad: {  	[dreg:$0x0] =	wrdreg $0x60  }
0xae: {  	[dreg:$0x2] =	wrdreg s2  }
0xaf: {  	[dreg:$0x3] =	wrdreg s24  }
0xb0: {  	[dreg:$0x4] =	wrdreg $0x9F000  }
0xb1: {  	[dreg:$0x5] =	wrdreg $0x9  }
0xb2: {  	_ =	task.clear_ibuf [dreg:s7], $0x6FFFF;
	_ =	strace $0x90000046  }
0xb3: {  	s29 =	simm.s32 $0x9;
	_ =	strace $0x80000048  }
0xb4: {  	_ =	swait.ge [sflag:s29], $0x1  }
0xb5: {  	[sflag:s29] =	ssyncadd.s32 $0xFFFFFFFF  }
0xb6: {  	_ =	strace $0x90000048  }
0xb7: {  	_ =	sfence  }
0xb8: {  	s30 =	sld [smem:$0x0];
	_ =	sdelay $0x2  }
0xb9: {  	s31 =	sshll.u32 s1, $0xD;
	s1 =	sshrl.u32 s1, $0x2  }
0xba: {  	s3 =	sand.u32 $0x4000, s31;
	s1 =	sadd.s32 s1, s30  }
0xbb: {  	s0 =	sor.u32 s3, s0;
	s1 =	sshll.u32 s1, $0x11  }
0xbc: {  	s0 =	sor.u32 s1, s0  }
0xbd: {  	s0 =	sadd.s32 $0x8F2B, s0  }
0xbe: {  	[sflag:s0] =	ssyncadd.remote.s32 $0x1  }
0xbf: {  	_ =	sfence.sel $0xFFFF  }
0xc0: {  	[dreg:$0x0] =	wrdreg $0xFFFFFFFF;
	(pc) =	sbr.abs _section_cstart, $3  }
0xc1: {  	[dreg:$0x1] =	wrdreg $0xFFFFFFFF  }
0xc2: {  	_ =	task.clear_ibuf [dreg:s7], $0x2FFFF;
	_ =	strace $0x9FFFFFFF  }
0xc3: {  	(tm) =	ssettm $0x7FFFFFFF  }
tec
execute0_lowered:
.L_overlay_start_1:
0x0: {  	(tag) =	ssettag $0x1  }
0x1: {  	s4 =	rddreg [dreg:$0x0]  }
0x2: {  	s3 =	rddreg [dreg:$0x1]  }
0x3: {  	s6 =	rddreg [dreg:$0x2]  }
0x4: {  	s0 =	rddreg [dreg:$0x3];
	s5 =	srdreg.scid  }
0x5: {  	s1 =	stileid.u32;
	s2 =	simm.s32 $0x0;
	s12 =	simm.s32 $0x400  }
0x6: {  	s13 =	simm.s32 $0x1400;
	s14 =	simm.s32 $0x14000;
	s15 =	simm.s32 $0x7700  }
0x7: {  	s16 =	simm.s32 $0x100;
	s17 =	simm.s32 $0x0;
	s5 =	sand.u32 $0x1, s5  }
0x8: {  	s7 =	smul.u32 $0x500, s1;
	[smem:$0x7FF] =	sst s2;
	s26 =	sshll.u32 s1, $0x1  }
0x9: {  	s11 =	sshrl.u32 s1, $0x3;
	s30 =	smul.u32 $0x5000, s1;
	s31 =	sshll.u32 s1, $0x7  }
0xa: {  	p0 =	sgt.u32 s1, $0x1;
	s8 =	sshll.u32 s5, $0x7;
	_ =	strace $0x80000047  }
0xb: {  	s9 =	ssub.s32 $0x2, s5;
	s5 =	sor.u32 s5, s26;
	s29 =	smul.u32 $0x50000, s11  }
0xc: {  	s11 =	simm.s32 $0x80;
	s7 =	sor.u32 s8, s7;
	s28 =	sshrl.u32 s9, $0x1  }
0xd: {  	s10 =	smul.u32 $0x9C0, s5;
	s5 =	sshll.u32 s5, $0x5;
	s7 =	sshrl.u32 s7, $0x3  }
0xe: {  	s8 =	ssub.s32 s9, s28;
	s9 =	sshrl.u32 s29, $0x2;
	s7 =	sadd.s32 s7, s3  }
0xf: {  	s3 =	sadd.s32 s4, s10;
	s4 =	sadd.s32 s5, s4;
	s5 =	sand.u32 $0x380, s31  }
0x10: {  	s9 =	sadd.s32 s9, s6;
	s10 =	sshrl.u32 s30, $0x2;
	s8 =	smax.u32 s8, $0x1  }
0x11: {  	s4 =	sadd.s32 $0x13800, s4;
	s5 =	sadd.s32 s5, s9;
	s6 =	sadd.s32 s10, s6  }
0x12: {  	v0 =	vimm.f32 $0.0e+00;
	v1 =	vimm.f32 $1.000000000e+00;
	s7 =	sadd.s32 $0x2600, s7;
	s9 =	simm.s32 $0x1;
	s10 =	simm.s32 $0x4F00  }
.LBB2_1:
0x13: {  	[tilespmem:s2], [sflag:$0x1] =	stream.linear.gather [hbm4b:s3+s2], $0x4E00, $0x38;
	[tilespmem:$0xC700] =	vst v63  }
0x14: {  	_ =	swait.ge [sflag:s9], $0x4E00  }
0x15: {  	[sflag:s9] =	ssyncset.done $0x0  }
0x16: {  	s18 =	simm.s32 @!p0 $0x0;
	s19 =	simm.s32 @!p0 $0x4E00;
	[sflag:s9] =	ssyncadd.s32 $0xFFFFB200  }
0x17: {  	[tilespmem:s19], [sflag:$0x1] =	stream.linear.gather @!p0 [hbm4b:s4+s18], $0x100, $0x38;
	[tilespmem:$0xC700] =	vst v63  }
0x18: {  	s18 =	simm.s32 @!p0 $0x1  }
0x19: {  	_ =	swait.ge @!p0 [sflag:s18], $0x100  }
0x1a: {  	[sflag:s18] =	ssyncset.done @!p0 $0x0  }
0x1b: {  	[sflag:s18] =	ssyncadd.s32 @!p0 $0xFFFFFF00;
	s18 =	simm.s32 @!p0 $0x278  }
0x1c: {  	s21 =	simm.s32 $0x0;
	s19 =	simm.s32 $0x40;
	s18 =	simm.s32 @p0 $0x270  }
.LBB2_2:
0x1d: {  	p1 =	sne.s32 s19, $0x9FC0;
	[tilespmem:s21+$0x4F00] =	vst v0;
	s20 =	smov.u32 s19;
	s19 =	sadd.s32 $0x40, s19  }
.Ltmp0:
0x1e: {  	(pc) =	sbr.rel @p1 .LBB2_2-.Ltmp0, $2  }
0x1f: {  	_ =	sdelay $0x2  }
0x20: {  	s21 =	sshra.s32 s20, $0x2  }
0x21: {  	s19 =	simm.s32 $0x0  }
0x22: {  	s20 =	sand.u32 $0x70, s19;
	s22 =	sand.u32 $0xFFFFFF00, s19  }
0x23: {  	[tilespmem:s21+$0x4F00] =	vst v0;
	s22 =	sor.u32 s20, s22  }
0x24: {  	s18 =	sshll.u32 s18, $0x4;
	v2 =	vld [tilespmem:s22+$0x80]  }
0x25: {  	p1 =	sne.s32 s18, $0x10  }
.Ltmp1:
0x26: {  	_ = 	snop;
	(pc) =	sbr.rel @!p1 .LBB2_5-.Ltmp1, $2  }
0x27: {  	_ =	sdelay $0x2  }
0x28: {  	s21 =	simm.s32 $0x10;
	s22 =	simm.s32 $0x20  }
.LBB2_4:
0x29: {  	s23 =	sand.u32 $0x70, s21;
	s24 =	sand.u32 $0xFFFFFF00, s22;
	s21 =	sadd.s32 $0x10, s21  }
0x2a: {  	s23 =	sor.u32 s23, s24;
	p1 =	sne.s32 s18, s21;
	[tilespmem:v2+s10+$0x0] =	vst.idx.add.f32.msk $0xffff, v1  }
0x2b: {  	v2 =	vld [tilespmem:s23+$0x80];
	_ =	sdelay $0x1  }
.Ltmp2:
0x2c: {  	(pc) =	sbr.rel @p1 .LBB2_4-.Ltmp2, $2  }
0x2d: {  	_ =	sdelay $0x2  }
0x2e: {  	s22 =	sadd.s32 $0x20, s22  }
.LBB2_5:
0x2f: {  	_ =	sdelay $0x3  }
0x30: {  	[tilespmem:v2+s10+$0x0] =	vst.idx.add.f32.msk $0xffff, v1;
	s18 =	simm.s32 $0x4F00  }
0x31: {  	[spmem:s5] =	stream.strided.scatter [tilespmem:s18], [sflag:$0x1], $0x2800, s12, s11, $0x38;
	[tilespmem:$0xC700] =	vst v63  }
0x32: {  	_ =	swait.ge [sflag:s9], $0x2800  }
0x33: {  	[sflag:s9] =	ssyncset.done $0x0  }
0x34: {  	[sflag:s9] =	ssyncadd.s32 $0xFFFFD800  }
0x35: {  	[bflag:$0x0] =	sbarrier.arrive $0xFFFF  }
0x36: {  	[tilespmem:s15], [sflag:$0x1] =	stream.strided.gather [spmem:s6], $0x2800, s14, s13, $0x38;
	[tilespmem:$0xC700] =	vst v63  }
0x37: {  	_ =	swait.ge [sflag:s9], $0x2800  }
0x38: {  	s19 =	sand.u32 $0x1C00, s19;
	[sflag:s9] =	ssyncset.done $0x0  }
0x39: {  	s19 =	sor.u32 s20, s19;
	[sflag:s9] =	ssyncadd.s32 $0xFFFFD800  }
0x3a: {  	v2 =	vld [tilespmem:s19+$0x7780]  }
0x3b: {  	v3 =	vld [tilespmem:s19+$0x7700];
	_ =	sdelay $0x1  }
0x3c: {  	v4 =	vld [tilespmem:s19+$0x7800];
	_ =	sdelay $0x1  }
0x3d: {  	v5 =	vld [tilespmem:s19+$0x7880]  }
0x3e: {  	v2 =	vadd.f32 v2, v3  }
0x3f: {  	v3 =	vld [tilespmem:s19+$0x7900]  }
0x40: {  	v2 =	vadd.f32 v4, v2  }
0x41: {  	v56 =	vld [tilespmem:s19+$0x7980]  }
0x42: {  	v2 =	vadd.f32 v5, v2  }
0x43: {  	v57 =	vld [tilespmem:s19+$0x7A00]  }
0x44: {  	v2 =	vadd.f32 v3, v2  }
0x45: {  	v3 =	vld [tilespmem:s19+$0x7A80]  }
0x46: {  	v2 =	vadd.f32 v56, v2  }
0x47: {  	v58 =	vld [tilespmem:s19+$0x8B00]  }
0x48: {  	v2 =	vadd.f32 v57, v2  }
0x49: {  	v59 =	vld [tilespmem:s19+$0x8B80]  }
0x4a: {  	v2 =	vadd.f32 v3, v2  }
0x4b: {  	v3 =	vld [tilespmem:s19+$0x8C00]  }
0x4c: {  	v2 =	vadd.f32 v58, v2  }
0x4d: {  	v60 =	vld [tilespmem:s19+$0x8C80]  }
0x4e: {  	v2 =	vadd.f32 v59, v2  }
0x4f: {  	v61 =	vld [tilespmem:s19+$0x8D00]  }
0x50: {  	v2 =	vadd.f32 v3, v2  }
0x51: {  	v3 =	vld [tilespmem:s19+$0x8D80]  }
0x52: {  	v2 =	vadd.f32 v60, v2  }
0x53: {  	v62 =	vld [tilespmem:s19+$0x8E00]  }
0x54: {  	v2 =	vadd.f32 v61, v2  }
0x55: {  	v63 =	vld [tilespmem:s19+$0x8E80]  }
0x56: {  	v2 =	vadd.f32 v3, v2;
	_ =	sdelay $0x1  }
0x57: {  	v2 =	vadd.f32 v62, v2;
	_ =	sdelay $0x1  }
0x58: {  	s31 =	simm.s32 $0x10;
	s20 =	simm.s32 $0x80;
	v2 =	vadd.f32 v63, v2  }
0x59: {  	s21 =	sand.u32 $0x1C00, s20;
	s19 =	sand.u32 $0x70, s31  }
0x5a: {  	s19 =	sor.u32 s19, s21;
	s21 =	simm.s32 $0x20;
	[tilespmem:s18+$0x0] =	vst v2  }
.LBB2_6:
0x5b: {  	p1 =	sne.s32 s21, $0x270;
	v2 =	vld [tilespmem:s19+$0x7780]  }
0x5c: {  	v3 =	vld [tilespmem:s19+$0x7700];
	_ =	sdelay $0x1  }
0x5d: {  	v4 =	vld [tilespmem:s19+$0x7800];
	_ =	sdelay $0x1  }
0x5e: {  	v5 =	vld [tilespmem:s19+$0x7880]  }
0x5f: {  	v2 =	vadd.f32 v2, v3  }
0x60: {  	v3 =	vld [tilespmem:s19+$0x7900]  }
0x61: {  	v2 =	vadd.f32 v4, v2  }
0x62: {  	v4 =	vld [tilespmem:s19+$0x7980]  }
0x63: {  	v2 =	vadd.f32 v5, v2  }
0x64: {  	v5 =	vld [tilespmem:s19+$0x7A00]  }
0x65: {  	v2 =	vadd.f32 v3, v2  }
0x66: {  	v3 =	vld [tilespmem:s19+$0x7A80]  }
0x67: {  	v2 =	vadd.f32 v4, v2  }
0x68: {  	v4 =	vld [tilespmem:s19+$0x8B00]  }
0x69: {  	v2 =	vadd.f32 v5, v2  }
0x6a: {  	v5 =	vld [tilespmem:s19+$0x8B80]  }
0x6b: {  	v2 =	vadd.f32 v3, v2  }
0x6c: {  	v3 =	vld [tilespmem:s19+$0x8C00]  }
0x6d: {  	v2 =	vadd.f32 v4, v2  }
0x6e: {  	v4 =	vld [tilespmem:s19+$0x8C80]  }
0x6f: {  	v2 =	vadd.f32 v5, v2  }
0x70: {  	v5 =	vld [tilespmem:s19+$0x8D00]  }
0x71: {  	v2 =	vadd.f32 v3, v2  }
0x72: {  	v3 =	vld [tilespmem:s19+$0x8D80]  }
0x73: {  	v2 =	vadd.f32 v4, v2  }
0x74: {  	v4 =	vld [tilespmem:s19+$0x8E00]  }
0x75: {  	v2 =	vadd.f32 v5, v2  }
0x76: {  	v5 =	vld [tilespmem:s19+$0x8E80]  }
0x77: {  	v2 =	vadd.f32 v3, v2;
	_ =	sdelay $0x1  }
.Ltmp3:
0x78: {  	v2 =	vadd.f32 v4, v2;
	(pc) =	sbr.rel @p1 .LBB2_6-.Ltmp3, $4  }
0x79: {  	_ = 	snop  }
0x7a: {  	s20 =	sadd.s32 $0x80, s20;
	v2 =	vadd.f32 v5, v2  }
0x7b: {  	s18 =	sadd.s32 $0x10, s18;
	s22 =	sand.u32 $0x1C00, s20;
	s19 =	sand.u32 $0x70, s21  }
0x7c: {  	s21 =	sadd.s32 $0x10, s21;
	s19 =	sor.u32 s19, s22;
	[tilespmem:s18+$0x0] =	vst v2  }
0x7d: {  	v2 =	vld [tilespmem:s19+$0x7780]  }
0x7e: {  	v3 =	vld [tilespmem:s19+$0x7700];
	_ =	sdelay $0x1  }
0x7f: {  	v4 =	vld [tilespmem:s19+$0x7800];
	_ =	sdelay $0x1  }
0x80: {  	v5 =	vld [tilespmem:s19+$0x7880]  }
0x81: {  	v2 =	vadd.f32 v2, v3  }
0x82: {  	v3 =	vld [tilespmem:s19+$0x7900]  }
0x83: {  	v2 =	vadd.f32 v4, v2  }
0x84: {  	v56 =	vld [tilespmem:s19+$0x7980]  }
0x85: {  	v2 =	vadd.f32 v5, v2  }
0x86: {  	v57 =	vld [tilespmem:s19+$0x7A00]  }
0x87: {  	v2 =	vadd.f32 v3, v2  }
0x88: {  	v3 =	vld [tilespmem:s19+$0x7A80]  }
0x89: {  	v2 =	vadd.f32 v56, v2  }
0x8a: {  	v58 =	vld [tilespmem:s19+$0x8B00]  }
0x8b: {  	v2 =	vadd.f32 v57, v2  }
0x8c: {  	v59 =	vld [tilespmem:s19+$0x8B80]  }
0x8d: {  	v2 =	vadd.f32 v3, v2  }
0x8e: {  	v3 =	vld [tilespmem:s19+$0x8C00]  }
0x8f: {  	v2 =	vadd.f32 v58, v2  }
0x90: {  	v60 =	vld [tilespmem:s19+$0x8C80]  }
0x91: {  	v2 =	vadd.f32 v59, v2  }
0x92: {  	v61 =	vld [tilespmem:s19+$0x8D00]  }
0x93: {  	v2 =	vadd.f32 v3, v2  }
0x94: {  	v3 =	vld [tilespmem:s19+$0x8D80]  }
0x95: {  	v2 =	vadd.f32 v60, v2  }
0x96: {  	v62 =	vld [tilespmem:s19+$0x8E00]  }
0x97: {  	v2 =	vadd.f32 v61, v2  }
0x98: {  	v63 =	vld [tilespmem:s19+$0x8E80]  }
0x99: {  	v2 =	vadd.f32 v3, v2;
	_ =	sdelay $0x1  }
0x9a: {  	v2 =	vadd.f32 v62, v2;
	_ =	sdelay $0x1  }
0x9b: {  	s17 =	sadd.s32 $0x1, s17;
	v2 =	vadd.f32 v63, v2  }
0x9c: {  	s18 =	sadd.s32 $0x10, s18;
	p1 =	sne.s32 s17, s8  }
.Ltmp4:
0x9d: {  	[tilespmem:s18+$0x0] =	vst v2;
	(pc) =	sbr.rel @p1 .LBB2_1-.Ltmp4, $4  }
0x9e: {  	[hbm4b:s7+s11] =	stream.strided.scatter [tilespmem:s10], [sflag:$0x1], $0x280, s16, s11, $0x38;
	[tilespmem:$0xC700] =	vst v63  }
0x9f: {  	_ =	swait.ge [sflag:s9], $0x280  }
0xa0: {  	[sflag:s9] =	ssyncset.done $0x0  }
0xa1: {  	[sflag:s9] =	ssyncadd.s32 $0xFFFFFD80  }
0xa2: {  	_ =	sfence.sel $0x180000  }
0xa3: {  	[bflag:$0x0] =	sbarrier.arrive $0xFFFF  }
0xa4: {  	p0 =	sne.s32 s1, $0x0;
	_ =	strace $0x90000047  }
0xa5: {  	s0 =	sadd.s32 @!p0 $0x100000, s0;
	[bflag:$0x2] =	sbarrier.arrive $0xFFFF  }
0xa6: {  	[sflag:s0] =	ssyncadd.tile.s32 @!p0 $0x1;
	_ =	shalt  }
.Lfunc_end2:
_tile_overlayer_lowered:
.L_overlay_start_2:
0xa7: {  	(tag) =	ssettag $0x2  }
0xa8: {  	s0 =	rddreg [dreg:$0x0];
	s2 =	stileid.u32  }
0xa9: {  	s1 =	rddreg [dreg:$0x1];
	p0 =	sne.s32 s2, $0x0  }
0xaa: {  	s3 =	rddreg [dreg:$0x2];
	[bflag:$0x3] =	sbarrier.arrive $0xFFFF;
	s2 =	simm.s32 @!p0 $0x1C01  }
0xab: {  	[timem:s3], [sflag:s2] =	dma.local @!p0 [hbm:s0], s1  }
0xac: {  	s0 =	simm.s32 @!p0 $0x1  }
0xad: {  	_ =	swait.ge @!p0 [sflag:s0], s1  }
0xae: {  	s1 =	ssub.s32 @!p0 $0x0, s1;
	[sflag:s0] =	ssyncset.done @!p0 $0x0  }
0xaf: {  	[sflag:s0] =	ssyncadd.s32 @!p0 s1  }
0xb0: {  	[bflag:$0x3] =	sbarrier.arrive $0xFFFF  }
0xb1: {  	_ =	shalt  }

</sc_bundles>
